<compile_context>
chip_gen: v7x
topology: tpu7x:2x2x1
jax: 0.10.2.dev20260603
libtpu: 0.0.44.dev20260713+nightly
codegen_flags: <defaults>
</compile_context>

<pallas_src>
import functools

import jax
import jax.numpy as jnp
from jax import lax
from jax.experimental import pallas as pl
from jax.experimental.pallas import tpu as pltpu
import jax.experimental.pallas.tpu_sc as plsc

_NC = 2
_NS = 16
_NW = _NC * _NS
_L = 16

_N = 10000
_E = 320000
_D = 128

_CH = 128
_EP = 327680
_CHUNKS = _EP // _CH
_CPT = _CHUNKS // _NW

_NR = 10240
_SEG = _NR // _NS
_RCH = 32

_HCH = 128
_HCPT = _EP // _HCH // _NW
_HSEG = _NR // _NS

_BR = 1000


def _sc_mesh():
  return plsc.VectorSubcoreMesh(
      core_axis_name="c", subcore_axis_name="s",
      num_cores=_NC, num_subcores=_NS)


def _hist_body(dstp_hbm, out_hbm, db0, db1, ones_v, zbuf_v, acc_sh,
               is0, is1):
  cid = lax.axis_index("c")
  sid = lax.axis_index("s")
  wid = sid * _NC + cid
  base = wid * _HCPT * _HCH

  dbs = (db0, db1)
  isems = (is0, is1)

  for j in range(_HCH // _L):
    ones_v[pl.ds(j * _L, _L)] = jnp.ones((_L,), jnp.float32)
  for j in range(_HSEG // _L):
    zbuf_v[pl.ds(j * _L, _L)] = jnp.zeros((_L,), jnp.float32)
  pltpu.sync_copy(zbuf_v, acc_sh.at[pl.ds(sid * _HSEG, _HSEG)])
  plsc.subcore_barrier()

  for k in range(2):
    pltpu.async_copy(dstp_hbm.at[pl.ds(base + k * _HCH, _HCH)], dbs[k],
                     isems[k])

  def step(m, carry):
    for j in range(2):
      k = m * 2 + j
      pltpu.make_async_copy(dstp_hbm.at[pl.ds(0, _HCH)], dbs[j],
                            isems[j]).wait()
      pltpu.sync_copy(ones_v, acc_sh.at[dbs[j]], add=True)

      @pl.when(k + 2 < _HCPT)
      def _():
        pltpu.async_copy(dstp_hbm.at[pl.ds(base + (k + 2) * _HCH, _HCH)],
                         dbs[j], isems[j])
    return carry

  lax.fori_loop(0, _HCPT // 2, step, 0)
  plsc.subcore_barrier()

  pltpu.sync_copy(acc_sh.at[pl.ds(sid * _HSEG, _HSEG)],
                  out_hbm.at[cid, pl.ds(sid * _HSEG, _HSEG)])


_hist_call = functools.partial(
    pl.kernel,
    out_type=jax.ShapeDtypeStruct((_NC, _NR), jnp.float32),
    mesh=_sc_mesh(),
    scratch_types=[
        pltpu.VMEM((_HCH,), jnp.int32),
        pltpu.VMEM((_HCH,), jnp.int32),
        pltpu.VMEM((_HCH,), jnp.float32),
        pltpu.VMEM((_HSEG,), jnp.float32),
        pltpu.VMEM_SHARED((_NR,), jnp.float32),
        pltpu.SemaphoreType.DMA,
        pltpu.SemaphoreType.DMA,
    ],
)


def _agg_body(pr_hbm, ei_hbm, out_hbm,
              eb0, eb1, eb2, eb3, rows0, rows1, bnc_v, acc_sh,
              es0, es1, es2, es3, gs0, gs1):
  cid = lax.axis_index("c")
  sid = lax.axis_index("s")
  wid = sid * _NC + cid
  base = wid * _CPT

  ebs = (eb0, eb1, eb2, eb3)
  rows = (rows0, rows1)
  esems = (es0, es1, es2, es3)
  gsems = (gs0, gs1)

  def zrow(r, carry):
    for j in range(_D // _L):
      bnc_v[r, pl.ds(j * _L, _L)] = jnp.zeros((_L,), jnp.float32)
    return carry

  lax.fori_loop(0, _RCH, zrow, 0)
  for t in range(_SEG // _RCH):
    pltpu.sync_copy(bnc_v, acc_sh.at[pl.ds(sid * _SEG + t * _RCH, _RCH)])
  plsc.subcore_barrier()

  def fetch_idx(k, slot):
    pltpu.async_copy(ei_hbm.at[base + k], ebs[slot], esems[slot])

  for k in range(3):
    fetch_idx(k, k)

  def step(m, carry):
    for j in range(4):
      k = m * 4 + j
      b = j & 1
      pltpu.make_async_copy(ei_hbm.at[0], ebs[j], esems[j]).wait()
      pltpu.async_copy(pr_hbm.at[ebs[j].at[0]], rows[b], gsems[b])

      pj = (j - 1) & 3

      def scat():
        pltpu.make_async_copy(pr_hbm.at[ebs[pj].at[0]], rows[1 - b],
                              gsems[1 - b]).wait()
        pltpu.sync_copy(rows[1 - b], acc_sh.at[ebs[pj].at[1]], add=True)

      if j == 0:
        @pl.when(k > 0)
        def _():
          scat()
      else:
        scat()

      @pl.when(k + 3 < _CPT)
      def _():
        fetch_idx(k + 3, pj)
    return carry

  lax.fori_loop(0, _CPT // 4, step, 0)

  pltpu.make_async_copy(pr_hbm.at[ebs[3].at[0]], rows[1], gsems[1]).wait()
  pltpu.sync_copy(rows[1], acc_sh.at[ebs[3].at[1]], add=True)
  plsc.subcore_barrier()

  pltpu.sync_copy(acc_sh.at[pl.ds(sid * _SEG, _SEG)],
                  out_hbm.at[cid, pl.ds(sid * _SEG, _SEG)])


_agg_call = functools.partial(
    pl.kernel,
    out_type=jax.ShapeDtypeStruct((_NC, _NR, _D), jnp.float32),
    mesh=_sc_mesh(),
    scratch_types=[
        pltpu.VMEM((2, _CH), jnp.int32),
        pltpu.VMEM((2, _CH), jnp.int32),
        pltpu.VMEM((2, _CH), jnp.int32),
        pltpu.VMEM((2, _CH), jnp.int32),
        pltpu.VMEM((_CH, _D), jnp.float32),
        pltpu.VMEM((_CH, _D), jnp.float32),
        pltpu.VMEM((_RCH, _D), jnp.float32),
        pltpu.VMEM_SHARED((_NR, _D), jnp.float32),
        pltpu.SemaphoreType.DMA,
        pltpu.SemaphoreType.DMA,
        pltpu.SemaphoreType.DMA,
        pltpu.SemaphoreType.DMA,
        pltpu.SemaphoreType.DMA,
        pltpu.SemaphoreType.DMA,
    ],
)


def _dinv(deg_ref):
  deg = deg_ref[:, 0:1] + deg_ref[:, 1:2] + 1.0
  return lax.rsqrt(jnp.maximum(deg, 1.0))


def _scat_sum(s_ref):
  return s_ref[0, :, :] + s_ref[1, :, :]


def _pre_body(deg_ref, x_ref, w_ref, p_ref):
  g = jnp.dot(x_ref[...], w_ref[...], preferred_element_type=jnp.float32)
  p_ref[...] = g * _dinv(deg_ref)


def _mid_body(deg_ref, s_ref, p_ref, b_ref, w_ref, o_ref):
  dinv = _dinv(deg_ref)
  agg = (_scat_sum(s_ref) + p_ref[...]) * dinv
  h = jnp.maximum(agg + b_ref[...], 0.0)
  o_ref[...] = jnp.dot(h, w_ref[...], preferred_element_type=jnp.float32) * dinv


def _post_body(deg_ref, s_ref, p_ref, b_ref, w_ref, bc_ref, o_ref):
  dinv = _dinv(deg_ref)
  h = (_scat_sum(s_ref) + p_ref[...]) * dinv + b_ref[...]
  o_ref[...] = (
      jnp.dot(h, w_ref[...], preferred_element_type=jnp.float32) + bc_ref[...])


def _tc_pre(deg2, x, w1):
  grid = (_N // _BR,)
  return pl.pallas_call(
      _pre_body,
      grid=grid,
      in_specs=[
          pl.BlockSpec((_BR, _NC), lambda i: (i, 0)),
          pl.BlockSpec((_BR, _D), lambda i: (i, 0)),
          pl.BlockSpec((_D, _D), lambda i: (0, 0)),
      ],
      out_specs=pl.BlockSpec((_BR, _D), lambda i: (i, 0)),
      out_shape=jax.ShapeDtypeStruct((_N, _D), jnp.float32),
  )(deg2, x, w1)


def _tc_mid(deg2, s, p, b, w2):
  grid = (_N // _BR,)
  return pl.pallas_call(
      _mid_body,
      grid=grid,
      in_specs=[
          pl.BlockSpec((_BR, _NC), lambda i: (i, 0)),
          pl.BlockSpec((_NC, _BR, _D), lambda i: (0, i, 0)),
          pl.BlockSpec((_BR, _D), lambda i: (i, 0)),
          pl.BlockSpec((1, _D), lambda i: (0, 0)),
          pl.BlockSpec((_D, _D), lambda i: (0, 0)),
      ],
      out_specs=pl.BlockSpec((_BR, _D), lambda i: (i, 0)),
      out_shape=jax.ShapeDtypeStruct((_N, _D), jnp.float32),
  )(deg2, s, p, b, w2)


def _tc_post(deg2, s, p, b, wc, bc, out_w):
  grid = (_N // _BR,)
  return pl.pallas_call(
      _post_body,
      grid=grid,
      in_specs=[
          pl.BlockSpec((_BR, _NC), lambda i: (i, 0)),
          pl.BlockSpec((_NC, _BR, _D), lambda i: (0, i, 0)),
          pl.BlockSpec((_BR, _D), lambda i: (i, 0)),
          pl.BlockSpec((1, _D), lambda i: (0, 0)),
          pl.BlockSpec((_D, out_w), lambda i: (0, 0)),
          pl.BlockSpec((1, out_w), lambda i: (0, 0)),
      ],
      out_specs=pl.BlockSpec((_BR, out_w), lambda i: (i, 0)),
      out_shape=jax.ShapeDtypeStruct((_N, out_w), jnp.float32),
  )(deg2, s, p, b, wc, bc)


def kernel(x, edge_index, W1, b1, W2, b2, Wc, bc):
  src = edge_index[0]
  dst = edge_index[1]

  pad = _EP - _E
  pio = jnp.arange(pad, dtype=jnp.int32)
  srcp = jnp.concatenate([src, pio & 8191])
  dstp = jnp.concatenate([dst, _N + pio % (_NR - _N)])
  ei = jnp.stack([srcp.reshape(_CHUNKS, _CH), dstp.reshape(_CHUNKS, _CH)],
                 axis=1)

  deg_parts = _hist_call(_hist_body)(dstp)
  deg2 = jnp.transpose(deg_parts)

  agg = _agg_call(_agg_body)

  p1 = _tc_pre(deg2, x, W1)
  s1 = agg(p1, ei)
  p2 = _tc_mid(deg2, s1, p1, b1.reshape(1, _D), W2)
  s2 = agg(p2, ei)
  out = _tc_post(deg2, s2, p2, b2.reshape(1, _D), Wc,
                 bc.reshape(1, -1), Wc.shape[1])
  return out

# --- scband reference (transcript-rebuilt; emitter-appended) ---
"""Pipeline reference for scband-gnn-55954833932762 (READ-ONLY COPY).

The authoritative reference and input builder live on the scoring server;
editing this copy changes nothing except your own understanding.
"""

import jax, jax.numpy as jnp
import numpy as np

N = 10000
E = 320000
D = 128
H = 128
OUT = 70


def setup_inputs(seed: int = 0) -> dict:
    key = jax.random.key(seed)
    ks = jax.random.split(key, 8)
    x = jax.random.normal(ks[0], (N, D), dtype=jnp.float32)
    edge_index = jax.random.randint(ks[1], (2, E), 0, N, dtype=jnp.int32)
    W1 = jax.random.normal(ks[2], (D, H), dtype=jnp.float32) * (1.0 / np.sqrt(D))
    b1 = jnp.zeros((H,), dtype=jnp.float32)
    W2 = jax.random.normal(ks[3], (H, H), dtype=jnp.float32) * (1.0 / np.sqrt(H))
    b2 = jnp.zeros((H,), dtype=jnp.float32)
    Wc = jax.random.normal(ks[4], (H, OUT), dtype=jnp.float32) * (1.0 / np.sqrt(H))
    bc = jnp.zeros((OUT,), dtype=jnp.float32)
    return {"x": x, "edge_index": edge_index, "W1": W1, "b1": b1, "W2": W2, "b2": b2, "Wc": Wc, "bc": bc}


def _gcn_layer(h, src, dst, norm, W, b):
    h = h @ W
    msg = jnp.take(h, src, axis=0) * norm[:, None]
    agg = jax.ops.segment_sum(msg, dst, num_segments=N)
    return agg + b


def reference(x, edge_index, W1, b1, W2, b2, Wc, bc):
    src = edge_index[0]
    dst = edge_index[1]
    loops = jnp.arange(N, dtype=src.dtype)
    src = jnp.concatenate([src, loops])
    dst = jnp.concatenate([dst, loops])
    deg = jax.ops.segment_sum(jnp.ones_like(src, dtype=jnp.float32), dst, num_segments=N)
    dinv = jax.lax.rsqrt(jnp.clip(deg, 1.0))
    norm = jnp.take(dinv, src) * jnp.take(dinv, dst)
    h = _gcn_layer(x, src, dst, norm, W1, b1)
    h = jax.nn.relu(h)
    h = _gcn_layer(h, src, dst, norm, W2, b2)  # last_activation=False -> no relu
    out = h @ Wc + bc
    return out

if __name__ == "__main__":
    import jax
    _d = setup_inputs()
    print(jax.jit(kernel)(*tuple(_d.values())))

</pallas_src>

<mosaic_0001>
#map = affine_map<(d0, d1) -> (0)>
#map1 = affine_map<(d0, d1) -> (0, 0)>
module attributes {stable_mosaic.version = 14 : i64} {
  func.func @_hist_body(%arg0: i32, %arg1: i32, %arg2: memref<327680xi32, #tpu.memory_space<hbm>>, %arg3: memref<2x10240xf32, #tpu.memory_space<hbm>>, %arg4: memref<128xi32, #tpu.memory_space<vmem>>, %arg5: memref<128xi32, #tpu.memory_space<vmem>>, %arg6: memref<128xf32, #tpu.memory_space<vmem>>, %arg7: memref<640xf32, #tpu.memory_space<vmem>>, %arg8: memref<10240xf32, #tpu.memory_space<vmem_shared>>, %arg9: memref<!tpu.dma_semaphore, #tpu.memory_space<semaphore_mem>>, %arg10: memref<!tpu.dma_semaphore, #tpu.memory_space<semaphore_mem>>) attributes {dimension_semantics = [#tpu.dimension_semantics<core_parallel>, #tpu.dimension_semantics<subcore_parallel>], iteration_bounds = array<i64: 2, 16>, scalar_prefetch = 0 : i64, scratch_operands = 7 : i64, tpu.core_type = #tpu.core_type<sc_vector_subcore>, window_params = [{transform_indices = #map}, {transform_indices = #map1}]} {
    %mul3A = arith.constant 2 : i32
    %mul3A_0 = arith.muli %arg1, %mul3A : i32
    %add3A = arith.addi %mul3A_0, %arg0 : i32
    %mul3A_1 = arith.constant 80 : i32
    %mul3A_2 = arith.muli %add3A, %mul3A_1 : i32
    %mul3A_3 = arith.constant 128 : i32
    %mul3A_4 = arith.muli %mul3A_2, %mul3A_3 : i32
    %broadcast_in_dim3A = arith.constant 1.000000e+00 : f32
    %broadcast_in_dim3A_5 = vector.broadcast %broadcast_in_dim3A : f32 to vector<16xf32>
    %swap3A = arith.constant 0 : index
    %swap3A_6 = tpu.vector_load %arg6[%swap3A] {strides = array<i32>} : memref<128xf32, #tpu.memory_space<vmem>>, vector<16xf32>,
    %swap3A_7 = vector.shape_cast %swap3A_6 : vector<16xf32> to vector<16xf32>
    %swap3A_8 = vector.shape_cast %broadcast_in_dim3A_5 : vector<16xf32> to vector<16xf32>
    tpu.vector_store %arg6[%swap3A], %swap3A_8 {strides = array<i32>} : memref<128xf32, #tpu.memory_space<vmem>>, vector<16xf32>,
    %broadcast_in_dim3A_9 = arith.constant 1.000000e+00 : f32
    %broadcast_in_dim3A_10 = vector.broadcast %broadcast_in_dim3A_9 : f32 to vector<16xf32>
    %swap3A_11 = arith.constant 16 : index
    %swap3A_12 = tpu.vector_load %arg6[%swap3A_11] {strides = array<i32>} : memref<128xf32, #tpu.memory_space<vmem>>, vector<16xf32>,
    %swap3A_13 = vector.shape_cast %swap3A_12 : vector<16xf32> to vector<16xf32>
    %swap3A_14 = vector.shape_cast %broadcast_in_dim3A_10 : vector<16xf32> to vector<16xf32>
    tpu.vector_store %arg6[%swap3A_11], %swap3A_14 {strides = array<i32>} : memref<128xf32, #tpu.memory_space<vmem>>, vector<16xf32>,
    %broadcast_in_dim3A_15 = arith.constant 1.000000e+00 : f32
    %broadcast_in_dim3A_16 = vector.broadcast %broadcast_in_dim3A_15 : f32 to vector<16xf32>
    %swap3A_17 = arith.constant 32 : index
    %swap3A_18 = tpu.vector_load %arg6[%swap3A_17] {strides = array<i32>} : memref<128xf32, #tpu.memory_space<vmem>>, vector<16xf32>,
    %swap3A_19 = vector.shape_cast %swap3A_18 : vector<16xf32> to vector<16xf32>
    %swap3A_20 = vector.shape_cast %broadcast_in_dim3A_16 : vector<16xf32> to vector<16xf32>
    tpu.vector_store %arg6[%swap3A_17], %swap3A_20 {strides = array<i32>} : memref<128xf32, #tpu.memory_space<vmem>>, vector<16xf32>,
    %broadcast_in_dim3A_21 = arith.constant 1.000000e+00 : f32
    %broadcast_in_dim3A_22 = vector.broadcast %broadcast_in_dim3A_21 : f32 to vector<16xf32>
    %swap3A_23 = arith.constant 48 : index
    %swap3A_24 = tpu.vector_load %arg6[%swap3A_23] {strides = array<i32>} : memref<128xf32, #tpu.memory_space<vmem>>, vector<16xf32>,
    %swap3A_25 = vector.shape_cast %swap3A_24 : vector<16xf32> to vector<16xf32>
    %swap3A_26 = vector.shape_cast %broadcast_in_dim3A_22 : vector<16xf32> to vector<16xf32>
    tpu.vector_store %arg6[%swap3A_23], %swap3A_26 {strides = array<i32>} : memref<128xf32, #tpu.memory_space<vmem>>, vector<16xf32>,
    %broadcast_in_dim3A_27 = arith.constant 1.000000e+00 : f32
    %broadcast_in_dim3A_28 = vector.broadcast %broadcast_in_dim3A_27 : f32 to vector<16xf32>
    %swap3A_29 = arith.constant 64 : index
    %swap3A_30 = tpu.vector_load %arg6[%swap3A_29] {strides = array<i32>} : memref<128xf32, #tpu.memory_space<vmem>>, vector<16xf32>,
    %swap3A_31 = vector.shape_cast %swap3A_30 : vector<16xf32> to vector<16xf32>
    %swap3A_32 = vector.shape_cast %broadcast_in_dim3A_28 : vector<16xf32> to vector<16xf32>
    tpu.vector_store %arg6[%swap3A_29], %swap3A_32 {strides = array<i32>} : memref<128xf32, #tpu.memory_space<vmem>>, vector<16xf32>,
    %broadcast_in_dim3A_33 = arith.constant 1.000000e+00 : f32
    %broadcast_in_dim3A_34 = vector.broadcast %broadcast_in_dim3A_33 : f32 to vector<16xf32>
    %swap3A_35 = arith.constant 80 : index
    %swap3A_36 = tpu.vector_load %arg6[%swap3A_35] {strides = array<i32>} : memref<128xf32, #tpu.memory_space<vmem>>, vector<16xf32>,
    %swap3A_37 = vector.shape_cast %swap3A_36 : vector<16xf32> to vector<16xf32>
    %swap3A_38 = vector.shape_cast %broadcast_in_dim3A_34 : vector<16xf32> to vector<16xf32>
    tpu.vector_store %arg6[%swap3A_35], %swap3A_38 {strides = array<i32>} : memref<128xf32, #tpu.memory_space<vmem>>, vector<16xf32>,
    %broadcast_in_dim3A_39 = arith.constant 1.000000e+00 : f32
    %broadcast_in_dim3A_40 = vector.broadcast %broadcast_in_dim3A_39 : f32 to vector<16xf32>
    %swap3A_41 = arith.constant 96 : index
    %swap3A_42 = tpu.vector_load %arg6[%swap3A_41] {strides = array<i32>} : memref<128xf32, #tpu.memory_space<vmem>>, vector<16xf32>,
    %swap3A_43 = vector.shape_cast %swap3A_42 : vector<16xf32> to vector<16xf32>
    %swap3A_44 = vector.shape_cast %broadcast_in_dim3A_40 : vector<16xf32> to vector<16xf32>
    tpu.vector_store %arg6[%swap3A_41], %swap3A_44 {strides = array<i32>} : memref<128xf32, #tpu.memory_space<vmem>>, vector<16xf32>,
    %broadcast_in_dim3A_45 = arith.constant 1.000000e+00 : f32
    %broadcast_in_dim3A_46 = vector.broadcast %broadcast_in_dim3A_45 : f32 to vector<16xf32>
    %swap3A_47 = arith.constant 112 : index
    %swap3A_48 = tpu.vector_load %arg6[%swap3A_47] {strides = array<i32>} : memref<128xf32, #tpu.memory_space<vmem>>, vector<16xf32>,
    %swap3A_49 = vector.shape_cast %swap3A_48 : vector<16xf32> to vector<16xf32>
    %swap3A_50 = vector.shape_cast %broadcast_in_dim3A_46 : vector<16xf32> to vector<16xf32>
    tpu.vector_store %arg6[%swap3A_47], %swap3A_50 {strides = array<i32>} : memref<128xf32, #tpu.memory_space<vmem>>, vector<16xf32>,
    %broadcast_in_dim3A_51 = arith.constant 0.000000e+00 : f32
    %broadcast_in_dim3A_52 = vector.broadcast %broadcast_in_dim3A_51 : f32 to vector<16xf32>
    %swap3A_53 = arith.constant 0 : index
    %swap3A_54 = tpu.vector_load %arg7[%swap3A_53] {strides = array<i32>} : memref<640xf32, #tpu.memory_space<vmem>>, vector<16xf32>,
    %swap3A_55 = vector.shape_cast %swap3A_54 : vector<16xf32> to vector<16xf32>
    %swap3A_56 = vector.shape_cast %broadcast_in_dim3A_52 : vector<16xf32> to vector<16xf32>
    tpu.vector_store %arg7[%swap3A_53], %swap3A_56 {strides = array<i32>} : memref<640xf32, #tpu.memory_space<vmem>>, vector<16xf32>,
    %broadcast_in_dim3A_57 = arith.constant 0.000000e+00 : f32
    %broadcast_in_dim3A_58 = vector.broadcast %broadcast_in_dim3A_57 : f32 to vector<16xf32>
    %swap3A_59 = arith.constant 16 : index
    %swap3A_60 = tpu.vector_load %arg7[%swap3A_59] {strides = array<i32>} : memref<640xf32, #tpu.memory_space<vmem>>, vector<16xf32>,
    %swap3A_61 = vector.shape_cast %swap3A_60 : vector<16xf32> to vector<16xf32>
    %swap3A_62 = vector.shape_cast %broadcast_in_dim3A_58 : vector<16xf32> to vector<16xf32>
    tpu.vector_store %arg7[%swap3A_59], %swap3A_62 {strides = array<i32>} : memref<640xf32, #tpu.memory_space<vmem>>, vector<16xf32>,
    %broadcast_in_dim3A_63 = arith.constant 0.000000e+00 : f32
    %broadcast_in_dim3A_64 = vector.broadcast %broadcast_in_dim3A_63 : f32 to vector<16xf32>
    %swap3A_65 = arith.constant 32 : index
    %swap3A_66 = tpu.vector_load %arg7[%swap3A_65] {strides = array<i32>} : memref<640xf32, #tpu.memory_space<vmem>>, vector<16xf32>,
    %swap3A_67 = vector.shape_cast %swap3A_66 : vector<16xf32> to vector<16xf32>
    %swap3A_68 = vector.shape_cast %broadcast_in_dim3A_64 : vector<16xf32> to vector<16xf32>
    tpu.vector_store %arg7[%swap3A_65], %swap3A_68 {strides = array<i32>} : memref<640xf32, #tpu.memory_space<vmem>>, vector<16xf32>,
    %broadcast_in_dim3A_69 = arith.constant 0.000000e+00 : f32
    %broadcast_in_dim3A_70 = vector.broadcast %broadcast_in_dim3A_69 : f32 to vector<16xf32>
    %swap3A_71 = arith.constant 48 : index
    %swap3A_72 = tpu.vector_load %arg7[%swap3A_71] {strides = array<i32>} : memref<640xf32, #tpu.memory_space<vmem>>, vector<16xf32>,
    %swap3A_73 = vector.shape_cast %swap3A_72 : vector<16xf32> to vector<16xf32>
    %swap3A_74 = vector.shape_cast %broadcast_in_dim3A_70 : vector<16xf32> to vector<16xf32>
    tpu.vector_store %arg7[%swap3A_71], %swap3A_74 {strides = array<i32>} : memref<640xf32, #tpu.memory_space<vmem>>, vector<16xf32>,
    %broadcast_in_dim3A_75 = arith.constant 0.000000e+00 : f32
    %broadcast_in_dim3A_76 = vector.broadcast %broadcast_in_dim3A_75 : f32 to vector<16xf32>
    %swap3A_77 = arith.constant 64 : index
    %swap3A_78 = tpu.vector_load %arg7[%swap3A_77] {strides = array<i32>} : memref<640xf32, #tpu.memory_space<vmem>>, vector<16xf32>,
    %swap3A_79 = vector.shape_cast %swap3A_78 : vector<16xf32> to vector<16xf32>
    %swap3A_80 = vector.shape_cast %broadcast_in_dim3A_76 : vector<16xf32> to vector<16xf32>
    tpu.vector_store %arg7[%swap3A_77], %swap3A_80 {strides = array<i32>} : memref<640xf32, #tpu.memory_space<vmem>>, vector<16xf32>,
    %broadcast_in_dim3A_81 = arith.constant 0.000000e+00 : f32
    %broadcast_in_dim3A_82 = vector.broadcast %broadcast_in_dim3A_81 : f32 to vector<16xf32>
    %swap3A_83 = arith.constant 80 : index
    %swap3A_84 = tpu.vector_load %arg7[%swap3A_83] {strides = array<i32>} : memref<640xf32, #tpu.memory_space<vmem>>, vector<16xf32>,
    %swap3A_85 = vector.shape_cast %swap3A_84 : vector<16xf32> to vector<16xf32>
    %swap3A_86 = vector.shape_cast %broadcast_in_dim3A_82 : vector<16xf32> to vector<16xf32>
    tpu.vector_store %arg7[%swap3A_83], %swap3A_86 {strides = array<i32>} : memref<640xf32, #tpu.memory_space<vmem>>, vector<16xf32>,
    %broadcast_in_dim3A_87 = arith.constant 0.000000e+00 : f32
    %broadcast_in_dim3A_88 = vector.broadcast %broadcast_in_dim3A_87 : f32 to vector<16xf32>
    %swap3A_89 = arith.constant 96 : index
    %swap3A_90 = tpu.vector_load %arg7[%swap3A_89] {strides = array<i32>} : memref<640xf32, #tpu.memory_space<vmem>>, vector<16xf32>,
    %swap3A_91 = vector.shape_cast %swap3A_90 : vector<16xf32> to vector<16xf32>
    %swap3A_92 = vector.shape_cast %broadcast_in_dim3A_88 : vector<16xf32> to vector<16xf32>
    tpu.vector_store %arg7[%swap3A_89], %swap3A_92 {strides = array<i32>} : memref<640xf32, #tpu.memory_space<vmem>>, vector<16xf32>,
    %broadcast_in_dim3A_93 = arith.constant 0.000000e+00 : f32
    %broadcast_in_dim3A_94 = vector.broadcast %broadcast_in_dim3A_93 : f32 to vector<16xf32>
    %swap3A_95 = arith.constant 112 : index
    %swap3A_96 = tpu.vector_load %arg7[%swap3A_95] {strides = array<i32>} : memref<640xf32, #tpu.memory_space<vmem>>, vector<16xf32>,
    %swap3A_97 = vector.shape_cast %swap3A_96 : vector<16xf32> to vector<16xf32>
    %swap3A_98 = vector.shape_cast %broadcast_in_dim3A_94 : vector<16xf32> to vector<16xf32>
    tpu.vector_store %arg7[%swap3A_95], %swap3A_98 {strides = array<i32>} : memref<640xf32, #tpu.memory_space<vmem>>, vector<16xf32>,
    %broadcast_in_dim3A_99 = arith.constant 0.000000e+00 : f32
    %broadcast_in_dim3A_100 = vector.broadcast %broadcast_in_dim3A_99 : f32 to vector<16xf32>
    %swap3A_101 = arith.constant 128 : index
    %swap3A_102 = tpu.vector_load %arg7[%swap3A_101] {strides = array<i32>} : memref<640xf32, #tpu.memory_space<vmem>>, vector<16xf32>,
    %swap3A_103 = vector.shape_cast %swap3A_102 : vector<16xf32> to vector<16xf32>
    %swap3A_104 = vector.shape_cast %broadcast_in_dim3A_100 : vector<16xf32> to vector<16xf32>
    tpu.vector_store %arg7[%swap3A_101], %swap3A_104 {strides = array<i32>} : memref<640xf32, #tpu.memory_space<vmem>>, vector<16xf32>,
    %broadcast_in_dim3A_105 = arith.constant 0.000000e+00 : f32
    %broadcast_in_dim3A_106 = vector.broadcast %broadcast_in_dim3A_105 : f32 to vector<16xf32>
    %swap3A_107 = arith.constant 144 : index
    %swap3A_108 = tpu.vector_load %arg7[%swap3A_107] {strides = array<i32>} : memref<640xf32, #tpu.memory_space<vmem>>, vector<16xf32>,
    %swap3A_109 = vector.shape_cast %swap3A_108 : vector<16xf32> to vector<16xf32>
    %swap3A_110 = vector.shape_cast %broadcast_in_dim3A_106 : vector<16xf32> to vector<16xf32>
    tpu.vector_store %arg7[%swap3A_107], %swap3A_110 {strides = array<i32>} : memref<640xf32, #tpu.memory_space<vmem>>, vector<16xf32>,
    %broadcast_in_dim3A_111 = arith.constant 0.000000e+00 : f32
    %broadcast_in_dim3A_112 = vector.broadcast %broadcast_in_dim3A_111 : f32 to vector<16xf32>
    %swap3A_113 = arith.constant 160 : index
    %swap3A_114 = tpu.vector_load %arg7[%swap3A_113] {strides = array<i32>} : memref<640xf32, #tpu.memory_space<vmem>>, vector<16xf32>,
    %swap3A_115 = vector.shape_cast %swap3A_114 : vector<16xf32> to vector<16xf32>
    %swap3A_116 = vector.shape_cast %broadcast_in_dim3A_112 : vector<16xf32> to vector<16xf32>
    tpu.vector_store %arg7[%swap3A_113], %swap3A_116 {strides = array<i32>} : memref<640xf32, #tpu.memory_space<vmem>>, vector<16xf32>,
    %broadcast_in_dim3A_117 = arith.constant 0.000000e+00 : f32
    %broadcast_in_dim3A_118 = vector.broadcast %broadcast_in_dim3A_117 : f32 to vector<16xf32>
    %swap3A_119 = arith.constant 176 : index
    %swap3A_120 = tpu.vector_load %arg7[%swap3A_119] {strides = array<i32>} : memref<640xf32, #tpu.memory_space<vmem>>, vector<16xf32>,
    %swap3A_121 = vector.shape_cast %swap3A_120 : vector<16xf32> to vector<16xf32>
    %swap3A_122 = vector.shape_cast %broadcast_in_dim3A_118 : vector<16xf32> to vector<16xf32>
    tpu.vector_store %arg7[%swap3A_119], %swap3A_122 {strides = array<i32>} : memref<640xf32, #tpu.memory_space<vmem>>, vector<16xf32>,
    %broadcast_in_dim3A_123 = arith.constant 0.000000e+00 : f32
    %broadcast_in_dim3A_124 = vector.broadcast %broadcast_in_dim3A_123 : f32 to vector<16xf32>
    %swap3A_125 = arith.constant 192 : index
    %swap3A_126 = tpu.vector_load %arg7[%swap3A_125] {strides = array<i32>} : memref<640xf32, #tpu.memory_space<vmem>>, vector<16xf32>,
    %swap3A_127 = vector.shape_cast %swap3A_126 : vector<16xf32> to vector<16xf32>
    %swap3A_128 = vector.shape_cast %broadcast_in_dim3A_124 : vector<16xf32> to vector<16xf32>
    tpu.vector_store %arg7[%swap3A_125], %swap3A_128 {strides = array<i32>} : memref<640xf32, #tpu.memory_space<vmem>>, vector<16xf32>,
    %broadcast_in_dim3A_129 = arith.constant 0.000000e+00 : f32
    %broadcast_in_dim3A_130 = vector.broadcast %broadcast_in_dim3A_129 : f32 to vector<16xf32>
    %swap3A_131 = arith.constant 208 : index
    %swap3A_132 = tpu.vector_load %arg7[%swap3A_131] {strides = array<i32>} : memref<640xf32, #tpu.memory_space<vmem>>, vector<16xf32>,
    %swap3A_133 = vector.shape_cast %swap3A_132 : vector<16xf32> to vector<16xf32>
    %swap3A_134 = vector.shape_cast %broadcast_in_dim3A_130 : vector<16xf32> to vector<16xf32>
    tpu.vector_store %arg7[%swap3A_131], %swap3A_134 {strides = array<i32>} : memref<640xf32, #tpu.memory_space<vmem>>, vector<16xf32>,
    %broadcast_in_dim3A_135 = arith.constant 0.000000e+00 : f32
    %broadcast_in_dim3A_136 = vector.broadcast %broadcast_in_dim3A_135 : f32 to vector<16xf32>
    %swap3A_137 = arith.constant 224 : index
    %swap3A_138 = tpu.vector_load %arg7[%swap3A_137] {strides = array<i32>} : memref<640xf32, #tpu.memory_space<vmem>>, vector<16xf32>,
    %swap3A_139 = vector.shape_cast %swap3A_138 : vector<16xf32> to vector<16xf32>
    %swap3A_140 = vector.shape_cast %broadcast_in_dim3A_136 : vector<16xf32> to vector<16xf32>
    tpu.vector_store %arg7[%swap3A_137], %swap3A_140 {strides = array<i32>} : memref<640xf32, #tpu.memory_space<vmem>>, vector<16xf32>,
    %broadcast_in_dim3A_141 = arith.constant 0.000000e+00 : f32
    %broadcast_in_dim3A_142 = vector.broadcast %broadcast_in_dim3A_141 : f32 to vector<16xf32>
    %swap3A_143 = arith.constant 240 : index
    %swap3A_144 = tpu.vector_load %arg7[%swap3A_143] {strides = array<i32>} : memref<640xf32, #tpu.memory_space<vmem>>, vector<16xf32>,
    %swap3A_145 = vector.shape_cast %swap3A_144 : vector<16xf32> to vector<16xf32>
    %swap3A_146 = vector.shape_cast %broadcast_in_dim3A_142 : vector<16xf32> to vector<16xf32>
    tpu.vector_store %arg7[%swap3A_143], %swap3A_146 {strides = array<i32>} : memref<640xf32, #tpu.memory_space<vmem>>, vector<16xf32>,
    %broadcast_in_dim3A_147 = arith.constant 0.000000e+00 : f32
    %broadcast_in_dim3A_148 = vector.broadcast %broadcast_in_dim3A_147 : f32 to vector<16xf32>
    %swap3A_149 = arith.constant 256 : index
    %swap3A_150 = tpu.vector_load %arg7[%swap3A_149] {strides = array<i32>} : memref<640xf32, #tpu.memory_space<vmem>>, vector<16xf32>,
    %swap3A_151 = vector.shape_cast %swap3A_150 : vector<16xf32> to vector<16xf32>
    %swap3A_152 = vector.shape_cast %broadcast_in_dim3A_148 : vector<16xf32> to vector<16xf32>
    tpu.vector_store %arg7[%swap3A_149], %swap3A_152 {strides = array<i32>} : memref<640xf32, #tpu.memory_space<vmem>>, vector<16xf32>,
    %broadcast_in_dim3A_153 = arith.constant 0.000000e+00 : f32
    %broadcast_in_dim3A_154 = vector.broadcast %broadcast_in_dim3A_153 : f32 to vector<16xf32>
    %swap3A_155 = arith.constant 272 : index
    %swap3A_156 = tpu.vector_load %arg7[%swap3A_155] {strides = array<i32>} : memref<640xf32, #tpu.memory_space<vmem>>, vector<16xf32>,
    %swap3A_157 = vector.shape_cast %swap3A_156 : vector<16xf32> to vector<16xf32>
    %swap3A_158 = vector.shape_cast %broadcast_in_dim3A_154 : vector<16xf32> to vector<16xf32>
    tpu.vector_store %arg7[%swap3A_155], %swap3A_158 {strides = array<i32>} : memref<640xf32, #tpu.memory_space<vmem>>, vector<16xf32>,
    %broadcast_in_dim3A_159 = arith.constant 0.000000e+00 : f32
    %broadcast_in_dim3A_160 = vector.broadcast %broadcast_in_dim3A_159 : f32 to vector<16xf32>
    %swap3A_161 = arith.constant 288 : index
    %swap3A_162 = tpu.vector_load %arg7[%swap3A_161] {strides = array<i32>} : memref<640xf32, #tpu.memory_space<vmem>>, vector<16xf32>,
    %swap3A_163 = vector.shape_cast %swap3A_162 : vector<16xf32> to vector<16xf32>
    %swap3A_164 = vector.shape_cast %broadcast_in_dim3A_160 : vector<16xf32> to vector<16xf32>
    tpu.vector_store %arg7[%swap3A_161], %swap3A_164 {strides = array<i32>} : memref<640xf32, #tpu.memory_space<vmem>>, vector<16xf32>,
    %broadcast_in_dim3A_165 = arith.constant 0.000000e+00 : f32
    %broadcast_in_dim3A_166 = vector.broadcast %broadcast_in_dim3A_165 : f32 to vector<16xf32>
    %swap3A_167 = arith.constant 304 : index
    %swap3A_168 = tpu.vector_load %arg7[%swap3A_167] {strides = array<i32>} : memref<640xf32, #tpu.memory_space<vmem>>, vector<16xf32>,
    %swap3A_169 = vector.shape_cast %swap3A_168 : vector<16xf32> to vector<16xf32>
    %swap3A_170 = vector.shape_cast %broadcast_in_dim3A_166 : vector<16xf32> to vector<16xf32>
    tpu.vector_store %arg7[%swap3A_167], %swap3A_170 {strides = array<i32>} : memref<640xf32, #tpu.memory_space<vmem>>, vector<16xf32>,
    %broadcast_in_dim3A_171 = arith.constant 0.000000e+00 : f32
    %broadcast_in_dim3A_172 = vector.broadcast %broadcast_in_dim3A_171 : f32 to vector<16xf32>
    %swap3A_173 = arith.constant 320 : index
    %swap3A_174 = tpu.vector_load %arg7[%swap3A_173] {strides = array<i32>} : memref<640xf32, #tpu.memory_space<vmem>>, vector<16xf32>,
    %swap3A_175 = vector.shape_cast %swap3A_174 : vector<16xf32> to vector<16xf32>
    %swap3A_176 = vector.shape_cast %broadcast_in_dim3A_172 : vector<16xf32> to vector<16xf32>
    tpu.vector_store %arg7[%swap3A_173], %swap3A_176 {strides = array<i32>} : memref<640xf32, #tpu.memory_space<vmem>>, vector<16xf32>,
    %broadcast_in_dim3A_177 = arith.constant 0.000000e+00 : f32
    %broadcast_in_dim3A_178 = vector.broadcast %broadcast_in_dim3A_177 : f32 to vector<16xf32>
    %swap3A_179 = arith.constant 336 : index
    %swap3A_180 = tpu.vector_load %arg7[%swap3A_179] {strides = array<i32>} : memref<640xf32, #tpu.memory_space<vmem>>, vector<16xf32>,
    %swap3A_181 = vector.shape_cast %swap3A_180 : vector<16xf32> to vector<16xf32>
    %swap3A_182 = vector.shape_cast %broadcast_in_dim3A_178 : vector<16xf32> to vector<16xf32>
    tpu.vector_store %arg7[%swap3A_179], %swap3A_182 {strides = array<i32>} : memref<640xf32, #tpu.memory_space<vmem>>, vector<16xf32>,
    %broadcast_in_dim3A_183 = arith.constant 0.000000e+00 : f32
    %broadcast_in_dim3A_184 = vector.broadcast %broadcast_in_dim3A_183 : f32 to vector<16xf32>
    %swap3A_185 = arith.constant 352 : index
    %swap3A_186 = tpu.vector_load %arg7[%swap3A_185] {strides = array<i32>} : memref<640xf32, #tpu.memory_space<vmem>>, vector<16xf32>,
    %swap3A_187 = vector.shape_cast %swap3A_186 : vector<16xf32> to vector<16xf32>
    %swap3A_188 = vector.shape_cast %broadcast_in_dim3A_184 : vector<16xf32> to vector<16xf32>
    tpu.vector_store %arg7[%swap3A_185], %swap3A_188 {strides = array<i32>} : memref<640xf32, #tpu.memory_space<vmem>>, vector<16xf32>,
    %broadcast_in_dim3A_189 = arith.constant 0.000000e+00 : f32
    %broadcast_in_dim3A_190 = vector.broadcast %broadcast_in_dim3A_189 : f32 to vector<16xf32>
    %swap3A_191 = arith.constant 368 : index
    %swap3A_192 = tpu.vector_load %arg7[%swap3A_191] {strides = array<i32>} : memref<640xf32, #tpu.memory_space<vmem>>, vector<16xf32>,
    %swap3A_193 = vector.shape_cast %swap3A_192 : vector<16xf32> to vector<16xf32>
    %swap3A_194 = vector.shape_cast %broadcast_in_dim3A_190 : vector<16xf32> to vector<16xf32>
    tpu.vector_store %arg7[%swap3A_191], %swap3A_194 {strides = array<i32>} : memref<640xf32, #tpu.memory_space<vmem>>, vector<16xf32>,
    %broadcast_in_dim3A_195 = arith.constant 0.000000e+00 : f32
    %broadcast_in_dim3A_196 = vector.broadcast %broadcast_in_dim3A_195 : f32 to vector<16xf32>
    %swap3A_197 = arith.constant 384 : index
    %swap3A_198 = tpu.vector_load %arg7[%swap3A_197] {strides = array<i32>} : memref<640xf32, #tpu.memory_space<vmem>>, vector<16xf32>,
    %swap3A_199 = vector.shape_cast %swap3A_198 : vector<16xf32> to vector<16xf32>
    %swap3A_200 = vector.shape_cast %broadcast_in_dim3A_196 : vector<16xf32> to vector<16xf32>
    tpu.vector_store %arg7[%swap3A_197], %swap3A_200 {strides = array<i32>} : memref<640xf32, #tpu.memory_space<vmem>>, vector<16xf32>,
    %broadcast_in_dim3A_201 = arith.constant 0.000000e+00 : f32
    %broadcast_in_dim3A_202 = vector.broadcast %broadcast_in_dim3A_201 : f32 to vector<16xf32>
    %swap3A_203 = arith.constant 400 : index
    %swap3A_204 = tpu.vector_load %arg7[%swap3A_203] {strides = array<i32>} : memref<640xf32, #tpu.memory_space<vmem>>, vector<16xf32>,
    %swap3A_205 = vector.shape_cast %swap3A_204 : vector<16xf32> to vector<16xf32>
    %swap3A_206 = vector.shape_cast %broadcast_in_dim3A_202 : vector<16xf32> to vector<16xf32>
    tpu.vector_store %arg7[%swap3A_203], %swap3A_206 {strides = array<i32>} : memref<640xf32, #tpu.memory_space<vmem>>, vector<16xf32>,
    %broadcast_in_dim3A_207 = arith.constant 0.000000e+00 : f32
    %broadcast_in_dim3A_208 = vector.broadcast %broadcast_in_dim3A_207 : f32 to vector<16xf32>
    %swap3A_209 = arith.constant 416 : index
    %swap3A_210 = tpu.vector_load %arg7[%swap3A_209] {strides = array<i32>} : memref<640xf32, #tpu.memory_space<vmem>>, vector<16xf32>,
    %swap3A_211 = vector.shape_cast %swap3A_210 : vector<16xf32> to vector<16xf32>
    %swap3A_212 = vector.shape_cast %broadcast_in_dim3A_208 : vector<16xf32> to vector<16xf32>
    tpu.vector_store %arg7[%swap3A_209], %swap3A_212 {strides = array<i32>} : memref<640xf32, #tpu.memory_space<vmem>>, vector<16xf32>,
    %broadcast_in_dim3A_213 = arith.constant 0.000000e+00 : f32
    %broadcast_in_dim3A_214 = vector.broadcast %broadcast_in_dim3A_213 : f32 to vector<16xf32>
    %swap3A_215 = arith.constant 432 : index
    %swap3A_216 = tpu.vector_load %arg7[%swap3A_215] {strides = array<i32>} : memref<640xf32, #tpu.memory_space<vmem>>, vector<16xf32>,
    %swap3A_217 = vector.shape_cast %swap3A_216 : vector<16xf32> to vector<16xf32>
    %swap3A_218 = vector.shape_cast %broadcast_in_dim3A_214 : vector<16xf32> to vector<16xf32>
    tpu.vector_store %arg7[%swap3A_215], %swap3A_218 {strides = array<i32>} : memref<640xf32, #tpu.memory_space<vmem>>, vector<16xf32>,
    %broadcast_in_dim3A_219 = arith.constant 0.000000e+00 : f32
    %broadcast_in_dim3A_220 = vector.broadcast %broadcast_in_dim3A_219 : f32 to vector<16xf32>
    %swap3A_221 = arith.constant 448 : index
    %swap3A_222 = tpu.vector_load %arg7[%swap3A_221] {strides = array<i32>} : memref<640xf32, #tpu.memory_space<vmem>>, vector<16xf32>,
    %swap3A_223 = vector.shape_cast %swap3A_222 : vector<16xf32> to vector<16xf32>
    %swap3A_224 = vector.shape_cast %broadcast_in_dim3A_220 : vector<16xf32> to vector<16xf32>
    tpu.vector_store %arg7[%swap3A_221], %swap3A_224 {strides = array<i32>} : memref<640xf32, #tpu.memory_space<vmem>>, vector<16xf32>,
    %broadcast_in_dim3A_225 = arith.constant 0.000000e+00 : f32
    %broadcast_in_dim3A_226 = vector.broadcast %broadcast_in_dim3A_225 : f32 to vector<16xf32>
    %swap3A_227 = arith.constant 464 : index
    %swap3A_228 = tpu.vector_load %arg7[%swap3A_227] {strides = array<i32>} : memref<640xf32, #tpu.memory_space<vmem>>, vector<16xf32>,
    %swap3A_229 = vector.shape_cast %swap3A_228 : vector<16xf32> to vector<16xf32>
    %swap3A_230 = vector.shape_cast %broadcast_in_dim3A_226 : vector<16xf32> to vector<16xf32>
    tpu.vector_store %arg7[%swap3A_227], %swap3A_230 {strides = array<i32>} : memref<640xf32, #tpu.memory_space<vmem>>, vector<16xf32>,
    %broadcast_in_dim3A_231 = arith.constant 0.000000e+00 : f32
    %broadcast_in_dim3A_232 = vector.broadcast %broadcast_in_dim3A_231 : f32 to vector<16xf32>
    %swap3A_233 = arith.constant 480 : index
    %swap3A_234 = tpu.vector_load %arg7[%swap3A_233] {strides = array<i32>} : memref<640xf32, #tpu.memory_space<vmem>>, vector<16xf32>,
    %swap3A_235 = vector.shape_cast %swap3A_234 : vector<16xf32> to vector<16xf32>
    %swap3A_236 = vector.shape_cast %broadcast_in_dim3A_232 : vector<16xf32> to vector<16xf32>
    tpu.vector_store %arg7[%swap3A_233], %swap3A_236 {strides = array<i32>} : memref<640xf32, #tpu.memory_space<vmem>>, vector<16xf32>,
    %broadcast_in_dim3A_237 = arith.constant 0.000000e+00 : f32
    %broadcast_in_dim3A_238 = vector.broadcast %broadcast_in_dim3A_237 : f32 to vector<16xf32>
    %swap3A_239 = arith.constant 496 : index
    %swap3A_240 = tpu.vector_load %arg7[%swap3A_239] {strides = array<i32>} : memref<640xf32, #tpu.memory_space<vmem>>, vector<16xf32>,
    %swap3A_241 = vector.shape_cast %swap3A_240 : vector<16xf32> to vector<16xf32>
    %swap3A_242 = vector.shape_cast %broadcast_in_dim3A_238 : vector<16xf32> to vector<16xf32>
    tpu.vector_store %arg7[%swap3A_239], %swap3A_242 {strides = array<i32>} : memref<640xf32, #tpu.memory_space<vmem>>, vector<16xf32>,
    %broadcast_in_dim3A_243 = arith.constant 0.000000e+00 : f32
    %broadcast_in_dim3A_244 = vector.broadcast %broadcast_in_dim3A_243 : f32 to vector<16xf32>
    %swap3A_245 = arith.constant 512 : index
    %swap3A_246 = tpu.vector_load %arg7[%swap3A_245] {strides = array<i32>} : memref<640xf32, #tpu.memory_space<vmem>>, vector<16xf32>,
    %swap3A_247 = vector.shape_cast %swap3A_246 : vector<16xf32> to vector<16xf32>
    %swap3A_248 = vector.shape_cast %broadcast_in_dim3A_244 : vector<16xf32> to vector<16xf32>
    tpu.vector_store %arg7[%swap3A_245], %swap3A_248 {strides = array<i32>} : memref<640xf32, #tpu.memory_space<vmem>>, vector<16xf32>,
    %broadcast_in_dim3A_249 = arith.constant 0.000000e+00 : f32
    %broadcast_in_dim3A_250 = vector.broadcast %broadcast_in_dim3A_249 : f32 to vector<16xf32>
    %swap3A_251 = arith.constant 528 : index
    %swap3A_252 = tpu.vector_load %arg7[%swap3A_251] {strides = array<i32>} : memref<640xf32, #tpu.memory_space<vmem>>, vector<16xf32>,
    %swap3A_253 = vector.shape_cast %swap3A_252 : vector<16xf32> to vector<16xf32>
    %swap3A_254 = vector.shape_cast %broadcast_in_dim3A_250 : vector<16xf32> to vector<16xf32>
    tpu.vector_store %arg7[%swap3A_251], %swap3A_254 {strides = array<i32>} : memref<640xf32, #tpu.memory_space<vmem>>, vector<16xf32>,
    %broadcast_in_dim3A_255 = arith.constant 0.000000e+00 : f32
    %broadcast_in_dim3A_256 = vector.broadcast %broadcast_in_dim3A_255 : f32 to vector<16xf32>
    %swap3A_257 = arith.constant 544 : index
    %swap3A_258 = tpu.vector_load %arg7[%swap3A_257] {strides = array<i32>} : memref<640xf32, #tpu.memory_space<vmem>>, vector<16xf32>,
    %swap3A_259 = vector.shape_cast %swap3A_258 : vector<16xf32> to vector<16xf32>
    %swap3A_260 = vector.shape_cast %broadcast_in_dim3A_256 : vector<16xf32> to vector<16xf32>
    tpu.vector_store %arg7[%swap3A_257], %swap3A_260 {strides = array<i32>} : memref<640xf32, #tpu.memory_space<vmem>>, vector<16xf32>,
    %broadcast_in_dim3A_261 = arith.constant 0.000000e+00 : f32
    %broadcast_in_dim3A_262 = vector.broadcast %broadcast_in_dim3A_261 : f32 to vector<16xf32>
    %swap3A_263 = arith.constant 560 : index
    %swap3A_264 = tpu.vector_load %arg7[%swap3A_263] {strides = array<i32>} : memref<640xf32, #tpu.memory_space<vmem>>, vector<16xf32>,
    %swap3A_265 = vector.shape_cast %swap3A_264 : vector<16xf32> to vector<16xf32>
    %swap3A_266 = vector.shape_cast %broadcast_in_dim3A_262 : vector<16xf32> to vector<16xf32>
    tpu.vector_store %arg7[%swap3A_263], %swap3A_266 {strides = array<i32>} : memref<640xf32, #tpu.memory_space<vmem>>, vector<16xf32>,
    %broadcast_in_dim3A_267 = arith.constant 0.000000e+00 : f32
    %broadcast_in_dim3A_268 = vector.broadcast %broadcast_in_dim3A_267 : f32 to vector<16xf32>
    %swap3A_269 = arith.constant 576 : index
    %swap3A_270 = tpu.vector_load %arg7[%swap3A_269] {strides = array<i32>} : memref<640xf32, #tpu.memory_space<vmem>>, vector<16xf32>,
    %swap3A_271 = vector.shape_cast %swap3A_270 : vector<16xf32> to vector<16xf32>
    %swap3A_272 = vector.shape_cast %broadcast_in_dim3A_268 : vector<16xf32> to vector<16xf32>
    tpu.vector_store %arg7[%swap3A_269], %swap3A_272 {strides = array<i32>} : memref<640xf32, #tpu.memory_space<vmem>>, vector<16xf32>,
    %broadcast_in_dim3A_273 = arith.constant 0.000000e+00 : f32
    %broadcast_in_dim3A_274 = vector.broadcast %broadcast_in_dim3A_273 : f32 to vector<16xf32>
    %swap3A_275 = arith.constant 592 : index
    %swap3A_276 = tpu.vector_load %arg7[%swap3A_275] {strides = array<i32>} : memref<640xf32, #tpu.memory_space<vmem>>, vector<16xf32>,
    %swap3A_277 = vector.shape_cast %swap3A_276 : vector<16xf32> to vector<16xf32>
    %swap3A_278 = vector.shape_cast %broadcast_in_dim3A_274 : vector<16xf32> to vector<16xf32>
    tpu.vector_store %arg7[%swap3A_275], %swap3A_278 {strides = array<i32>} : memref<640xf32, #tpu.memory_space<vmem>>, vector<16xf32>,
    %broadcast_in_dim3A_279 = arith.constant 0.000000e+00 : f32
    %broadcast_in_dim3A_280 = vector.broadcast %broadcast_in_dim3A_279 : f32 to vector<16xf32>
    %swap3A_281 = arith.constant 608 : index
    %swap3A_282 = tpu.vector_load %arg7[%swap3A_281] {strides = array<i32>} : memref<640xf32, #tpu.memory_space<vmem>>, vector<16xf32>,
    %swap3A_283 = vector.shape_cast %swap3A_282 : vector<16xf32> to vector<16xf32>
    %swap3A_284 = vector.shape_cast %broadcast_in_dim3A_280 : vector<16xf32> to vector<16xf32>
    tpu.vector_store %arg7[%swap3A_281], %swap3A_284 {strides = array<i32>} : memref<640xf32, #tpu.memory_space<vmem>>, vector<16xf32>,
    %broadcast_in_dim3A_285 = arith.constant 0.000000e+00 : f32
    %broadcast_in_dim3A_286 = vector.broadcast %broadcast_in_dim3A_285 : f32 to vector<16xf32>
    %swap3A_287 = arith.constant 624 : index
    %swap3A_288 = tpu.vector_load %arg7[%swap3A_287] {strides = array<i32>} : memref<640xf32, #tpu.memory_space<vmem>>, vector<16xf32>,
    %swap3A_289 = vector.shape_cast %swap3A_288 : vector<16xf32> to vector<16xf32>
    %swap3A_290 = vector.shape_cast %broadcast_in_dim3A_286 : vector<16xf32> to vector<16xf32>
    tpu.vector_store %arg7[%swap3A_287], %swap3A_290 {strides = array<i32>} : memref<640xf32, #tpu.memory_space<vmem>>, vector<16xf32>,
    %mul3A_291 = arith.constant 640 : i32
    %mul3A_292 = arith.muli %arg1, %mul3A_291 : i32
    "tpu.region"() ({
      %run_scoped3A = tpu.sem_alloc : memref<!tpu.dma_semaphore, #tpu.memory_space<semaphore_mem>>
      %dma_start3A_310 = tpu.memref_slice %arg8[%mul3A_292] : memref<10240xf32, #tpu.memory_space<vmem_shared>> -> memref<640xf32, #tpu.memory_space<vmem_shared>>
      %dma_start3A_311 = tpu.memref_slice %arg8[%mul3A_292] : memref<10240xf32, #tpu.memory_space<vmem_shared>> -> memref<640xf32, #tpu.memory_space<vmem_shared>>
      tpu.enqueue_dma source(%arg7 : memref<640xf32, #tpu.memory_space<vmem>>) target(%dma_start3A_311 : memref<640xf32, #tpu.memory_space<vmem_shared>>) target_semaphore(%run_scoped3A : memref<!tpu.dma_semaphore, #tpu.memory_space<semaphore_mem>>)
      %dma_wait3A = tpu.memref_slice %arg8[%mul3A_292] : memref<10240xf32, #tpu.memory_space<vmem_shared>> -> memref<640xf32, #tpu.memory_space<vmem_shared>>
      %dma_wait3A_312 = tpu.memref_slice %arg8[%mul3A_292] : memref<10240xf32, #tpu.memory_space<vmem_shared>> -> memref<640xf32, #tpu.memory_space<vmem_shared>>
      tpu.wait_dma2 semaphore(%run_scoped3A : memref<!tpu.dma_semaphore, #tpu.memory_space<semaphore_mem>>) src(%arg7 : memref<640xf32, #tpu.memory_space<vmem>>) dst(%dma_wait3A_312 : memref<640xf32, #tpu.memory_space<vmem_shared>>)
      tpu.yield
    }) : () -> ()
    %barrier3A = arith.constant 0 : index
    tpu.barrier barrier_id(%barrier3A)
    %add3A_293 = arith.constant 0 : i32
    %add3A_294 = arith.addi %mul3A_4, %add3A_293 : i32
    %dma_start3A = tpu.memref_slice %arg2[%add3A_294] : memref<327680xi32, #tpu.memory_space<hbm>> -> memref<128xi32, #tpu.memory_space<hbm>>
    %dma_start3A_295 = tpu.memref_slice %arg2[%add3A_294] : memref<327680xi32, #tpu.memory_space<hbm>> -> memref<128xi32, #tpu.memory_space<hbm>>
    tpu.enqueue_dma source(%dma_start3A_295 : memref<128xi32, #tpu.memory_space<hbm>>) target(%arg4 : memref<128xi32, #tpu.memory_space<vmem>>) target_semaphore(%arg9 : memref<!tpu.dma_semaphore, #tpu.memory_space<semaphore_mem>>)
    %add3A_296 = arith.constant 128 : i32
    %add3A_297 = arith.addi %mul3A_4, %add3A_296 : i32
    %dma_start3A_298 = tpu.memref_slice %arg2[%add3A_297] : memref<327680xi32, #tpu.memory_space<hbm>> -> memref<128xi32, #tpu.memory_space<hbm>>
    %dma_start3A_299 = tpu.memref_slice %arg2[%add3A_297] : memref<327680xi32, #tpu.memory_space<hbm>> -> memref<128xi32, #tpu.memory_space<hbm>>
    tpu.enqueue_dma source(%dma_start3A_299 : memref<128xi32, #tpu.memory_space<hbm>>) target(%arg5 : memref<128xi32, #tpu.memory_space<vmem>>) target_semaphore(%arg10 : memref<!tpu.dma_semaphore, #tpu.memory_space<semaphore_mem>>)
    %scan3A = arith.constant 0 : i32
    %scan3A_300 = arith.constant 0 : i32
    %scan3A_301 = arith.constant 40 : i32
    %scan3A_302 = arith.addi %scan3A_300, %scan3A_301 : i32
    %scan3A_303 = arith.constant 1 : i32
    scf.for %scan3A_310 = %scan3A_300 to %scan3A_302 step %scan3A_303  : i32 {
      %mul3A_311 = arith.constant 2 : i32
      %mul3A_312 = arith.muli %scan3A_310, %mul3A_311 : i32
      %add3A_313 = arith.constant 0 : i32
      %add3A_314 = arith.addi %mul3A_312, %add3A_313 : i32
      %dma_wait3A = arith.constant 0 : i32
      %dma_wait3A_315 = tpu.memref_slice %arg2[%dma_wait3A] : memref<327680xi32, #tpu.memory_space<hbm>> -> memref<128xi32, #tpu.memory_space<hbm>>
      %dma_wait3A_316 = arith.constant 0 : i32
      %dma_wait3A_317 = tpu.memref_slice %arg2[%dma_wait3A_316] : memref<327680xi32, #tpu.memory_space<hbm>> -> memref<128xi32, #tpu.memory_space<hbm>>
      tpu.wait_dma2 semaphore(%arg9 : memref<!tpu.dma_semaphore, #tpu.memory_space<semaphore_mem>>) src(%dma_wait3A_317 : memref<128xi32, #tpu.memory_space<hbm>>) dst(%arg4 : memref<128xi32, #tpu.memory_space<vmem>>)
      "tpu.region"() ({
        %run_scoped3A = tpu.sem_alloc : memref<!tpu.dma_semaphore, #tpu.memory_space<semaphore_mem>>
        %dma_start3A_337 = arith.constant 0 : i32
        %dma_start3A_338 = tpu.memref_slice %arg8[%dma_start3A_337] : memref<10240xf32, #tpu.memory_space<vmem_shared>> -> memref<10240xf32, #tpu.memory_space<vmem_shared>>
        tpu.enqueue_indirect_dma source(%arg6 : memref<128xf32, #tpu.memory_space<vmem>>) target(%dma_start3A_338 : memref<10240xf32, #tpu.memory_space<vmem_shared>>) offsets(%arg4 : memref<128xi32, #tpu.memory_space<vmem>>) semaphore(%run_scoped3A : memref<!tpu.dma_semaphore, #tpu.memory_space<semaphore_mem>>) {add = true}
        %dma_wait3A_339 = arith.constant 0 : i32
        %dma_wait3A_340 = tpu.memref_slice %arg8[%dma_wait3A_339] : memref<10240xf32, #tpu.memory_space<vmem_shared>> -> memref<10240xf32, #tpu.memory_space<vmem_shared>>
        tpu.wait_indirect_dma semaphore(%run_scoped3A : memref<!tpu.dma_semaphore, #tpu.memory_space<semaphore_mem>>) src(%arg6 : memref<128xf32, #tpu.memory_space<vmem>>) dst(%dma_wait3A_340 : memref<10240xf32, #tpu.memory_space<vmem_shared>>)
        tpu.yield
      }) : () -> ()
      %add3A_318 = arith.constant 2 : i32
      %add3A_319 = arith.addi %add3A_314, %add3A_318 : i32
      %lt3A = arith.constant 80 : i32
      %lt3A_320 = arith.cmpi slt, %add3A_319, %lt3A : i32
      %convert_element_type3A = arith.extui %lt3A_320 : i1 to i32
      %cond3A = arith.constant 0 : i32
      %cond3A_321 = arith.cmpi ne, %convert_element_type3A, %cond3A : i32
      scf.if %cond3A_321 {
        %add3A_337 = arith.constant 2 : i32
        %add3A_338 = arith.addi %add3A_314, %add3A_337 : i32
        %mul3A_339 = arith.constant 128 : i32
        %mul3A_340 = arith.muli %add3A_338, %mul3A_339 : i32
        %add3A_341 = arith.addi %mul3A_4, %mul3A_340 : i32
        %dma_start3A_342 = tpu.memref_slice %arg2[%add3A_341] : memref<327680xi32, #tpu.memory_space<hbm>> -> memref<128xi32, #tpu.memory_space<hbm>>
        %dma_start3A_343 = tpu.memref_slice %arg2[%add3A_341] : memref<327680xi32, #tpu.memory_space<hbm>> -> memref<128xi32, #tpu.memory_space<hbm>>
        tpu.enqueue_dma source(%dma_start3A_343 : memref<128xi32, #tpu.memory_space<hbm>>) target(%arg4 : memref<128xi32, #tpu.memory_space<vmem>>) target_semaphore(%arg9 : memref<!tpu.dma_semaphore, #tpu.memory_space<semaphore_mem>>)
      } else {
      }
      %mul3A_322 = arith.constant 2 : i32
      %mul3A_323 = arith.muli %scan3A_310, %mul3A_322 : i32
      %add3A_324 = arith.constant 1 : i32
      %add3A_325 = arith.addi %mul3A_323, %add3A_324 : i32
      %dma_wait3A_326 = arith.constant 0 : i32
      %dma_wait3A_327 = tpu.memref_slice %arg2[%dma_wait3A_326] : memref<327680xi32, #tpu.memory_space<hbm>> -> memref<128xi32, #tpu.memory_space<hbm>>
      %dma_wait3A_328 = arith.constant 0 : i32
      %dma_wait3A_329 = tpu.memref_slice %arg2[%dma_wait3A_328] : memref<327680xi32, #tpu.memory_space<hbm>> -> memref<128xi32, #tpu.memory_space<hbm>>
      tpu.wait_dma2 semaphore(%arg10 : memref<!tpu.dma_semaphore, #tpu.memory_space<semaphore_mem>>) src(%dma_wait3A_329 : memref<128xi32, #tpu.memory_space<hbm>>) dst(%arg5 : memref<128xi32, #tpu.memory_space<vmem>>)
      "tpu.region"() ({
        %run_scoped3A = tpu.sem_alloc : memref<!tpu.dma_semaphore, #tpu.memory_space<semaphore_mem>>
        %dma_start3A_337 = arith.constant 0 : i32
        %dma_start3A_338 = tpu.memref_slice %arg8[%dma_start3A_337] : memref<10240xf32, #tpu.memory_space<vmem_shared>> -> memref<10240xf32, #tpu.memory_space<vmem_shared>>
        tpu.enqueue_indirect_dma source(%arg6 : memref<128xf32, #tpu.memory_space<vmem>>) target(%dma_start3A_338 : memref<10240xf32, #tpu.memory_space<vmem_shared>>) offsets(%arg5 : memref<128xi32, #tpu.memory_space<vmem>>) semaphore(%run_scoped3A : memref<!tpu.dma_semaphore, #tpu.memory_space<semaphore_mem>>) {add = true}
        %dma_wait3A_339 = arith.constant 0 : i32
        %dma_wait3A_340 = tpu.memref_slice %arg8[%dma_wait3A_339] : memref<10240xf32, #tpu.memory_space<vmem_shared>> -> memref<10240xf32, #tpu.memory_space<vmem_shared>>
        tpu.wait_indirect_dma semaphore(%run_scoped3A : memref<!tpu.dma_semaphore, #tpu.memory_space<semaphore_mem>>) src(%arg6 : memref<128xf32, #tpu.memory_space<vmem>>) dst(%dma_wait3A_340 : memref<10240xf32, #tpu.memory_space<vmem_shared>>)
        tpu.yield
      }) : () -> ()
      %add3A_330 = arith.constant 2 : i32
      %add3A_331 = arith.addi %add3A_325, %add3A_330 : i32
      %lt3A_332 = arith.constant 80 : i32
      %lt3A_333 = arith.cmpi slt, %add3A_331, %lt3A_332 : i32
      %convert_element_type3A_334 = arith.extui %lt3A_333 : i1 to i32
      %cond3A_335 = arith.constant 0 : i32
      %cond3A_336 = arith.cmpi ne, %convert_element_type3A_334, %cond3A_335 : i32
      scf.if %cond3A_336 {
        %add3A_337 = arith.constant 2 : i32
        %add3A_338 = arith.addi %add3A_325, %add3A_337 : i32
        %mul3A_339 = arith.constant 128 : i32
        %mul3A_340 = arith.muli %add3A_338, %mul3A_339 : i32
        %add3A_341 = arith.addi %mul3A_4, %mul3A_340 : i32
        %dma_start3A_342 = tpu.memref_slice %arg2[%add3A_341] : memref<327680xi32, #tpu.memory_space<hbm>> -> memref<128xi32, #tpu.memory_space<hbm>>
        %dma_start3A_343 = tpu.memref_slice %arg2[%add3A_341] : memref<327680xi32, #tpu.memory_space<hbm>> -> memref<128xi32, #tpu.memory_space<hbm>>
        tpu.enqueue_dma source(%dma_start3A_343 : memref<128xi32, #tpu.memory_space<hbm>>) target(%arg5 : memref<128xi32, #tpu.memory_space<vmem>>) target_semaphore(%arg10 : memref<!tpu.dma_semaphore, #tpu.memory_space<semaphore_mem>>)
      } else {
      }
    }
    %scan3A_304 = arith.constant 40 : i32
    %barrier3A_305 = arith.constant 0 : index
    tpu.barrier barrier_id(%barrier3A_305)
    %mul3A_306 = arith.constant 640 : i32
    %mul3A_307 = arith.muli %arg1, %mul3A_306 : i32
    %mul3A_308 = arith.constant 640 : i32
    %mul3A_309 = arith.muli %arg1, %mul3A_308 : i32
    "tpu.region"() ({
      %run_scoped3A = tpu.sem_alloc : memref<!tpu.dma_semaphore, #tpu.memory_space<semaphore_mem>>
      %dma_start3A_310 = tpu.memref_slice %arg3[%arg0, %mul3A_309] : memref<2x10240xf32, #tpu.memory_space<hbm>> -> memref<1x640xf32, #tpu.memory_space<hbm>>
      %dma_start3A_311 = tpu.memref_squeeze %dma_start3A_310 : memref<1x640xf32, #tpu.memory_space<hbm>> -> memref<640xf32, #tpu.memory_space<hbm>>
      %dma_start3A_312 = tpu.memref_slice %arg8[%mul3A_307] : memref<10240xf32, #tpu.memory_space<vmem_shared>> -> memref<640xf32, #tpu.memory_space<vmem_shared>>
      tpu.enqueue_dma source(%dma_start3A_312 : memref<640xf32, #tpu.memory_space<vmem_shared>>) target(%dma_start3A_311 : memref<640xf32, #tpu.memory_space<hbm>>) target_semaphore(%run_scoped3A : memref<!tpu.dma_semaphore, #tpu.memory_space<semaphore_mem>>)
      %dma_wait3A = tpu.memref_slice %arg3[%arg0, %mul3A_309] : memref<2x10240xf32, #tpu.memory_space<hbm>> -> memref<1x640xf32, #tpu.memory_space<hbm>>
      %dma_wait3A_313 = tpu.memref_squeeze %dma_wait3A : memref<1x640xf32, #tpu.memory_space<hbm>> -> memref<640xf32, #tpu.memory_space<hbm>>
      %dma_wait3A_314 = tpu.memref_slice %arg8[%mul3A_307] : memref<10240xf32, #tpu.memory_space<vmem_shared>> -> memref<640xf32, #tpu.memory_space<vmem_shared>>
      tpu.wait_dma2 semaphore(%run_scoped3A : memref<!tpu.dma_semaphore, #tpu.memory_space<semaphore_mem>>) src(%dma_wait3A_314 : memref<640xf32, #tpu.memory_space<vmem_shared>>) dst(%dma_wait3A_313 : memref<640xf32, #tpu.memory_space<hbm>>)
      tpu.yield
    }) : () -> ()
    return
  }
}

#map = affine_map<(d0, d1) -> (0, 0)>
#map1 = affine_map<(d0, d1) -> (0, 0, 0)>
module attributes {stable_mosaic.version = 14 : i64} {
  func.func @_agg_body(%arg0: i32, %arg1: i32, %arg2: memref<10000x128xf32, #tpu.memory_space<hbm>>, %arg3: memref<2560x2x128xi32, #tpu.memory_space<hbm>>, %arg4: memref<2x10240x128xf32, #tpu.memory_space<hbm>>, %arg5: memref<2x128xi32, #tpu.memory_space<vmem>>, %arg6: memref<2x128xi32, #tpu.memory_space<vmem>>, %arg7: memref<2x128xi32, #tpu.memory_space<vmem>>, %arg8: memref<2x128xi32, #tpu.memory_space<vmem>>, %arg9: memref<128x128xf32, #tpu.memory_space<vmem>>, %arg10: memref<128x128xf32, #tpu.memory_space<vmem>>, %arg11: memref<32x128xf32, #tpu.memory_space<vmem>>, %arg12: memref<10240x128xf32, #tpu.memory_space<vmem_shared>>, %arg13: memref<!tpu.dma_semaphore, #tpu.memory_space<semaphore_mem>>, %arg14: memref<!tpu.dma_semaphore, #tpu.memory_space<semaphore_mem>>, %arg15: memref<!tpu.dma_semaphore, #tpu.memory_space<semaphore_mem>>, %arg16: memref<!tpu.dma_semaphore, #tpu.memory_space<semaphore_mem>>, %arg17: memref<!tpu.dma_semaphore, #tpu.memory_space<semaphore_mem>>, %arg18: memref<!tpu.dma_semaphore, #tpu.memory_space<semaphore_mem>>) attributes {dimension_semantics = [#tpu.dimension_semantics<core_parallel>, #tpu.dimension_semantics<subcore_parallel>], iteration_bounds = array<i64: 2, 16>, scalar_prefetch = 0 : i64, scratch_operands = 14 : i64, tpu.core_type = #tpu.core_type<sc_vector_subcore>, window_params = [{transform_indices = #map}, {transform_indices = #map1}, {transform_indices = #map1}]} {
    %mul3A = arith.constant 2 : i32
    %mul3A_0 = arith.muli %arg1, %mul3A : i32
    %add3A = arith.addi %mul3A_0, %arg0 : i32
    %mul3A_1 = arith.constant 80 : i32
    %mul3A_2 = arith.muli %add3A, %mul3A_1 : i32
    %scan3A = arith.constant 0 : i32
    %scan3A_3 = arith.constant 0 : i32
    %scan3A_4 = arith.constant 32 : i32
    %scan3A_5 = arith.addi %scan3A_3, %scan3A_4 : i32
    %scan3A_6 = arith.constant 1 : i32
    scf.for %scan3A_134 = %scan3A_3 to %scan3A_5 step %scan3A_6  : i32 {
      %broadcast_in_dim3A = arith.constant 0.000000e+00 : f32
      %broadcast_in_dim3A_135 = vector.broadcast %broadcast_in_dim3A : f32 to vector<16xf32>
      %swap3A = arith.index_cast %scan3A_134 : i32 to index
      %swap3A_136 = arith.constant 0 : index
      %swap3A_137 = tpu.vector_load %arg11[%swap3A, %swap3A_136] {strides = array<i32>} : memref<32x128xf32, #tpu.memory_space<vmem>>, vector<1x16xf32>,
      %swap3A_138 = vector.shape_cast %swap3A_137 : vector<1x16xf32> to vector<16xf32>
      %swap3A_139 = vector.shape_cast %broadcast_in_dim3A_135 : vector<16xf32> to vector<1x16xf32>
      tpu.vector_store %arg11[%swap3A, %swap3A_136], %swap3A_139 {strides = array<i32>} : memref<32x128xf32, #tpu.memory_space<vmem>>, vector<1x16xf32>,
      %broadcast_in_dim3A_140 = arith.constant 0.000000e+00 : f32
      %broadcast_in_dim3A_141 = vector.broadcast %broadcast_in_dim3A_140 : f32 to vector<16xf32>
      %swap3A_142 = arith.index_cast %scan3A_134 : i32 to index
      %swap3A_143 = arith.constant 16 : index
      %swap3A_144 = tpu.vector_load %arg11[%swap3A_142, %swap3A_143] {strides = array<i32>} : memref<32x128xf32, #tpu.memory_space<vmem>>, vector<1x16xf32>,
      %swap3A_145 = vector.shape_cast %swap3A_144 : vector<1x16xf32> to vector<16xf32>
      %swap3A_146 = vector.shape_cast %broadcast_in_dim3A_141 : vector<16xf32> to vector<1x16xf32>
      tpu.vector_store %arg11[%swap3A_142, %swap3A_143], %swap3A_146 {strides = array<i32>} : memref<32x128xf32, #tpu.memory_space<vmem>>, vector<1x16xf32>,
      %broadcast_in_dim3A_147 = arith.constant 0.000000e+00 : f32
      %broadcast_in_dim3A_148 = vector.broadcast %broadcast_in_dim3A_147 : f32 to vector<16xf32>
      %swap3A_149 = arith.index_cast %scan3A_134 : i32 to index
      %swap3A_150 = arith.constant 32 : index
      %swap3A_151 = tpu.vector_load %arg11[%swap3A_149, %swap3A_150] {strides = array<i32>} : memref<32x128xf32, #tpu.memory_space<vmem>>, vector<1x16xf32>,
      %swap3A_152 = vector.shape_cast %swap3A_151 : vector<1x16xf32> to vector<16xf32>
      %swap3A_153 = vector.shape_cast %broadcast_in_dim3A_148 : vector<16xf32> to vector<1x16xf32>
      tpu.vector_store %arg11[%swap3A_149, %swap3A_150], %swap3A_153 {strides = array<i32>} : memref<32x128xf32, #tpu.memory_space<vmem>>, vector<1x16xf32>,
      %broadcast_in_dim3A_154 = arith.constant 0.000000e+00 : f32
      %broadcast_in_dim3A_155 = vector.broadcast %broadcast_in_dim3A_154 : f32 to vector<16xf32>
      %swap3A_156 = arith.index_cast %scan3A_134 : i32 to index
      %swap3A_157 = arith.constant 48 : index
      %swap3A_158 = tpu.vector_load %arg11[%swap3A_156, %swap3A_157] {strides = array<i32>} : memref<32x128xf32, #tpu.memory_space<vmem>>, vector<1x16xf32>,
      %swap3A_159 = vector.shape_cast %swap3A_158 : vector<1x16xf32> to vector<16xf32>
      %swap3A_160 = vector.shape_cast %broadcast_in_dim3A_155 : vector<16xf32> to vector<1x16xf32>
      tpu.vector_store %arg11[%swap3A_156, %swap3A_157], %swap3A_160 {strides = array<i32>} : memref<32x128xf32, #tpu.memory_space<vmem>>, vector<1x16xf32>,
      %broadcast_in_dim3A_161 = arith.constant 0.000000e+00 : f32
      %broadcast_in_dim3A_162 = vector.broadcast %broadcast_in_dim3A_161 : f32 to vector<16xf32>
      %swap3A_163 = arith.index_cast %scan3A_134 : i32 to index
      %swap3A_164 = arith.constant 64 : index
      %swap3A_165 = tpu.vector_load %arg11[%swap3A_163, %swap3A_164] {strides = array<i32>} : memref<32x128xf32, #tpu.memory_space<vmem>>, vector<1x16xf32>,
      %swap3A_166 = vector.shape_cast %swap3A_165 : vector<1x16xf32> to vector<16xf32>
      %swap3A_167 = vector.shape_cast %broadcast_in_dim3A_162 : vector<16xf32> to vector<1x16xf32>
      tpu.vector_store %arg11[%swap3A_163, %swap3A_164], %swap3A_167 {strides = array<i32>} : memref<32x128xf32, #tpu.memory_space<vmem>>, vector<1x16xf32>,
      %broadcast_in_dim3A_168 = arith.constant 0.000000e+00 : f32
      %broadcast_in_dim3A_169 = vector.broadcast %broadcast_in_dim3A_168 : f32 to vector<16xf32>
      %swap3A_170 = arith.index_cast %scan3A_134 : i32 to index
      %swap3A_171 = arith.constant 80 : index
      %swap3A_172 = tpu.vector_load %arg11[%swap3A_170, %swap3A_171] {strides = array<i32>} : memref<32x128xf32, #tpu.memory_space<vmem>>, vector<1x16xf32>,
      %swap3A_173 = vector.shape_cast %swap3A_172 : vector<1x16xf32> to vector<16xf32>
      %swap3A_174 = vector.shape_cast %broadcast_in_dim3A_169 : vector<16xf32> to vector<1x16xf32>
      tpu.vector_store %arg11[%swap3A_170, %swap3A_171], %swap3A_174 {strides = array<i32>} : memref<32x128xf32, #tpu.memory_space<vmem>>, vector<1x16xf32>,
      %broadcast_in_dim3A_175 = arith.constant 0.000000e+00 : f32
      %broadcast_in_dim3A_176 = vector.broadcast %broadcast_in_dim3A_175 : f32 to vector<16xf32>
      %swap3A_177 = arith.index_cast %scan3A_134 : i32 to index
      %swap3A_178 = arith.constant 96 : index
      %swap3A_179 = tpu.vector_load %arg11[%swap3A_177, %swap3A_178] {strides = array<i32>} : memref<32x128xf32, #tpu.memory_space<vmem>>, vector<1x16xf32>,
      %swap3A_180 = vector.shape_cast %swap3A_179 : vector<1x16xf32> to vector<16xf32>
      %swap3A_181 = vector.shape_cast %broadcast_in_dim3A_176 : vector<16xf32> to vector<1x16xf32>
      tpu.vector_store %arg11[%swap3A_177, %swap3A_178], %swap3A_181 {strides = array<i32>} : memref<32x128xf32, #tpu.memory_space<vmem>>, vector<1x16xf32>,
      %broadcast_in_dim3A_182 = arith.constant 0.000000e+00 : f32
      %broadcast_in_dim3A_183 = vector.broadcast %broadcast_in_dim3A_182 : f32 to vector<16xf32>
      %swap3A_184 = arith.index_cast %scan3A_134 : i32 to index
      %swap3A_185 = arith.constant 112 : index
      %swap3A_186 = tpu.vector_load %arg11[%swap3A_184, %swap3A_185] {strides = array<i32>} : memref<32x128xf32, #tpu.memory_space<vmem>>, vector<1x16xf32>,
      %swap3A_187 = vector.shape_cast %swap3A_186 : vector<1x16xf32> to vector<16xf32>
      %swap3A_188 = vector.shape_cast %broadcast_in_dim3A_183 : vector<16xf32> to vector<1x16xf32>
      tpu.vector_store %arg11[%swap3A_184, %swap3A_185], %swap3A_188 {strides = array<i32>} : memref<32x128xf32, #tpu.memory_space<vmem>>, vector<1x16xf32>,
    }
    %scan3A_7 = arith.constant 32 : i32
    %mul3A_8 = arith.constant 640 : i32
    %mul3A_9 = arith.muli %arg1, %mul3A_8 : i32
    %add3A_10 = arith.constant 0 : i32
    %add3A_11 = arith.addi %mul3A_9, %add3A_10 : i32
    "tpu.region"() ({
      %run_scoped3A_134 = tpu.sem_alloc : memref<!tpu.dma_semaphore, #tpu.memory_space<semaphore_mem>>
      %dma_start3A_135 = arith.constant 0 : i32
      %dma_start3A_136 = tpu.memref_slice %arg12[%add3A_11, %dma_start3A_135] : memref<10240x128xf32, #tpu.memory_space<vmem_shared>> -> memref<32x128xf32, #tpu.memory_space<vmem_shared>>
      %dma_start3A_137 = arith.constant 0 : i32
      %dma_start3A_138 = tpu.memref_slice %arg12[%add3A_11, %dma_start3A_137] : memref<10240x128xf32, #tpu.memory_space<vmem_shared>> -> memref<32x128xf32, #tpu.memory_space<vmem_shared>>
      tpu.enqueue_dma source(%arg11 : memref<32x128xf32, #tpu.memory_space<vmem>>) target(%dma_start3A_138 : memref<32x128xf32, #tpu.memory_space<vmem_shared>>) target_semaphore(%run_scoped3A_134 : memref<!tpu.dma_semaphore, #tpu.memory_space<semaphore_mem>>)
      %dma_wait3A_139 = arith.constant 0 : i32
      %dma_wait3A_140 = tpu.memref_slice %arg12[%add3A_11, %dma_wait3A_139] : memref<10240x128xf32, #tpu.memory_space<vmem_shared>> -> memref<32x128xf32, #tpu.memory_space<vmem_shared>>
      %dma_wait3A_141 = arith.constant 0 : i32
      %dma_wait3A_142 = tpu.memref_slice %arg12[%add3A_11, %dma_wait3A_141] : memref<10240x128xf32, #tpu.memory_space<vmem_shared>> -> memref<32x128xf32, #tpu.memory_space<vmem_shared>>
      tpu.wait_dma2 semaphore(%run_scoped3A_134 : memref<!tpu.dma_semaphore, #tpu.memory_space<semaphore_mem>>) src(%arg11 : memref<32x128xf32, #tpu.memory_space<vmem>>) dst(%dma_wait3A_142 : memref<32x128xf32, #tpu.memory_space<vmem_shared>>)
      tpu.yield
    }) : () -> ()
    %mul3A_12 = arith.constant 640 : i32
    %mul3A_13 = arith.muli %arg1, %mul3A_12 : i32
    %add3A_14 = arith.constant 32 : i32
    %add3A_15 = arith.addi %mul3A_13, %add3A_14 : i32
    "tpu.region"() ({
      %run_scoped3A_134 = tpu.sem_alloc : memref<!tpu.dma_semaphore, #tpu.memory_space<semaphore_mem>>
      %dma_start3A_135 = arith.constant 0 : i32
      %dma_start3A_136 = tpu.memref_slice %arg12[%add3A_15, %dma_start3A_135] : memref<10240x128xf32, #tpu.memory_space<vmem_shared>> -> memref<32x128xf32, #tpu.memory_space<vmem_shared>>
      %dma_start3A_137 = arith.constant 0 : i32
      %dma_start3A_138 = tpu.memref_slice %arg12[%add3A_15, %dma_start3A_137] : memref<10240x128xf32, #tpu.memory_space<vmem_shared>> -> memref<32x128xf32, #tpu.memory_space<vmem_shared>>
      tpu.enqueue_dma source(%arg11 : memref<32x128xf32, #tpu.memory_space<vmem>>) target(%dma_start3A_138 : memref<32x128xf32, #tpu.memory_space<vmem_shared>>) target_semaphore(%run_scoped3A_134 : memref<!tpu.dma_semaphore, #tpu.memory_space<semaphore_mem>>)
      %dma_wait3A_139 = arith.constant 0 : i32
      %dma_wait3A_140 = tpu.memref_slice %arg12[%add3A_15, %dma_wait3A_139] : memref<10240x128xf32, #tpu.memory_space<vmem_shared>> -> memref<32x128xf32, #tpu.memory_space<vmem_shared>>
      %dma_wait3A_141 = arith.constant 0 : i32
      %dma_wait3A_142 = tpu.memref_slice %arg12[%add3A_15, %dma_wait3A_141] : memref<10240x128xf32, #tpu.memory_space<vmem_shared>> -> memref<32x128xf32, #tpu.memory_space<vmem_shared>>
      tpu.wait_dma2 semaphore(%run_scoped3A_134 : memref<!tpu.dma_semaphore, #tpu.memory_space<semaphore_mem>>) src(%arg11 : memref<32x128xf32, #tpu.memory_space<vmem>>) dst(%dma_wait3A_142 : memref<32x128xf32, #tpu.memory_space<vmem_shared>>)
      tpu.yield
    }) : () -> ()
    %mul3A_16 = arith.constant 640 : i32
    %mul3A_17 = arith.muli %arg1, %mul3A_16 : i32
    %add3A_18 = arith.constant 64 : i32
    %add3A_19 = arith.addi %mul3A_17, %add3A_18 : i32
    "tpu.region"() ({
      %run_scoped3A_134 = tpu.sem_alloc : memref<!tpu.dma_semaphore, #tpu.memory_space<semaphore_mem>>
      %dma_start3A_135 = arith.constant 0 : i32
      %dma_start3A_136 = tpu.memref_slice %arg12[%add3A_19, %dma_start3A_135] : memref<10240x128xf32, #tpu.memory_space<vmem_shared>> -> memref<32x128xf32, #tpu.memory_space<vmem_shared>>
      %dma_start3A_137 = arith.constant 0 : i32
      %dma_start3A_138 = tpu.memref_slice %arg12[%add3A_19, %dma_start3A_137] : memref<10240x128xf32, #tpu.memory_space<vmem_shared>> -> memref<32x128xf32, #tpu.memory_space<vmem_shared>>
      tpu.enqueue_dma source(%arg11 : memref<32x128xf32, #tpu.memory_space<vmem>>) target(%dma_start3A_138 : memref<32x128xf32, #tpu.memory_space<vmem_shared>>) target_semaphore(%run_scoped3A_134 : memref<!tpu.dma_semaphore, #tpu.memory_space<semaphore_mem>>)
      %dma_wait3A_139 = arith.constant 0 : i32
      %dma_wait3A_140 = tpu.memref_slice %arg12[%add3A_19, %dma_wait3A_139] : memref<10240x128xf32, #tpu.memory_space<vmem_shared>> -> memref<32x128xf32, #tpu.memory_space<vmem_shared>>
      %dma_wait3A_141 = arith.constant 0 : i32
      %dma_wait3A_142 = tpu.memref_slice %arg12[%add3A_19, %dma_wait3A_141] : memref<10240x128xf32, #tpu.memory_space<vmem_shared>> -> memref<32x128xf32, #tpu.memory_space<vmem_shared>>
      tpu.wait_dma2 semaphore(%run_scoped3A_134 : memref<!tpu.dma_semaphore, #tpu.memory_space<semaphore_mem>>) src(%arg11 : memref<32x128xf32, #tpu.memory_space<vmem>>) dst(%dma_wait3A_142 : memref<32x128xf32, #tpu.memory_space<vmem_shared>>)
      tpu.yield
    }) : () -> ()
    %mul3A_20 = arith.constant 640 : i32
    %mul3A_21 = arith.muli %arg1, %mul3A_20 : i32
    %add3A_22 = arith.constant 96 : i32
    %add3A_23 = arith.addi %mul3A_21, %add3A_22 : i32
    "tpu.region"() ({
      %run_scoped3A_134 = tpu.sem_alloc : memref<!tpu.dma_semaphore, #tpu.memory_space<semaphore_mem>>
      %dma_start3A_135 = arith.constant 0 : i32
      %dma_start3A_136 = tpu.memref_slice %arg12[%add3A_23, %dma_start3A_135] : memref<10240x128xf32, #tpu.memory_space<vmem_shared>> -> memref<32x128xf32, #tpu.memory_space<vmem_shared>>
      %dma_start3A_137 = arith.constant 0 : i32
      %dma_start3A_138 = tpu.memref_slice %arg12[%add3A_23, %dma_start3A_137] : memref<10240x128xf32, #tpu.memory_space<vmem_shared>> -> memref<32x128xf32, #tpu.memory_space<vmem_shared>>
      tpu.enqueue_dma source(%arg11 : memref<32x128xf32, #tpu.memory_space<vmem>>) target(%dma_start3A_138 : memref<32x128xf32, #tpu.memory_space<vmem_shared>>) target_semaphore(%run_scoped3A_134 : memref<!tpu.dma_semaphore, #tpu.memory_space<semaphore_mem>>)
      %dma_wait3A_139 = arith.constant 0 : i32
      %dma_wait3A_140 = tpu.memref_slice %arg12[%add3A_23, %dma_wait3A_139] : memref<10240x128xf32, #tpu.memory_space<vmem_shared>> -> memref<32x128xf32, #tpu.memory_space<vmem_shared>>
      %dma_wait3A_141 = arith.constant 0 : i32
      %dma_wait3A_142 = tpu.memref_slice %arg12[%add3A_23, %dma_wait3A_141] : memref<10240x128xf32, #tpu.memory_space<vmem_shared>> -> memref<32x128xf32, #tpu.memory_space<vmem_shared>>
      tpu.wait_dma2 semaphore(%run_scoped3A_134 : memref<!tpu.dma_semaphore, #tpu.memory_space<semaphore_mem>>) src(%arg11 : memref<32x128xf32, #tpu.memory_space<vmem>>) dst(%dma_wait3A_142 : memref<32x128xf32, #tpu.memory_space<vmem_shared>>)
      tpu.yield
    }) : () -> ()
    %mul3A_24 = arith.constant 640 : i32
    %mul3A_25 = arith.muli %arg1, %mul3A_24 : i32
    %add3A_26 = arith.constant 128 : i32
    %add3A_27 = arith.addi %mul3A_25, %add3A_26 : i32
    "tpu.region"() ({
      %run_scoped3A_134 = tpu.sem_alloc : memref<!tpu.dma_semaphore, #tpu.memory_space<semaphore_mem>>
      %dma_start3A_135 = arith.constant 0 : i32
      %dma_start3A_136 = tpu.memref_slice %arg12[%add3A_27, %dma_start3A_135] : memref<10240x128xf32, #tpu.memory_space<vmem_shared>> -> memref<32x128xf32, #tpu.memory_space<vmem_shared>>
      %dma_start3A_137 = arith.constant 0 : i32
      %dma_start3A_138 = tpu.memref_slice %arg12[%add3A_27, %dma_start3A_137] : memref<10240x128xf32, #tpu.memory_space<vmem_shared>> -> memref<32x128xf32, #tpu.memory_space<vmem_shared>>
      tpu.enqueue_dma source(%arg11 : memref<32x128xf32, #tpu.memory_space<vmem>>) target(%dma_start3A_138 : memref<32x128xf32, #tpu.memory_space<vmem_shared>>) target_semaphore(%run_scoped3A_134 : memref<!tpu.dma_semaphore, #tpu.memory_space<semaphore_mem>>)
      %dma_wait3A_139 = arith.constant 0 : i32
      %dma_wait3A_140 = tpu.memref_slice %arg12[%add3A_27, %dma_wait3A_139] : memref<10240x128xf32, #tpu.memory_space<vmem_shared>> -> memref<32x128xf32, #tpu.memory_space<vmem_shared>>
      %dma_wait3A_141 = arith.constant 0 : i32
      %dma_wait3A_142 = tpu.memref_slice %arg12[%add3A_27, %dma_wait3A_141] : memref<10240x128xf32, #tpu.memory_space<vmem_shared>> -> memref<32x128xf32, #tpu.memory_space<vmem_shared>>
      tpu.wait_dma2 semaphore(%run_scoped3A_134 : memref<!tpu.dma_semaphore, #tpu.memory_space<semaphore_mem>>) src(%arg11 : memref<32x128xf32, #tpu.memory_space<vmem>>) dst(%dma_wait3A_142 : memref<32x128xf32, #tpu.memory_space<vmem_shared>>)
      tpu.yield
    }) : () -> ()
    %mul3A_28 = arith.constant 640 : i32
    %mul3A_29 = arith.muli %arg1, %mul3A_28 : i32
    %add3A_30 = arith.constant 160 : i32
    %add3A_31 = arith.addi %mul3A_29, %add3A_30 : i32
    "tpu.region"() ({
      %run_scoped3A_134 = tpu.sem_alloc : memref<!tpu.dma_semaphore, #tpu.memory_space<semaphore_mem>>
      %dma_start3A_135 = arith.constant 0 : i32
      %dma_start3A_136 = tpu.memref_slice %arg12[%add3A_31, %dma_start3A_135] : memref<10240x128xf32, #tpu.memory_space<vmem_shared>> -> memref<32x128xf32, #tpu.memory_space<vmem_shared>>
      %dma_start3A_137 = arith.constant 0 : i32
      %dma_start3A_138 = tpu.memref_slice %arg12[%add3A_31, %dma_start3A_137] : memref<10240x128xf32, #tpu.memory_space<vmem_shared>> -> memref<32x128xf32, #tpu.memory_space<vmem_shared>>
      tpu.enqueue_dma source(%arg11 : memref<32x128xf32, #tpu.memory_space<vmem>>) target(%dma_start3A_138 : memref<32x128xf32, #tpu.memory_space<vmem_shared>>) target_semaphore(%run_scoped3A_134 : memref<!tpu.dma_semaphore, #tpu.memory_space<semaphore_mem>>)
      %dma_wait3A_139 = arith.constant 0 : i32
      %dma_wait3A_140 = tpu.memref_slice %arg12[%add3A_31, %dma_wait3A_139] : memref<10240x128xf32, #tpu.memory_space<vmem_shared>> -> memref<32x128xf32, #tpu.memory_space<vmem_shared>>
      %dma_wait3A_141 = arith.constant 0 : i32
      %dma_wait3A_142 = tpu.memref_slice %arg12[%add3A_31, %dma_wait3A_141] : memref<10240x128xf32, #tpu.memory_space<vmem_shared>> -> memref<32x128xf32, #tpu.memory_space<vmem_shared>>
      tpu.wait_dma2 semaphore(%run_scoped3A_134 : memref<!tpu.dma_semaphore, #tpu.memory_space<semaphore_mem>>) src(%arg11 : memref<32x128xf32, #tpu.memory_space<vmem>>) dst(%dma_wait3A_142 : memref<32x128xf32, #tpu.memory_space<vmem_shared>>)
      tpu.yield
    }) : () -> ()
    %mul3A_32 = arith.constant 640 : i32
    %mul3A_33 = arith.muli %arg1, %mul3A_32 : i32
    %add3A_34 = arith.constant 192 : i32
    %add3A_35 = arith.addi %mul3A_33, %add3A_34 : i32
    "tpu.region"() ({
      %run_scoped3A_134 = tpu.sem_alloc : memref<!tpu.dma_semaphore, #tpu.memory_space<semaphore_mem>>
      %dma_start3A_135 = arith.constant 0 : i32
      %dma_start3A_136 = tpu.memref_slice %arg12[%add3A_35, %dma_start3A_135] : memref<10240x128xf32, #tpu.memory_space<vmem_shared>> -> memref<32x128xf32, #tpu.memory_space<vmem_shared>>
      %dma_start3A_137 = arith.constant 0 : i32
      %dma_start3A_138 = tpu.memref_slice %arg12[%add3A_35, %dma_start3A_137] : memref<10240x128xf32, #tpu.memory_space<vmem_shared>> -> memref<32x128xf32, #tpu.memory_space<vmem_shared>>
      tpu.enqueue_dma source(%arg11 : memref<32x128xf32, #tpu.memory_space<vmem>>) target(%dma_start3A_138 : memref<32x128xf32, #tpu.memory_space<vmem_shared>>) target_semaphore(%run_scoped3A_134 : memref<!tpu.dma_semaphore, #tpu.memory_space<semaphore_mem>>)
      %dma_wait3A_139 = arith.constant 0 : i32
      %dma_wait3A_140 = tpu.memref_slice %arg12[%add3A_35, %dma_wait3A_139] : memref<10240x128xf32, #tpu.memory_space<vmem_shared>> -> memref<32x128xf32, #tpu.memory_space<vmem_shared>>
      %dma_wait3A_141 = arith.constant 0 : i32
      %dma_wait3A_142 = tpu.memref_slice %arg12[%add3A_35, %dma_wait3A_141] : memref<10240x128xf32, #tpu.memory_space<vmem_shared>> -> memref<32x128xf32, #tpu.memory_space<vmem_shared>>
      tpu.wait_dma2 semaphore(%run_scoped3A_134 : memref<!tpu.dma_semaphore, #tpu.memory_space<semaphore_mem>>) src(%arg11 : memref<32x128xf32, #tpu.memory_space<vmem>>) dst(%dma_wait3A_142 : memref<32x128xf32, #tpu.memory_space<vmem_shared>>)
      tpu.yield
    }) : () -> ()
    %mul3A_36 = arith.constant 640 : i32
    %mul3A_37 = arith.muli %arg1, %mul3A_36 : i32
    %add3A_38 = arith.constant 224 : i32
    %add3A_39 = arith.addi %mul3A_37, %add3A_38 : i32
    "tpu.region"() ({
      %run_scoped3A_134 = tpu.sem_alloc : memref<!tpu.dma_semaphore, #tpu.memory_space<semaphore_mem>>
      %dma_start3A_135 = arith.constant 0 : i32
      %dma_start3A_136 = tpu.memref_slice %arg12[%add3A_39, %dma_start3A_135] : memref<10240x128xf32, #tpu.memory_space<vmem_shared>> -> memref<32x128xf32, #tpu.memory_space<vmem_shared>>
      %dma_start3A_137 = arith.constant 0 : i32
      %dma_start3A_138 = tpu.memref_slice %arg12[%add3A_39, %dma_start3A_137] : memref<10240x128xf32, #tpu.memory_space<vmem_shared>> -> memref<32x128xf32, #tpu.memory_space<vmem_shared>>
      tpu.enqueue_dma source(%arg11 : memref<32x128xf32, #tpu.memory_space<vmem>>) target(%dma_start3A_138 : memref<32x128xf32, #tpu.memory_space<vmem_shared>>) target_semaphore(%run_scoped3A_134 : memref<!tpu.dma_semaphore, #tpu.memory_space<semaphore_mem>>)
      %dma_wait3A_139 = arith.constant 0 : i32
      %dma_wait3A_140 = tpu.memref_slice %arg12[%add3A_39, %dma_wait3A_139] : memref<10240x128xf32, #tpu.memory_space<vmem_shared>> -> memref<32x128xf32, #tpu.memory_space<vmem_shared>>
      %dma_wait3A_141 = arith.constant 0 : i32
      %dma_wait3A_142 = tpu.memref_slice %arg12[%add3A_39, %dma_wait3A_141] : memref<10240x128xf32, #tpu.memory_space<vmem_shared>> -> memref<32x128xf32, #tpu.memory_space<vmem_shared>>
      tpu.wait_dma2 semaphore(%run_scoped3A_134 : memref<!tpu.dma_semaphore, #tpu.memory_space<semaphore_mem>>) src(%arg11 : memref<32x128xf32, #tpu.memory_space<vmem>>) dst(%dma_wait3A_142 : memref<32x128xf32, #tpu.memory_space<vmem_shared>>)
      tpu.yield
    }) : () -> ()
    %mul3A_40 = arith.constant 640 : i32
    %mul3A_41 = arith.muli %arg1, %mul3A_40 : i32
    %add3A_42 = arith.constant 256 : i32
    %add3A_43 = arith.addi %mul3A_41, %add3A_42 : i32
    "tpu.region"() ({
      %run_scoped3A_134 = tpu.sem_alloc : memref<!tpu.dma_semaphore, #tpu.memory_space<semaphore_mem>>
      %dma_start3A_135 = arith.constant 0 : i32
      %dma_start3A_136 = tpu.memref_slice %arg12[%add3A_43, %dma_start3A_135] : memref<10240x128xf32, #tpu.memory_space<vmem_shared>> -> memref<32x128xf32, #tpu.memory_space<vmem_shared>>
      %dma_start3A_137 = arith.constant 0 : i32
      %dma_start3A_138 = tpu.memref_slice %arg12[%add3A_43, %dma_start3A_137] : memref<10240x128xf32, #tpu.memory_space<vmem_shared>> -> memref<32x128xf32, #tpu.memory_space<vmem_shared>>
      tpu.enqueue_dma source(%arg11 : memref<32x128xf32, #tpu.memory_space<vmem>>) target(%dma_start3A_138 : memref<32x128xf32, #tpu.memory_space<vmem_shared>>) target_semaphore(%run_scoped3A_134 : memref<!tpu.dma_semaphore, #tpu.memory_space<semaphore_mem>>)
      %dma_wait3A_139 = arith.constant 0 : i32
      %dma_wait3A_140 = tpu.memref_slice %arg12[%add3A_43, %dma_wait3A_139] : memref<10240x128xf32, #tpu.memory_space<vmem_shared>> -> memref<32x128xf32, #tpu.memory_space<vmem_shared>>
      %dma_wait3A_141 = arith.constant 0 : i32
      %dma_wait3A_142 = tpu.memref_slice %arg12[%add3A_43, %dma_wait3A_141] : memref<10240x128xf32, #tpu.memory_space<vmem_shared>> -> memref<32x128xf32, #tpu.memory_space<vmem_shared>>
      tpu.wait_dma2 semaphore(%run_scoped3A_134 : memref<!tpu.dma_semaphore, #tpu.memory_space<semaphore_mem>>) src(%arg11 : memref<32x128xf32, #tpu.memory_space<vmem>>) dst(%dma_wait3A_142 : memref<32x128xf32, #tpu.memory_space<vmem_shared>>)
      tpu.yield
    }) : () -> ()
    %mul3A_44 = arith.constant 640 : i32
    %mul3A_45 = arith.muli %arg1, %mul3A_44 : i32
    %add3A_46 = arith.constant 288 : i32
    %add3A_47 = arith.addi %mul3A_45, %add3A_46 : i32
    "tpu.region"() ({
      %run_scoped3A_134 = tpu.sem_alloc : memref<!tpu.dma_semaphore, #tpu.memory_space<semaphore_mem>>
      %dma_start3A_135 = arith.constant 0 : i32
      %dma_start3A_136 = tpu.memref_slice %arg12[%add3A_47, %dma_start3A_135] : memref<10240x128xf32, #tpu.memory_space<vmem_shared>> -> memref<32x128xf32, #tpu.memory_space<vmem_shared>>
      %dma_start3A_137 = arith.constant 0 : i32
      %dma_start3A_138 = tpu.memref_slice %arg12[%add3A_47, %dma_start3A_137] : memref<10240x128xf32, #tpu.memory_space<vmem_shared>> -> memref<32x128xf32, #tpu.memory_space<vmem_shared>>
      tpu.enqueue_dma source(%arg11 : memref<32x128xf32, #tpu.memory_space<vmem>>) target(%dma_start3A_138 : memref<32x128xf32, #tpu.memory_space<vmem_shared>>) target_semaphore(%run_scoped3A_134 : memref<!tpu.dma_semaphore, #tpu.memory_space<semaphore_mem>>)
      %dma_wait3A_139 = arith.constant 0 : i32
      %dma_wait3A_140 = tpu.memref_slice %arg12[%add3A_47, %dma_wait3A_139] : memref<10240x128xf32, #tpu.memory_space<vmem_shared>> -> memref<32x128xf32, #tpu.memory_space<vmem_shared>>
      %dma_wait3A_141 = arith.constant 0 : i32
      %dma_wait3A_142 = tpu.memref_slice %arg12[%add3A_47, %dma_wait3A_141] : memref<10240x128xf32, #tpu.memory_space<vmem_shared>> -> memref<32x128xf32, #tpu.memory_space<vmem_shared>>
      tpu.wait_dma2 semaphore(%run_scoped3A_134 : memref<!tpu.dma_semaphore, #tpu.memory_space<semaphore_mem>>) src(%arg11 : memref<32x128xf32, #tpu.memory_space<vmem>>) dst(%dma_wait3A_142 : memref<32x128xf32, #tpu.memory_space<vmem_shared>>)
      tpu.yield
    }) : () -> ()
    %mul3A_48 = arith.constant 640 : i32
    %mul3A_49 = arith.muli %arg1, %mul3A_48 : i32
    %add3A_50 = arith.constant 320 : i32
    %add3A_51 = arith.addi %mul3A_49, %add3A_50 : i32
    "tpu.region"() ({
      %run_scoped3A_134 = tpu.sem_alloc : memref<!tpu.dma_semaphore, #tpu.memory_space<semaphore_mem>>
      %dma_start3A_135 = arith.constant 0 : i32
      %dma_start3A_136 = tpu.memref_slice %arg12[%add3A_51, %dma_start3A_135] : memref<10240x128xf32, #tpu.memory_space<vmem_shared>> -> memref<32x128xf32, #tpu.memory_space<vmem_shared>>
      %dma_start3A_137 = arith.constant 0 : i32
      %dma_start3A_138 = tpu.memref_slice %arg12[%add3A_51, %dma_start3A_137] : memref<10240x128xf32, #tpu.memory_space<vmem_shared>> -> memref<32x128xf32, #tpu.memory_space<vmem_shared>>
      tpu.enqueue_dma source(%arg11 : memref<32x128xf32, #tpu.memory_space<vmem>>) target(%dma_start3A_138 : memref<32x128xf32, #tpu.memory_space<vmem_shared>>) target_semaphore(%run_scoped3A_134 : memref<!tpu.dma_semaphore, #tpu.memory_space<semaphore_mem>>)
      %dma_wait3A_139 = arith.constant 0 : i32
      %dma_wait3A_140 = tpu.memref_slice %arg12[%add3A_51, %dma_wait3A_139] : memref<10240x128xf32, #tpu.memory_space<vmem_shared>> -> memref<32x128xf32, #tpu.memory_space<vmem_shared>>
      %dma_wait3A_141 = arith.constant 0 : i32
      %dma_wait3A_142 = tpu.memref_slice %arg12[%add3A_51, %dma_wait3A_141] : memref<10240x128xf32, #tpu.memory_space<vmem_shared>> -> memref<32x128xf32, #tpu.memory_space<vmem_shared>>
      tpu.wait_dma2 semaphore(%run_scoped3A_134 : memref<!tpu.dma_semaphore, #tpu.memory_space<semaphore_mem>>) src(%arg11 : memref<32x128xf32, #tpu.memory_space<vmem>>) dst(%dma_wait3A_142 : memref<32x128xf32, #tpu.memory_space<vmem_shared>>)
      tpu.yield
    }) : () -> ()
    %mul3A_52 = arith.constant 640 : i32
    %mul3A_53 = arith.muli %arg1, %mul3A_52 : i32
    %add3A_54 = arith.constant 352 : i32
    %add3A_55 = arith.addi %mul3A_53, %add3A_54 : i32
    "tpu.region"() ({
      %run_scoped3A_134 = tpu.sem_alloc : memref<!tpu.dma_semaphore, #tpu.memory_space<semaphore_mem>>
      %dma_start3A_135 = arith.constant 0 : i32
      %dma_start3A_136 = tpu.memref_slice %arg12[%add3A_55, %dma_start3A_135] : memref<10240x128xf32, #tpu.memory_space<vmem_shared>> -> memref<32x128xf32, #tpu.memory_space<vmem_shared>>
      %dma_start3A_137 = arith.constant 0 : i32
      %dma_start3A_138 = tpu.memref_slice %arg12[%add3A_55, %dma_start3A_137] : memref<10240x128xf32, #tpu.memory_space<vmem_shared>> -> memref<32x128xf32, #tpu.memory_space<vmem_shared>>
      tpu.enqueue_dma source(%arg11 : memref<32x128xf32, #tpu.memory_space<vmem>>) target(%dma_start3A_138 : memref<32x128xf32, #tpu.memory_space<vmem_shared>>) target_semaphore(%run_scoped3A_134 : memref<!tpu.dma_semaphore, #tpu.memory_space<semaphore_mem>>)
      %dma_wait3A_139 = arith.constant 0 : i32
      %dma_wait3A_140 = tpu.memref_slice %arg12[%add3A_55, %dma_wait3A_139] : memref<10240x128xf32, #tpu.memory_space<vmem_shared>> -> memref<32x128xf32, #tpu.memory_space<vmem_shared>>
      %dma_wait3A_141 = arith.constant 0 : i32
      %dma_wait3A_142 = tpu.memref_slice %arg12[%add3A_55, %dma_wait3A_141] : memref<10240x128xf32, #tpu.memory_space<vmem_shared>> -> memref<32x128xf32, #tpu.memory_space<vmem_shared>>
      tpu.wait_dma2 semaphore(%run_scoped3A_134 : memref<!tpu.dma_semaphore, #tpu.memory_space<semaphore_mem>>) src(%arg11 : memref<32x128xf32, #tpu.memory_space<vmem>>) dst(%dma_wait3A_142 : memref<32x128xf32, #tpu.memory_space<vmem_shared>>)
      tpu.yield
    }) : () -> ()
    %mul3A_56 = arith.constant 640 : i32
    %mul3A_57 = arith.muli %arg1, %mul3A_56 : i32
    %add3A_58 = arith.constant 384 : i32
    %add3A_59 = arith.addi %mul3A_57, %add3A_58 : i32
    "tpu.region"() ({
      %run_scoped3A_134 = tpu.sem_alloc : memref<!tpu.dma_semaphore, #tpu.memory_space<semaphore_mem>>
      %dma_start3A_135 = arith.constant 0 : i32
      %dma_start3A_136 = tpu.memref_slice %arg12[%add3A_59, %dma_start3A_135] : memref<10240x128xf32, #tpu.memory_space<vmem_shared>> -> memref<32x128xf32, #tpu.memory_space<vmem_shared>>
      %dma_start3A_137 = arith.constant 0 : i32
      %dma_start3A_138 = tpu.memref_slice %arg12[%add3A_59, %dma_start3A_137] : memref<10240x128xf32, #tpu.memory_space<vmem_shared>> -> memref<32x128xf32, #tpu.memory_space<vmem_shared>>
      tpu.enqueue_dma source(%arg11 : memref<32x128xf32, #tpu.memory_space<vmem>>) target(%dma_start3A_138 : memref<32x128xf32, #tpu.memory_space<vmem_shared>>) target_semaphore(%run_scoped3A_134 : memref<!tpu.dma_semaphore, #tpu.memory_space<semaphore_mem>>)
      %dma_wait3A_139 = arith.constant 0 : i32
      %dma_wait3A_140 = tpu.memref_slice %arg12[%add3A_59, %dma_wait3A_139] : memref<10240x128xf32, #tpu.memory_space<vmem_shared>> -> memref<32x128xf32, #tpu.memory_space<vmem_shared>>
      %dma_wait3A_141 = arith.constant 0 : i32
      %dma_wait3A_142 = tpu.memref_slice %arg12[%add3A_59, %dma_wait3A_141] : memref<10240x128xf32, #tpu.memory_space<vmem_shared>> -> memref<32x128xf32, #tpu.memory_space<vmem_shared>>
      tpu.wait_dma2 semaphore(%run_scoped3A_134 : memref<!tpu.dma_semaphore, #tpu.memory_space<semaphore_mem>>) src(%arg11 : memref<32x128xf32, #tpu.memory_space<vmem>>) dst(%dma_wait3A_142 : memref<32x128xf32, #tpu.memory_space<vmem_shared>>)
      tpu.yield
    }) : () -> ()
    %mul3A_60 = arith.constant 640 : i32
    %mul3A_61 = arith.muli %arg1, %mul3A_60 : i32
    %add3A_62 = arith.constant 416 : i32
    %add3A_63 = arith.addi %mul3A_61, %add3A_62 : i32
    "tpu.region"() ({
      %run_scoped3A_134 = tpu.sem_alloc : memref<!tpu.dma_semaphore, #tpu.memory_space<semaphore_mem>>
      %dma_start3A_135 = arith.constant 0 : i32
      %dma_start3A_136 = tpu.memref_slice %arg12[%add3A_63, %dma_start3A_135] : memref<10240x128xf32, #tpu.memory_space<vmem_shared>> -> memref<32x128xf32, #tpu.memory_space<vmem_shared>>
      %dma_start3A_137 = arith.constant 0 : i32
      %dma_start3A_138 = tpu.memref_slice %arg12[%add3A_63, %dma_start3A_137] : memref<10240x128xf32, #tpu.memory_space<vmem_shared>> -> memref<32x128xf32, #tpu.memory_space<vmem_shared>>
      tpu.enqueue_dma source(%arg11 : memref<32x128xf32, #tpu.memory_space<vmem>>) target(%dma_start3A_138 : memref<32x128xf32, #tpu.memory_space<vmem_shared>>) target_semaphore(%run_scoped3A_134 : memref<!tpu.dma_semaphore, #tpu.memory_space<semaphore_mem>>)
      %dma_wait3A_139 = arith.constant 0 : i32
      %dma_wait3A_140 = tpu.memref_slice %arg12[%add3A_63, %dma_wait3A_139] : memref<10240x128xf32, #tpu.memory_space<vmem_shared>> -> memref<32x128xf32, #tpu.memory_space<vmem_shared>>
      %dma_wait3A_141 = arith.constant 0 : i32
      %dma_wait3A_142 = tpu.memref_slice %arg12[%add3A_63, %dma_wait3A_141] : memref<10240x128xf32, #tpu.memory_space<vmem_shared>> -> memref<32x128xf32, #tpu.memory_space<vmem_shared>>
      tpu.wait_dma2 semaphore(%run_scoped3A_134 : memref<!tpu.dma_semaphore, #tpu.memory_space<semaphore_mem>>) src(%arg11 : memref<32x128xf32, #tpu.memory_space<vmem>>) dst(%dma_wait3A_142 : memref<32x128xf32, #tpu.memory_space<vmem_shared>>)
      tpu.yield
    }) : () -> ()
    %mul3A_64 = arith.constant 640 : i32
    %mul3A_65 = arith.muli %arg1, %mul3A_64 : i32
    %add3A_66 = arith.constant 448 : i32
    %add3A_67 = arith.addi %mul3A_65, %add3A_66 : i32
    "tpu.region"() ({
      %run_scoped3A_134 = tpu.sem_alloc : memref<!tpu.dma_semaphore, #tpu.memory_space<semaphore_mem>>
      %dma_start3A_135 = arith.constant 0 : i32
      %dma_start3A_136 = tpu.memref_slice %arg12[%add3A_67, %dma_start3A_135] : memref<10240x128xf32, #tpu.memory_space<vmem_shared>> -> memref<32x128xf32, #tpu.memory_space<vmem_shared>>
      %dma_start3A_137 = arith.constant 0 : i32
      %dma_start3A_138 = tpu.memref_slice %arg12[%add3A_67, %dma_start3A_137] : memref<10240x128xf32, #tpu.memory_space<vmem_shared>> -> memref<32x128xf32, #tpu.memory_space<vmem_shared>>
      tpu.enqueue_dma source(%arg11 : memref<32x128xf32, #tpu.memory_space<vmem>>) target(%dma_start3A_138 : memref<32x128xf32, #tpu.memory_space<vmem_shared>>) target_semaphore(%run_scoped3A_134 : memref<!tpu.dma_semaphore, #tpu.memory_space<semaphore_mem>>)
      %dma_wait3A_139 = arith.constant 0 : i32
      %dma_wait3A_140 = tpu.memref_slice %arg12[%add3A_67, %dma_wait3A_139] : memref<10240x128xf32, #tpu.memory_space<vmem_shared>> -> memref<32x128xf32, #tpu.memory_space<vmem_shared>>
      %dma_wait3A_141 = arith.constant 0 : i32
      %dma_wait3A_142 = tpu.memref_slice %arg12[%add3A_67, %dma_wait3A_141] : memref<10240x128xf32, #tpu.memory_space<vmem_shared>> -> memref<32x128xf32, #tpu.memory_space<vmem_shared>>
      tpu.wait_dma2 semaphore(%run_scoped3A_134 : memref<!tpu.dma_semaphore, #tpu.memory_space<semaphore_mem>>) src(%arg11 : memref<32x128xf32, #tpu.memory_space<vmem>>) dst(%dma_wait3A_142 : memref<32x128xf32, #tpu.memory_space<vmem_shared>>)
      tpu.yield
    }) : () -> ()
    %mul3A_68 = arith.constant 640 : i32
    %mul3A_69 = arith.muli %arg1, %mul3A_68 : i32
    %add3A_70 = arith.constant 480 : i32
    %add3A_71 = arith.addi %mul3A_69, %add3A_70 : i32
    "tpu.region"() ({
      %run_scoped3A_134 = tpu.sem_alloc : memref<!tpu.dma_semaphore, #tpu.memory_space<semaphore_mem>>
      %dma_start3A_135 = arith.constant 0 : i32
      %dma_start3A_136 = tpu.memref_slice %arg12[%add3A_71, %dma_start3A_135] : memref<10240x128xf32, #tpu.memory_space<vmem_shared>> -> memref<32x128xf32, #tpu.memory_space<vmem_shared>>
      %dma_start3A_137 = arith.constant 0 : i32
      %dma_start3A_138 = tpu.memref_slice %arg12[%add3A_71, %dma_start3A_137] : memref<10240x128xf32, #tpu.memory_space<vmem_shared>> -> memref<32x128xf32, #tpu.memory_space<vmem_shared>>
      tpu.enqueue_dma source(%arg11 : memref<32x128xf32, #tpu.memory_space<vmem>>) target(%dma_start3A_138 : memref<32x128xf32, #tpu.memory_space<vmem_shared>>) target_semaphore(%run_scoped3A_134 : memref<!tpu.dma_semaphore, #tpu.memory_space<semaphore_mem>>)
      %dma_wait3A_139 = arith.constant 0 : i32
      %dma_wait3A_140 = tpu.memref_slice %arg12[%add3A_71, %dma_wait3A_139] : memref<10240x128xf32, #tpu.memory_space<vmem_shared>> -> memref<32x128xf32, #tpu.memory_space<vmem_shared>>
      %dma_wait3A_141 = arith.constant 0 : i32
      %dma_wait3A_142 = tpu.memref_slice %arg12[%add3A_71, %dma_wait3A_141] : memref<10240x128xf32, #tpu.memory_space<vmem_shared>> -> memref<32x128xf32, #tpu.memory_space<vmem_shared>>
      tpu.wait_dma2 semaphore(%run_scoped3A_134 : memref<!tpu.dma_semaphore, #tpu.memory_space<semaphore_mem>>) src(%arg11 : memref<32x128xf32, #tpu.memory_space<vmem>>) dst(%dma_wait3A_142 : memref<32x128xf32, #tpu.memory_space<vmem_shared>>)
      tpu.yield
    }) : () -> ()
    %mul3A_72 = arith.constant 640 : i32
    %mul3A_73 = arith.muli %arg1, %mul3A_72 : i32
    %add3A_74 = arith.constant 512 : i32
    %add3A_75 = arith.addi %mul3A_73, %add3A_74 : i32
    "tpu.region"() ({
      %run_scoped3A_134 = tpu.sem_alloc : memref<!tpu.dma_semaphore, #tpu.memory_space<semaphore_mem>>
      %dma_start3A_135 = arith.constant 0 : i32
      %dma_start3A_136 = tpu.memref_slice %arg12[%add3A_75, %dma_start3A_135] : memref<10240x128xf32, #tpu.memory_space<vmem_shared>> -> memref<32x128xf32, #tpu.memory_space<vmem_shared>>
      %dma_start3A_137 = arith.constant 0 : i32
      %dma_start3A_138 = tpu.memref_slice %arg12[%add3A_75, %dma_start3A_137] : memref<10240x128xf32, #tpu.memory_space<vmem_shared>> -> memref<32x128xf32, #tpu.memory_space<vmem_shared>>
      tpu.enqueue_dma source(%arg11 : memref<32x128xf32, #tpu.memory_space<vmem>>) target(%dma_start3A_138 : memref<32x128xf32, #tpu.memory_space<vmem_shared>>) target_semaphore(%run_scoped3A_134 : memref<!tpu.dma_semaphore, #tpu.memory_space<semaphore_mem>>)
      %dma_wait3A_139 = arith.constant 0 : i32
      %dma_wait3A_140 = tpu.memref_slice %arg12[%add3A_75, %dma_wait3A_139] : memref<10240x128xf32, #tpu.memory_space<vmem_shared>> -> memref<32x128xf32, #tpu.memory_space<vmem_shared>>
      %dma_wait3A_141 = arith.constant 0 : i32
      %dma_wait3A_142 = tpu.memref_slice %arg12[%add3A_75, %dma_wait3A_141] : memref<10240x128xf32, #tpu.memory_space<vmem_shared>> -> memref<32x128xf32, #tpu.memory_space<vmem_shared>>
      tpu.wait_dma2 semaphore(%run_scoped3A_134 : memref<!tpu.dma_semaphore, #tpu.memory_space<semaphore_mem>>) src(%arg11 : memref<32x128xf32, #tpu.memory_space<vmem>>) dst(%dma_wait3A_142 : memref<32x128xf32, #tpu.memory_space<vmem_shared>>)
      tpu.yield
    }) : () -> ()
    %mul3A_76 = arith.constant 640 : i32
    %mul3A_77 = arith.muli %arg1, %mul3A_76 : i32
    %add3A_78 = arith.constant 544 : i32
    %add3A_79 = arith.addi %mul3A_77, %add3A_78 : i32
    "tpu.region"() ({
      %run_scoped3A_134 = tpu.sem_alloc : memref<!tpu.dma_semaphore, #tpu.memory_space<semaphore_mem>>
      %dma_start3A_135 = arith.constant 0 : i32
      %dma_start3A_136 = tpu.memref_slice %arg12[%add3A_79, %dma_start3A_135] : memref<10240x128xf32, #tpu.memory_space<vmem_shared>> -> memref<32x128xf32, #tpu.memory_space<vmem_shared>>
      %dma_start3A_137 = arith.constant 0 : i32
      %dma_start3A_138 = tpu.memref_slice %arg12[%add3A_79, %dma_start3A_137] : memref<10240x128xf32, #tpu.memory_space<vmem_shared>> -> memref<32x128xf32, #tpu.memory_space<vmem_shared>>
      tpu.enqueue_dma source(%arg11 : memref<32x128xf32, #tpu.memory_space<vmem>>) target(%dma_start3A_138 : memref<32x128xf32, #tpu.memory_space<vmem_shared>>) target_semaphore(%run_scoped3A_134 : memref<!tpu.dma_semaphore, #tpu.memory_space<semaphore_mem>>)
      %dma_wait3A_139 = arith.constant 0 : i32
      %dma_wait3A_140 = tpu.memref_slice %arg12[%add3A_79, %dma_wait3A_139] : memref<10240x128xf32, #tpu.memory_space<vmem_shared>> -> memref<32x128xf32, #tpu.memory_space<vmem_shared>>
      %dma_wait3A_141 = arith.constant 0 : i32
      %dma_wait3A_142 = tpu.memref_slice %arg12[%add3A_79, %dma_wait3A_141] : memref<10240x128xf32, #tpu.memory_space<vmem_shared>> -> memref<32x128xf32, #tpu.memory_space<vmem_shared>>
      tpu.wait_dma2 semaphore(%run_scoped3A_134 : memref<!tpu.dma_semaphore, #tpu.memory_space<semaphore_mem>>) src(%arg11 : memref<32x128xf32, #tpu.memory_space<vmem>>) dst(%dma_wait3A_142 : memref<32x128xf32, #tpu.memory_space<vmem_shared>>)
      tpu.yield
    }) : () -> ()
    %mul3A_80 = arith.constant 640 : i32
    %mul3A_81 = arith.muli %arg1, %mul3A_80 : i32
    %add3A_82 = arith.constant 576 : i32
    %add3A_83 = arith.addi %mul3A_81, %add3A_82 : i32
    "tpu.region"() ({
      %run_scoped3A_134 = tpu.sem_alloc : memref<!tpu.dma_semaphore, #tpu.memory_space<semaphore_mem>>
      %dma_start3A_135 = arith.constant 0 : i32
      %dma_start3A_136 = tpu.memref_slice %arg12[%add3A_83, %dma_start3A_135] : memref<10240x128xf32, #tpu.memory_space<vmem_shared>> -> memref<32x128xf32, #tpu.memory_space<vmem_shared>>
      %dma_start3A_137 = arith.constant 0 : i32
      %dma_start3A_138 = tpu.memref_slice %arg12[%add3A_83, %dma_start3A_137] : memref<10240x128xf32, #tpu.memory_space<vmem_shared>> -> memref<32x128xf32, #tpu.memory_space<vmem_shared>>
      tpu.enqueue_dma source(%arg11 : memref<32x128xf32, #tpu.memory_space<vmem>>) target(%dma_start3A_138 : memref<32x128xf32, #tpu.memory_space<vmem_shared>>) target_semaphore(%run_scoped3A_134 : memref<!tpu.dma_semaphore, #tpu.memory_space<semaphore_mem>>)
      %dma_wait3A_139 = arith.constant 0 : i32
      %dma_wait3A_140 = tpu.memref_slice %arg12[%add3A_83, %dma_wait3A_139] : memref<10240x128xf32, #tpu.memory_space<vmem_shared>> -> memref<32x128xf32, #tpu.memory_space<vmem_shared>>
      %dma_wait3A_141 = arith.constant 0 : i32
      %dma_wait3A_142 = tpu.memref_slice %arg12[%add3A_83, %dma_wait3A_141] : memref<10240x128xf32, #tpu.memory_space<vmem_shared>> -> memref<32x128xf32, #tpu.memory_space<vmem_shared>>
      tpu.wait_dma2 semaphore(%run_scoped3A_134 : memref<!tpu.dma_semaphore, #tpu.memory_space<semaphore_mem>>) src(%arg11 : memref<32x128xf32, #tpu.memory_space<vmem>>) dst(%dma_wait3A_142 : memref<32x128xf32, #tpu.memory_space<vmem_shared>>)
      tpu.yield
    }) : () -> ()
    %mul3A_84 = arith.constant 640 : i32
    %mul3A_85 = arith.muli %arg1, %mul3A_84 : i32
    %add3A_86 = arith.constant 608 : i32
    %add3A_87 = arith.addi %mul3A_85, %add3A_86 : i32
    "tpu.region"() ({
      %run_scoped3A_134 = tpu.sem_alloc : memref<!tpu.dma_semaphore, #tpu.memory_space<semaphore_mem>>
      %dma_start3A_135 = arith.constant 0 : i32
      %dma_start3A_136 = tpu.memref_slice %arg12[%add3A_87, %dma_start3A_135] : memref<10240x128xf32, #tpu.memory_space<vmem_shared>> -> memref<32x128xf32, #tpu.memory_space<vmem_shared>>
      %dma_start3A_137 = arith.constant 0 : i32
      %dma_start3A_138 = tpu.memref_slice %arg12[%add3A_87, %dma_start3A_137] : memref<10240x128xf32, #tpu.memory_space<vmem_shared>> -> memref<32x128xf32, #tpu.memory_space<vmem_shared>>
      tpu.enqueue_dma source(%arg11 : memref<32x128xf32, #tpu.memory_space<vmem>>) target(%dma_start3A_138 : memref<32x128xf32, #tpu.memory_space<vmem_shared>>) target_semaphore(%run_scoped3A_134 : memref<!tpu.dma_semaphore, #tpu.memory_space<semaphore_mem>>)
      %dma_wait3A_139 = arith.constant 0 : i32
      %dma_wait3A_140 = tpu.memref_slice %arg12[%add3A_87, %dma_wait3A_139] : memref<10240x128xf32, #tpu.memory_space<vmem_shared>> -> memref<32x128xf32, #tpu.memory_space<vmem_shared>>
      %dma_wait3A_141 = arith.constant 0 : i32
      %dma_wait3A_142 = tpu.memref_slice %arg12[%add3A_87, %dma_wait3A_141] : memref<10240x128xf32, #tpu.memory_space<vmem_shared>> -> memref<32x128xf32, #tpu.memory_space<vmem_shared>>
      tpu.wait_dma2 semaphore(%run_scoped3A_134 : memref<!tpu.dma_semaphore, #tpu.memory_space<semaphore_mem>>) src(%arg11 : memref<32x128xf32, #tpu.memory_space<vmem>>) dst(%dma_wait3A_142 : memref<32x128xf32, #tpu.memory_space<vmem_shared>>)
      tpu.yield
    }) : () -> ()
    %barrier3A = arith.constant 0 : index
    tpu.barrier barrier_id(%barrier3A)
    %add3A_88 = arith.constant 0 : i32
    %add3A_89 = arith.addi %mul3A_2, %add3A_88 : i32
    %dma_start3A = arith.constant 0 : i32
    %dma_start3A_90 = arith.constant 0 : i32
    %dma_start3A_91 = tpu.memref_slice %arg3[%add3A_89, %dma_start3A, %dma_start3A_90] : memref<2560x2x128xi32, #tpu.memory_space<hbm>> -> memref<1x2x128xi32, #tpu.memory_space<hbm>>
    %dma_start3A_92 = tpu.memref_squeeze %dma_start3A_91 : memref<1x2x128xi32, #tpu.memory_space<hbm>> -> memref<2x128xi32, #tpu.memory_space<hbm>>
    %dma_start3A_93 = arith.constant 0 : i32
    %dma_start3A_94 = arith.constant 0 : i32
    %dma_start3A_95 = tpu.memref_slice %arg3[%add3A_89, %dma_start3A_93, %dma_start3A_94] : memref<2560x2x128xi32, #tpu.memory_space<hbm>> -> memref<1x2x128xi32, #tpu.memory_space<hbm>>
    %dma_start3A_96 = tpu.memref_squeeze %dma_start3A_95 : memref<1x2x128xi32, #tpu.memory_space<hbm>> -> memref<2x128xi32, #tpu.memory_space<hbm>>
    tpu.enqueue_dma source(%dma_start3A_96 : memref<2x128xi32, #tpu.memory_space<hbm>>) target(%arg5 : memref<2x128xi32, #tpu.memory_space<vmem>>) target_semaphore(%arg13 : memref<!tpu.dma_semaphore, #tpu.memory_space<semaphore_mem>>)
    %add3A_97 = arith.constant 1 : i32
    %add3A_98 = arith.addi %mul3A_2, %add3A_97 : i32
    %dma_start3A_99 = arith.constant 0 : i32
    %dma_start3A_100 = arith.constant 0 : i32
    %dma_start3A_101 = tpu.memref_slice %arg3[%add3A_98, %dma_start3A_99, %dma_start3A_100] : memref<2560x2x128xi32, #tpu.memory_space<hbm>> -> memref<1x2x128xi32, #tpu.memory_space<hbm>>
    %dma_start3A_102 = tpu.memref_squeeze %dma_start3A_101 : memref<1x2x128xi32, #tpu.memory_space<hbm>> -> memref<2x128xi32, #tpu.memory_space<hbm>>
    %dma_start3A_103 = arith.constant 0 : i32
    %dma_start3A_104 = arith.constant 0 : i32
    %dma_start3A_105 = tpu.memref_slice %arg3[%add3A_98, %dma_start3A_103, %dma_start3A_104] : memref<2560x2x128xi32, #tpu.memory_space<hbm>> -> memref<1x2x128xi32, #tpu.memory_space<hbm>>
    %dma_start3A_106 = tpu.memref_squeeze %dma_start3A_105 : memref<1x2x128xi32, #tpu.memory_space<hbm>> -> memref<2x128xi32, #tpu.memory_space<hbm>>
    tpu.enqueue_dma source(%dma_start3A_106 : memref<2x128xi32, #tpu.memory_space<hbm>>) target(%arg6 : memref<2x128xi32, #tpu.memory_space<vmem>>) target_semaphore(%arg14 : memref<!tpu.dma_semaphore, #tpu.memory_space<semaphore_mem>>)
    %add3A_107 = arith.constant 2 : i32
    %add3A_108 = arith.addi %mul3A_2, %add3A_107 : i32
    %dma_start3A_109 = arith.constant 0 : i32
    %dma_start3A_110 = arith.constant 0 : i32
    %dma_start3A_111 = tpu.memref_slice %arg3[%add3A_108, %dma_start3A_109, %dma_start3A_110] : memref<2560x2x128xi32, #tpu.memory_space<hbm>> -> memref<1x2x128xi32, #tpu.memory_space<hbm>>
    %dma_start3A_112 = tpu.memref_squeeze %dma_start3A_111 : memref<1x2x128xi32, #tpu.memory_space<hbm>> -> memref<2x128xi32, #tpu.memory_space<hbm>>
    %dma_start3A_113 = arith.constant 0 : i32
    %dma_start3A_114 = arith.constant 0 : i32
    %dma_start3A_115 = tpu.memref_slice %arg3[%add3A_108, %dma_start3A_113, %dma_start3A_114] : memref<2560x2x128xi32, #tpu.memory_space<hbm>> -> memref<1x2x128xi32, #tpu.memory_space<hbm>>
    %dma_start3A_116 = tpu.memref_squeeze %dma_start3A_115 : memref<1x2x128xi32, #tpu.memory_space<hbm>> -> memref<2x128xi32, #tpu.memory_space<hbm>>
    tpu.enqueue_dma source(%dma_start3A_116 : memref<2x128xi32, #tpu.memory_space<hbm>>) target(%arg7 : memref<2x128xi32, #tpu.memory_space<vmem>>) target_semaphore(%arg15 : memref<!tpu.dma_semaphore, #tpu.memory_space<semaphore_mem>>)
    %scan3A_117 = arith.constant 0 : i32
    %scan3A_118 = arith.constant 0 : i32
    %scan3A_119 = arith.constant 20 : i32
    %scan3A_120 = arith.addi %scan3A_118, %scan3A_119 : i32
    %scan3A_121 = arith.constant 1 : i32
    scf.for %scan3A_134 = %scan3A_118 to %scan3A_120 step %scan3A_121  : i32 {
      %mul3A_135 = arith.constant 4 : i32
      %mul3A_136 = arith.muli %scan3A_134, %mul3A_135 : i32
      %add3A_137 = arith.constant 0 : i32
      %add3A_138 = arith.addi %mul3A_136, %add3A_137 : i32
      %dma_wait3A_139 = arith.constant 0 : i32
      %dma_wait3A_140 = arith.constant 0 : i32
      %dma_wait3A_141 = arith.constant 0 : i32
      %dma_wait3A_142 = tpu.memref_slice %arg3[%dma_wait3A_139, %dma_wait3A_140, %dma_wait3A_141] : memref<2560x2x128xi32, #tpu.memory_space<hbm>> -> memref<1x2x128xi32, #tpu.memory_space<hbm>>
      %dma_wait3A_143 = tpu.memref_squeeze %dma_wait3A_142 : memref<1x2x128xi32, #tpu.memory_space<hbm>> -> memref<2x128xi32, #tpu.memory_space<hbm>>
      %dma_wait3A_144 = arith.constant 0 : i32
      %dma_wait3A_145 = arith.constant 0 : i32
      %dma_wait3A_146 = tpu.memref_slice %arg3[%dma_wait3A_139, %dma_wait3A_144, %dma_wait3A_145] : memref<2560x2x128xi32, #tpu.memory_space<hbm>> -> memref<1x2x128xi32, #tpu.memory_space<hbm>>
      %dma_wait3A_147 = tpu.memref_squeeze %dma_wait3A_146 : memref<1x2x128xi32, #tpu.memory_space<hbm>> -> memref<2x128xi32, #tpu.memory_space<hbm>>
      tpu.wait_dma2 semaphore(%arg13 : memref<!tpu.dma_semaphore, #tpu.memory_space<semaphore_mem>>) src(%dma_wait3A_147 : memref<2x128xi32, #tpu.memory_space<hbm>>) dst(%arg5 : memref<2x128xi32, #tpu.memory_space<vmem>>)
      %dma_start3A_148 = arith.constant 0 : i32
      %dma_start3A_149 = arith.constant 0 : i32
      %dma_start3A_150 = tpu.memref_slice %arg5[%dma_start3A_148, %dma_start3A_149] : memref<2x128xi32, #tpu.memory_space<vmem>> -> memref<1x128xi32, #tpu.memory_space<vmem>>
      %dma_start3A_151 = tpu.memref_squeeze %dma_start3A_150 : memref<1x128xi32, #tpu.memory_space<vmem>> -> memref<128xi32, #tpu.memory_space<vmem>>
      %dma_start3A_152 = arith.constant 0 : i32
      %dma_start3A_153 = arith.constant 0 : i32
      %dma_start3A_154 = tpu.memref_slice %arg2[%dma_start3A_152, %dma_start3A_153] : memref<10000x128xf32, #tpu.memory_space<hbm>> -> memref<10000x128xf32, #tpu.memory_space<hbm>>
      tpu.enqueue_indirect_dma source(%dma_start3A_154 : memref<10000x128xf32, #tpu.memory_space<hbm>>) target(%arg9 : memref<128x128xf32, #tpu.memory_space<vmem>>) offsets(%dma_start3A_151 : memref<128xi32, #tpu.memory_space<vmem>>) semaphore(%arg17 : memref<!tpu.dma_semaphore, #tpu.memory_space<semaphore_mem>>)
      %gt3A = arith.constant 0 : i32
      %gt3A_155 = arith.cmpi sgt, %add3A_138, %gt3A : i32
      %convert_element_type3A = arith.extui %gt3A_155 : i1 to i32
      %cond3A = arith.constant 0 : i32
      %cond3A_156 = arith.cmpi ne, %convert_element_type3A, %cond3A : i32
      scf.if %cond3A_156 {
        %dma_wait3A_268 = arith.constant 0 : i32
        %dma_wait3A_269 = arith.constant 0 : i32
        %dma_wait3A_270 = tpu.memref_slice %arg8[%dma_wait3A_268, %dma_wait3A_269] : memref<2x128xi32, #tpu.memory_space<vmem>> -> memref<1x128xi32, #tpu.memory_space<vmem>>
        %dma_wait3A_271 = tpu.memref_squeeze %dma_wait3A_270 : memref<1x128xi32, #tpu.memory_space<vmem>> -> memref<128xi32, #tpu.memory_space<vmem>>
        %dma_wait3A_272 = arith.constant 0 : i32
        %dma_wait3A_273 = arith.constant 0 : i32
        %dma_wait3A_274 = tpu.memref_slice %arg2[%dma_wait3A_272, %dma_wait3A_273] : memref<10000x128xf32, #tpu.memory_space<hbm>> -> memref<10000x128xf32, #tpu.memory_space<hbm>>
        tpu.wait_indirect_dma semaphore(%arg18 : memref<!tpu.dma_semaphore, #tpu.memory_space<semaphore_mem>>) src(%dma_wait3A_274 : memref<10000x128xf32, #tpu.memory_space<hbm>>) dst(%arg10 : memref<128x128xf32, #tpu.memory_space<vmem>>)
        %run_scoped3A_275 = arith.constant 1 : i32
        "tpu.region"() ({
          %run_scoped3A_276 = tpu.sem_alloc : memref<!tpu.dma_semaphore, #tpu.memory_space<semaphore_mem>>
          %dma_start3A_277 = arith.constant 0 : i32
          %dma_start3A_278 = tpu.memref_slice %arg8[%run_scoped3A_275, %dma_start3A_277] : memref<2x128xi32, #tpu.memory_space<vmem>> -> memref<1x128xi32, #tpu.memory_space<vmem>>
          %dma_start3A_279 = tpu.memref_squeeze %dma_start3A_278 : memref<1x128xi32, #tpu.memory_space<vmem>> -> memref<128xi32, #tpu.memory_space<vmem>>
          %dma_start3A_280 = arith.constant 0 : i32
          %dma_start3A_281 = arith.constant 0 : i32
          %dma_start3A_282 = tpu.memref_slice %arg12[%dma_start3A_280, %dma_start3A_281] : memref<10240x128xf32, #tpu.memory_space<vmem_shared>> -> memref<10240x128xf32, #tpu.memory_space<vmem_shared>>
          tpu.enqueue_indirect_dma source(%arg10 : memref<128x128xf32, #tpu.memory_space<vmem>>) target(%dma_start3A_282 : memref<10240x128xf32, #tpu.memory_space<vmem_shared>>) offsets(%dma_start3A_279 : memref<128xi32, #tpu.memory_space<vmem>>) semaphore(%run_scoped3A_276 : memref<!tpu.dma_semaphore, #tpu.memory_space<semaphore_mem>>) {add = true}
          %dma_wait3A_283 = arith.constant 0 : i32
          %dma_wait3A_284 = tpu.memref_slice %arg8[%run_scoped3A_275, %dma_wait3A_283] : memref<2x128xi32, #tpu.memory_space<vmem>> -> memref<1x128xi32, #tpu.memory_space<vmem>>
          %dma_wait3A_285 = tpu.memref_squeeze %dma_wait3A_284 : memref<1x128xi32, #tpu.memory_space<vmem>> -> memref<128xi32, #tpu.memory_space<vmem>>
          %dma_wait3A_286 = arith.constant 0 : i32
          %dma_wait3A_287 = arith.constant 0 : i32
          %dma_wait3A_288 = tpu.memref_slice %arg12[%dma_wait3A_286, %dma_wait3A_287] : memref<10240x128xf32, #tpu.memory_space<vmem_shared>> -> memref<10240x128xf32, #tpu.memory_space<vmem_shared>>
          tpu.wait_indirect_dma semaphore(%run_scoped3A_276 : memref<!tpu.dma_semaphore, #tpu.memory_space<semaphore_mem>>) src(%arg10 : memref<128x128xf32, #tpu.memory_space<vmem>>) dst(%dma_wait3A_288 : memref<10240x128xf32, #tpu.memory_space<vmem_shared>>)
          tpu.yield
        }) : () -> ()
      } else {
      }
      %add3A_157 = arith.constant 3 : i32
      %add3A_158 = arith.addi %add3A_138, %add3A_157 : i32
      %lt3A = arith.constant 80 : i32
      %lt3A_159 = arith.cmpi slt, %add3A_158, %lt3A : i32
      %convert_element_type3A_160 = arith.extui %lt3A_159 : i1 to i32
      %cond3A_161 = arith.constant 0 : i32
      %cond3A_162 = arith.cmpi ne, %convert_element_type3A_160, %cond3A_161 : i32
      scf.if %cond3A_162 {
        %add3A_268 = arith.constant 3 : i32
        %add3A_269 = arith.addi %add3A_138, %add3A_268 : i32
        %add3A_270 = arith.addi %mul3A_2, %add3A_269 : i32
        %dma_start3A_271 = arith.constant 0 : i32
        %dma_start3A_272 = arith.constant 0 : i32
        %dma_start3A_273 = tpu.memref_slice %arg3[%add3A_270, %dma_start3A_271, %dma_start3A_272] : memref<2560x2x128xi32, #tpu.memory_space<hbm>> -> memref<1x2x128xi32, #tpu.memory_space<hbm>>
        %dma_start3A_274 = tpu.memref_squeeze %dma_start3A_273 : memref<1x2x128xi32, #tpu.memory_space<hbm>> -> memref<2x128xi32, #tpu.memory_space<hbm>>
        %dma_start3A_275 = arith.constant 0 : i32
        %dma_start3A_276 = arith.constant 0 : i32
        %dma_start3A_277 = tpu.memref_slice %arg3[%add3A_270, %dma_start3A_275, %dma_start3A_276] : memref<2560x2x128xi32, #tpu.memory_space<hbm>> -> memref<1x2x128xi32, #tpu.memory_space<hbm>>
        %dma_start3A_278 = tpu.memref_squeeze %dma_start3A_277 : memref<1x2x128xi32, #tpu.memory_space<hbm>> -> memref<2x128xi32, #tpu.memory_space<hbm>>
        tpu.enqueue_dma source(%dma_start3A_278 : memref<2x128xi32, #tpu.memory_space<hbm>>) target(%arg8 : memref<2x128xi32, #tpu.memory_space<vmem>>) target_semaphore(%arg16 : memref<!tpu.dma_semaphore, #tpu.memory_space<semaphore_mem>>)
      } else {
      }
      %mul3A_163 = arith.constant 4 : i32
      %mul3A_164 = arith.muli %scan3A_134, %mul3A_163 : i32
      %add3A_165 = arith.constant 1 : i32
      %add3A_166 = arith.addi %mul3A_164, %add3A_165 : i32
      %dma_wait3A_167 = arith.constant 0 : i32
      %dma_wait3A_168 = arith.constant 0 : i32
      %dma_wait3A_169 = arith.constant 0 : i32
      %dma_wait3A_170 = tpu.memref_slice %arg3[%dma_wait3A_167, %dma_wait3A_168, %dma_wait3A_169] : memref<2560x2x128xi32, #tpu.memory_space<hbm>> -> memref<1x2x128xi32, #tpu.memory_space<hbm>>
      %dma_wait3A_171 = tpu.memref_squeeze %dma_wait3A_170 : memref<1x2x128xi32, #tpu.memory_space<hbm>> -> memref<2x128xi32, #tpu.memory_space<hbm>>
      %dma_wait3A_172 = arith.constant 0 : i32
      %dma_wait3A_173 = arith.constant 0 : i32
      %dma_wait3A_174 = tpu.memref_slice %arg3[%dma_wait3A_167, %dma_wait3A_172, %dma_wait3A_173] : memref<2560x2x128xi32, #tpu.memory_space<hbm>> -> memref<1x2x128xi32, #tpu.memory_space<hbm>>
      %dma_wait3A_175 = tpu.memref_squeeze %dma_wait3A_174 : memref<1x2x128xi32, #tpu.memory_space<hbm>> -> memref<2x128xi32, #tpu.memory_space<hbm>>
      tpu.wait_dma2 semaphore(%arg14 : memref<!tpu.dma_semaphore, #tpu.memory_space<semaphore_mem>>) src(%dma_wait3A_175 : memref<2x128xi32, #tpu.memory_space<hbm>>) dst(%arg6 : memref<2x128xi32, #tpu.memory_space<vmem>>)
      %dma_start3A_176 = arith.constant 0 : i32
      %dma_start3A_177 = arith.constant 0 : i32
      %dma_start3A_178 = tpu.memref_slice %arg6[%dma_start3A_176, %dma_start3A_177] : memref<2x128xi32, #tpu.memory_space<vmem>> -> memref<1x128xi32, #tpu.memory_space<vmem>>
      %dma_start3A_179 = tpu.memref_squeeze %dma_start3A_178 : memref<1x128xi32, #tpu.memory_space<vmem>> -> memref<128xi32, #tpu.memory_space<vmem>>
      %dma_start3A_180 = arith.constant 0 : i32
      %dma_start3A_181 = arith.constant 0 : i32
      %dma_start3A_182 = tpu.memref_slice %arg2[%dma_start3A_180, %dma_start3A_181] : memref<10000x128xf32, #tpu.memory_space<hbm>> -> memref<10000x128xf32, #tpu.memory_space<hbm>>
      tpu.enqueue_indirect_dma source(%dma_start3A_182 : memref<10000x128xf32, #tpu.memory_space<hbm>>) target(%arg10 : memref<128x128xf32, #tpu.memory_space<vmem>>) offsets(%dma_start3A_179 : memref<128xi32, #tpu.memory_space<vmem>>) semaphore(%arg18 : memref<!tpu.dma_semaphore, #tpu.memory_space<semaphore_mem>>)
      %dma_wait3A_183 = arith.constant 0 : i32
      %dma_wait3A_184 = arith.constant 0 : i32
      %dma_wait3A_185 = tpu.memref_slice %arg5[%dma_wait3A_183, %dma_wait3A_184] : memref<2x128xi32, #tpu.memory_space<vmem>> -> memref<1x128xi32, #tpu.memory_space<vmem>>
      %dma_wait3A_186 = tpu.memref_squeeze %dma_wait3A_185 : memref<1x128xi32, #tpu.memory_space<vmem>> -> memref<128xi32, #tpu.memory_space<vmem>>
      %dma_wait3A_187 = arith.constant 0 : i32
      %dma_wait3A_188 = arith.constant 0 : i32
      %dma_wait3A_189 = tpu.memref_slice %arg2[%dma_wait3A_187, %dma_wait3A_188] : memref<10000x128xf32, #tpu.memory_space<hbm>> -> memref<10000x128xf32, #tpu.memory_space<hbm>>
      tpu.wait_indirect_dma semaphore(%arg17 : memref<!tpu.dma_semaphore, #tpu.memory_space<semaphore_mem>>) src(%dma_wait3A_189 : memref<10000x128xf32, #tpu.memory_space<hbm>>) dst(%arg9 : memref<128x128xf32, #tpu.memory_space<vmem>>)
      %run_scoped3A_190 = arith.constant 1 : i32
      "tpu.region"() ({
        %run_scoped3A_268 = tpu.sem_alloc : memref<!tpu.dma_semaphore, #tpu.memory_space<semaphore_mem>>
        %dma_start3A_269 = arith.constant 0 : i32
        %dma_start3A_270 = tpu.memref_slice %arg5[%run_scoped3A_190, %dma_start3A_269] : memref<2x128xi32, #tpu.memory_space<vmem>> -> memref<1x128xi32, #tpu.memory_space<vmem>>
        %dma_start3A_271 = tpu.memref_squeeze %dma_start3A_270 : memref<1x128xi32, #tpu.memory_space<vmem>> -> memref<128xi32, #tpu.memory_space<vmem>>
        %dma_start3A_272 = arith.constant 0 : i32
        %dma_start3A_273 = arith.constant 0 : i32
        %dma_start3A_274 = tpu.memref_slice %arg12[%dma_start3A_272, %dma_start3A_273] : memref<10240x128xf32, #tpu.memory_space<vmem_shared>> -> memref<10240x128xf32, #tpu.memory_space<vmem_shared>>
        tpu.enqueue_indirect_dma source(%arg9 : memref<128x128xf32, #tpu.memory_space<vmem>>) target(%dma_start3A_274 : memref<10240x128xf32, #tpu.memory_space<vmem_shared>>) offsets(%dma_start3A_271 : memref<128xi32, #tpu.memory_space<vmem>>) semaphore(%run_scoped3A_268 : memref<!tpu.dma_semaphore, #tpu.memory_space<semaphore_mem>>) {add = true}
        %dma_wait3A_275 = arith.constant 0 : i32
        %dma_wait3A_276 = tpu.memref_slice %arg5[%run_scoped3A_190, %dma_wait3A_275] : memref<2x128xi32, #tpu.memory_space<vmem>> -> memref<1x128xi32, #tpu.memory_space<vmem>>
        %dma_wait3A_277 = tpu.memref_squeeze %dma_wait3A_276 : memref<1x128xi32, #tpu.memory_space<vmem>> -> memref<128xi32, #tpu.memory_space<vmem>>
        %dma_wait3A_278 = arith.constant 0 : i32
        %dma_wait3A_279 = arith.constant 0 : i32
        %dma_wait3A_280 = tpu.memref_slice %arg12[%dma_wait3A_278, %dma_wait3A_279] : memref<10240x128xf32, #tpu.memory_space<vmem_shared>> -> memref<10240x128xf32, #tpu.memory_space<vmem_shared>>
        tpu.wait_indirect_dma semaphore(%run_scoped3A_268 : memref<!tpu.dma_semaphore, #tpu.memory_space<semaphore_mem>>) src(%arg9 : memref<128x128xf32, #tpu.memory_space<vmem>>) dst(%dma_wait3A_280 : memref<10240x128xf32, #tpu.memory_space<vmem_shared>>)
        tpu.yield
      }) : () -> ()
      %add3A_191 = arith.constant 3 : i32
      %add3A_192 = arith.addi %add3A_166, %add3A_191 : i32
      %lt3A_193 = arith.constant 80 : i32
      %lt3A_194 = arith.cmpi slt, %add3A_192, %lt3A_193 : i32
      %convert_element_type3A_195 = arith.extui %lt3A_194 : i1 to i32
      %cond3A_196 = arith.constant 0 : i32
      %cond3A_197 = arith.cmpi ne, %convert_element_type3A_195, %cond3A_196 : i32
      scf.if %cond3A_197 {
        %add3A_268 = arith.constant 3 : i32
        %add3A_269 = arith.addi %add3A_166, %add3A_268 : i32
        %add3A_270 = arith.addi %mul3A_2, %add3A_269 : i32
        %dma_start3A_271 = arith.constant 0 : i32
        %dma_start3A_272 = arith.constant 0 : i32
        %dma_start3A_273 = tpu.memref_slice %arg3[%add3A_270, %dma_start3A_271, %dma_start3A_272] : memref<2560x2x128xi32, #tpu.memory_space<hbm>> -> memref<1x2x128xi32, #tpu.memory_space<hbm>>
        %dma_start3A_274 = tpu.memref_squeeze %dma_start3A_273 : memref<1x2x128xi32, #tpu.memory_space<hbm>> -> memref<2x128xi32, #tpu.memory_space<hbm>>
        %dma_start3A_275 = arith.constant 0 : i32
        %dma_start3A_276 = arith.constant 0 : i32
        %dma_start3A_277 = tpu.memref_slice %arg3[%add3A_270, %dma_start3A_275, %dma_start3A_276] : memref<2560x2x128xi32, #tpu.memory_space<hbm>> -> memref<1x2x128xi32, #tpu.memory_space<hbm>>
        %dma_start3A_278 = tpu.memref_squeeze %dma_start3A_277 : memref<1x2x128xi32, #tpu.memory_space<hbm>> -> memref<2x128xi32, #tpu.memory_space<hbm>>
        tpu.enqueue_dma source(%dma_start3A_278 : memref<2x128xi32, #tpu.memory_space<hbm>>) target(%arg5 : memref<2x128xi32, #tpu.memory_space<vmem>>) target_semaphore(%arg13 : memref<!tpu.dma_semaphore, #tpu.memory_space<semaphore_mem>>)
      } else {
      }
      %mul3A_198 = arith.constant 4 : i32
      %mul3A_199 = arith.muli %scan3A_134, %mul3A_198 : i32
      %add3A_200 = arith.constant 2 : i32
      %add3A_201 = arith.addi %mul3A_199, %add3A_200 : i32
      %dma_wait3A_202 = arith.constant 0 : i32
      %dma_wait3A_203 = arith.constant 0 : i32
      %dma_wait3A_204 = arith.constant 0 : i32
      %dma_wait3A_205 = tpu.memref_slice %arg3[%dma_wait3A_202, %dma_wait3A_203, %dma_wait3A_204] : memref<2560x2x128xi32, #tpu.memory_space<hbm>> -> memref<1x2x128xi32, #tpu.memory_space<hbm>>
      %dma_wait3A_206 = tpu.memref_squeeze %dma_wait3A_205 : memref<1x2x128xi32, #tpu.memory_space<hbm>> -> memref<2x128xi32, #tpu.memory_space<hbm>>
      %dma_wait3A_207 = arith.constant 0 : i32
      %dma_wait3A_208 = arith.constant 0 : i32
      %dma_wait3A_209 = tpu.memref_slice %arg3[%dma_wait3A_202, %dma_wait3A_207, %dma_wait3A_208] : memref<2560x2x128xi32, #tpu.memory_space<hbm>> -> memref<1x2x128xi32, #tpu.memory_space<hbm>>
      %dma_wait3A_210 = tpu.memref_squeeze %dma_wait3A_209 : memref<1x2x128xi32, #tpu.memory_space<hbm>> -> memref<2x128xi32, #tpu.memory_space<hbm>>
      tpu.wait_dma2 semaphore(%arg15 : memref<!tpu.dma_semaphore, #tpu.memory_space<semaphore_mem>>) src(%dma_wait3A_210 : memref<2x128xi32, #tpu.memory_space<hbm>>) dst(%arg7 : memref<2x128xi32, #tpu.memory_space<vmem>>)
      %dma_start3A_211 = arith.constant 0 : i32
      %dma_start3A_212 = arith.constant 0 : i32
      %dma_start3A_213 = tpu.memref_slice %arg7[%dma_start3A_211, %dma_start3A_212] : memref<2x128xi32, #tpu.memory_space<vmem>> -> memref<1x128xi32, #tpu.memory_space<vmem>>
      %dma_start3A_214 = tpu.memref_squeeze %dma_start3A_213 : memref<1x128xi32, #tpu.memory_space<vmem>> -> memref<128xi32, #tpu.memory_space<vmem>>
      %dma_start3A_215 = arith.constant 0 : i32
      %dma_start3A_216 = arith.constant 0 : i32
      %dma_start3A_217 = tpu.memref_slice %arg2[%dma_start3A_215, %dma_start3A_216] : memref<10000x128xf32, #tpu.memory_space<hbm>> -> memref<10000x128xf32, #tpu.memory_space<hbm>>
      tpu.enqueue_indirect_dma source(%dma_start3A_217 : memref<10000x128xf32, #tpu.memory_space<hbm>>) target(%arg9 : memref<128x128xf32, #tpu.memory_space<vmem>>) offsets(%dma_start3A_214 : memref<128xi32, #tpu.memory_space<vmem>>) semaphore(%arg17 : memref<!tpu.dma_semaphore, #tpu.memory_space<semaphore_mem>>)
      %dma_wait3A_218 = arith.constant 0 : i32
      %dma_wait3A_219 = arith.constant 0 : i32
      %dma_wait3A_220 = tpu.memref_slice %arg6[%dma_wait3A_218, %dma_wait3A_219] : memref<2x128xi32, #tpu.memory_space<vmem>> -> memref<1x128xi32, #tpu.memory_space<vmem>>
      %dma_wait3A_221 = tpu.memref_squeeze %dma_wait3A_220 : memref<1x128xi32, #tpu.memory_space<vmem>> -> memref<128xi32, #tpu.memory_space<vmem>>
      %dma_wait3A_222 = arith.constant 0 : i32
      %dma_wait3A_223 = arith.constant 0 : i32
      %dma_wait3A_224 = tpu.memref_slice %arg2[%dma_wait3A_222, %dma_wait3A_223] : memref<10000x128xf32, #tpu.memory_space<hbm>> -> memref<10000x128xf32, #tpu.memory_space<hbm>>
      tpu.wait_indirect_dma semaphore(%arg18 : memref<!tpu.dma_semaphore, #tpu.memory_space<semaphore_mem>>) src(%dma_wait3A_224 : memref<10000x128xf32, #tpu.memory_space<hbm>>) dst(%arg10 : memref<128x128xf32, #tpu.memory_space<vmem>>)
      %run_scoped3A_225 = arith.constant 1 : i32
      "tpu.region"() ({
        %run_scoped3A_268 = tpu.sem_alloc : memref<!tpu.dma_semaphore, #tpu.memory_space<semaphore_mem>>
        %dma_start3A_269 = arith.constant 0 : i32
        %dma_start3A_270 = tpu.memref_slice %arg6[%run_scoped3A_225, %dma_start3A_269] : memref<2x128xi32, #tpu.memory_space<vmem>> -> memref<1x128xi32, #tpu.memory_space<vmem>>
        %dma_start3A_271 = tpu.memref_squeeze %dma_start3A_270 : memref<1x128xi32, #tpu.memory_space<vmem>> -> memref<128xi32, #tpu.memory_space<vmem>>
        %dma_start3A_272 = arith.constant 0 : i32
        %dma_start3A_273 = arith.constant 0 : i32
        %dma_start3A_274 = tpu.memref_slice %arg12[%dma_start3A_272, %dma_start3A_273] : memref<10240x128xf32, #tpu.memory_space<vmem_shared>> -> memref<10240x128xf32, #tpu.memory_space<vmem_shared>>
        tpu.enqueue_indirect_dma source(%arg10 : memref<128x128xf32, #tpu.memory_space<vmem>>) target(%dma_start3A_274 : memref<10240x128xf32, #tpu.memory_space<vmem_shared>>) offsets(%dma_start3A_271 : memref<128xi32, #tpu.memory_space<vmem>>) semaphore(%run_scoped3A_268 : memref<!tpu.dma_semaphore, #tpu.memory_space<semaphore_mem>>) {add = true}
        %dma_wait3A_275 = arith.constant 0 : i32
        %dma_wait3A_276 = tpu.memref_slice %arg6[%run_scoped3A_225, %dma_wait3A_275] : memref<2x128xi32, #tpu.memory_space<vmem>> -> memref<1x128xi32, #tpu.memory_space<vmem>>
        %dma_wait3A_277 = tpu.memref_squeeze %dma_wait3A_276 : memref<1x128xi32, #tpu.memory_space<vmem>> -> memref<128xi32, #tpu.memory_space<vmem>>
        %dma_wait3A_278 = arith.constant 0 : i32
        %dma_wait3A_279 = arith.constant 0 : i32
        %dma_wait3A_280 = tpu.memref_slice %arg12[%dma_wait3A_278, %dma_wait3A_279] : memref<10240x128xf32, #tpu.memory_space<vmem_shared>> -> memref<10240x128xf32, #tpu.memory_space<vmem_shared>>
        tpu.wait_indirect_dma semaphore(%run_scoped3A_268 : memref<!tpu.dma_semaphore, #tpu.memory_space<semaphore_mem>>) src(%arg10 : memref<128x128xf32, #tpu.memory_space<vmem>>) dst(%dma_wait3A_280 : memref<10240x128xf32, #tpu.memory_space<vmem_shared>>)
        tpu.yield
      }) : () -> ()
      %add3A_226 = arith.constant 3 : i32
      %add3A_227 = arith.addi %add3A_201, %add3A_226 : i32
      %lt3A_228 = arith.constant 80 : i32
      %lt3A_229 = arith.cmpi slt, %add3A_227, %lt3A_228 : i32
      %convert_element_type3A_230 = arith.extui %lt3A_229 : i1 to i32
      %cond3A_231 = arith.constant 0 : i32
      %cond3A_232 = arith.cmpi ne, %convert_element_type3A_230, %cond3A_231 : i32
      scf.if %cond3A_232 {
        %add3A_268 = arith.constant 3 : i32
        %add3A_269 = arith.addi %add3A_201, %add3A_268 : i32
        %add3A_270 = arith.addi %mul3A_2, %add3A_269 : i32
        %dma_start3A_271 = arith.constant 0 : i32
        %dma_start3A_272 = arith.constant 0 : i32
        %dma_start3A_273 = tpu.memref_slice %arg3[%add3A_270, %dma_start3A_271, %dma_start3A_272] : memref<2560x2x128xi32, #tpu.memory_space<hbm>> -> memref<1x2x128xi32, #tpu.memory_space<hbm>>
        %dma_start3A_274 = tpu.memref_squeeze %dma_start3A_273 : memref<1x2x128xi32, #tpu.memory_space<hbm>> -> memref<2x128xi32, #tpu.memory_space<hbm>>
        %dma_start3A_275 = arith.constant 0 : i32
        %dma_start3A_276 = arith.constant 0 : i32
        %dma_start3A_277 = tpu.memref_slice %arg3[%add3A_270, %dma_start3A_275, %dma_start3A_276] : memref<2560x2x128xi32, #tpu.memory_space<hbm>> -> memref<1x2x128xi32, #tpu.memory_space<hbm>>
        %dma_start3A_278 = tpu.memref_squeeze %dma_start3A_277 : memref<1x2x128xi32, #tpu.memory_space<hbm>> -> memref<2x128xi32, #tpu.memory_space<hbm>>
        tpu.enqueue_dma source(%dma_start3A_278 : memref<2x128xi32, #tpu.memory_space<hbm>>) target(%arg6 : memref<2x128xi32, #tpu.memory_space<vmem>>) target_semaphore(%arg14 : memref<!tpu.dma_semaphore, #tpu.memory_space<semaphore_mem>>)
      } else {
      }
      %mul3A_233 = arith.constant 4 : i32
      %mul3A_234 = arith.muli %scan3A_134, %mul3A_233 : i32
      %add3A_235 = arith.constant 3 : i32
      %add3A_236 = arith.addi %mul3A_234, %add3A_235 : i32
      %dma_wait3A_237 = arith.constant 0 : i32
      %dma_wait3A_238 = arith.constant 0 : i32
      %dma_wait3A_239 = arith.constant 0 : i32
      %dma_wait3A_240 = tpu.memref_slice %arg3[%dma_wait3A_237, %dma_wait3A_238, %dma_wait3A_239] : memref<2560x2x128xi32, #tpu.memory_space<hbm>> -> memref<1x2x128xi32, #tpu.memory_space<hbm>>
      %dma_wait3A_241 = tpu.memref_squeeze %dma_wait3A_240 : memref<1x2x128xi32, #tpu.memory_space<hbm>> -> memref<2x128xi32, #tpu.memory_space<hbm>>
      %dma_wait3A_242 = arith.constant 0 : i32
      %dma_wait3A_243 = arith.constant 0 : i32
      %dma_wait3A_244 = tpu.memref_slice %arg3[%dma_wait3A_237, %dma_wait3A_242, %dma_wait3A_243] : memref<2560x2x128xi32, #tpu.memory_space<hbm>> -> memref<1x2x128xi32, #tpu.memory_space<hbm>>
      %dma_wait3A_245 = tpu.memref_squeeze %dma_wait3A_244 : memref<1x2x128xi32, #tpu.memory_space<hbm>> -> memref<2x128xi32, #tpu.memory_space<hbm>>
      tpu.wait_dma2 semaphore(%arg16 : memref<!tpu.dma_semaphore, #tpu.memory_space<semaphore_mem>>) src(%dma_wait3A_245 : memref<2x128xi32, #tpu.memory_space<hbm>>) dst(%arg8 : memref<2x128xi32, #tpu.memory_space<vmem>>)
      %dma_start3A_246 = arith.constant 0 : i32
      %dma_start3A_247 = arith.constant 0 : i32
      %dma_start3A_248 = tpu.memref_slice %arg8[%dma_start3A_246, %dma_start3A_247] : memref<2x128xi32, #tpu.memory_space<vmem>> -> memref<1x128xi32, #tpu.memory_space<vmem>>
      %dma_start3A_249 = tpu.memref_squeeze %dma_start3A_248 : memref<1x128xi32, #tpu.memory_space<vmem>> -> memref<128xi32, #tpu.memory_space<vmem>>
      %dma_start3A_250 = arith.constant 0 : i32
      %dma_start3A_251 = arith.constant 0 : i32
      %dma_start3A_252 = tpu.memref_slice %arg2[%dma_start3A_250, %dma_start3A_251] : memref<10000x128xf32, #tpu.memory_space<hbm>> -> memref<10000x128xf32, #tpu.memory_space<hbm>>
      tpu.enqueue_indirect_dma source(%dma_start3A_252 : memref<10000x128xf32, #tpu.memory_space<hbm>>) target(%arg10 : memref<128x128xf32, #tpu.memory_space<vmem>>) offsets(%dma_start3A_249 : memref<128xi32, #tpu.memory_space<vmem>>) semaphore(%arg18 : memref<!tpu.dma_semaphore, #tpu.memory_space<semaphore_mem>>)
      %dma_wait3A_253 = arith.constant 0 : i32
      %dma_wait3A_254 = arith.constant 0 : i32
      %dma_wait3A_255 = tpu.memref_slice %arg7[%dma_wait3A_253, %dma_wait3A_254] : memref<2x128xi32, #tpu.memory_space<vmem>> -> memref<1x128xi32, #tpu.memory_space<vmem>>
      %dma_wait3A_256 = tpu.memref_squeeze %dma_wait3A_255 : memref<1x128xi32, #tpu.memory_space<vmem>> -> memref<128xi32, #tpu.memory_space<vmem>>
      %dma_wait3A_257 = arith.constant 0 : i32
      %dma_wait3A_258 = arith.constant 0 : i32
      %dma_wait3A_259 = tpu.memref_slice %arg2[%dma_wait3A_257, %dma_wait3A_258] : memref<10000x128xf32, #tpu.memory_space<hbm>> -> memref<10000x128xf32, #tpu.memory_space<hbm>>
      tpu.wait_indirect_dma semaphore(%arg17 : memref<!tpu.dma_semaphore, #tpu.memory_space<semaphore_mem>>) src(%dma_wait3A_259 : memref<10000x128xf32, #tpu.memory_space<hbm>>) dst(%arg9 : memref<128x128xf32, #tpu.memory_space<vmem>>)
      %run_scoped3A_260 = arith.constant 1 : i32
      "tpu.region"() ({
        %run_scoped3A_268 = tpu.sem_alloc : memref<!tpu.dma_semaphore, #tpu.memory_space<semaphore_mem>>
        %dma_start3A_269 = arith.constant 0 : i32
        %dma_start3A_270 = tpu.memref_slice %arg7[%run_scoped3A_260, %dma_start3A_269] : memref<2x128xi32, #tpu.memory_space<vmem>> -> memref<1x128xi32, #tpu.memory_space<vmem>>
        %dma_start3A_271 = tpu.memref_squeeze %dma_start3A_270 : memref<1x128xi32, #tpu.memory_space<vmem>> -> memref<128xi32, #tpu.memory_space<vmem>>
        %dma_start3A_272 = arith.constant 0 : i32
        %dma_start3A_273 = arith.constant 0 : i32
        %dma_start3A_274 = tpu.memref_slice %arg12[%dma_start3A_272, %dma_start3A_273] : memref<10240x128xf32, #tpu.memory_space<vmem_shared>> -> memref<10240x128xf32, #tpu.memory_space<vmem_shared>>
        tpu.enqueue_indirect_dma source(%arg9 : memref<128x128xf32, #tpu.memory_space<vmem>>) target(%dma_start3A_274 : memref<10240x128xf32, #tpu.memory_space<vmem_shared>>) offsets(%dma_start3A_271 : memref<128xi32, #tpu.memory_space<vmem>>) semaphore(%run_scoped3A_268 : memref<!tpu.dma_semaphore, #tpu.memory_space<semaphore_mem>>) {add = true}
        %dma_wait3A_275 = arith.constant 0 : i32
        %dma_wait3A_276 = tpu.memref_slice %arg7[%run_scoped3A_260, %dma_wait3A_275] : memref<2x128xi32, #tpu.memory_space<vmem>> -> memref<1x128xi32, #tpu.memory_space<vmem>>
        %dma_wait3A_277 = tpu.memref_squeeze %dma_wait3A_276 : memref<1x128xi32, #tpu.memory_space<vmem>> -> memref<128xi32, #tpu.memory_space<vmem>>
        %dma_wait3A_278 = arith.constant 0 : i32
        %dma_wait3A_279 = arith.constant 0 : i32
        %dma_wait3A_280 = tpu.memref_slice %arg12[%dma_wait3A_278, %dma_wait3A_279] : memref<10240x128xf32, #tpu.memory_space<vmem_shared>> -> memref<10240x128xf32, #tpu.memory_space<vmem_shared>>
        tpu.wait_indirect_dma semaphore(%run_scoped3A_268 : memref<!tpu.dma_semaphore, #tpu.memory_space<semaphore_mem>>) src(%arg9 : memref<128x128xf32, #tpu.memory_space<vmem>>) dst(%dma_wait3A_280 : memref<10240x128xf32, #tpu.memory_space<vmem_shared>>)
        tpu.yield
      }) : () -> ()
      %add3A_261 = arith.constant 3 : i32
      %add3A_262 = arith.addi %add3A_236, %add3A_261 : i32
      %lt3A_263 = arith.constant 80 : i32
      %lt3A_264 = arith.cmpi slt, %add3A_262, %lt3A_263 : i32
      %convert_element_type3A_265 = arith.extui %lt3A_264 : i1 to i32
      %cond3A_266 = arith.constant 0 : i32
      %cond3A_267 = arith.cmpi ne, %convert_element_type3A_265, %cond3A_266 : i32
      scf.if %cond3A_267 {
        %add3A_268 = arith.constant 3 : i32
        %add3A_269 = arith.addi %add3A_236, %add3A_268 : i32
        %add3A_270 = arith.addi %mul3A_2, %add3A_269 : i32
        %dma_start3A_271 = arith.constant 0 : i32
        %dma_start3A_272 = arith.constant 0 : i32
        %dma_start3A_273 = tpu.memref_slice %arg3[%add3A_270, %dma_start3A_271, %dma_start3A_272] : memref<2560x2x128xi32, #tpu.memory_space<hbm>> -> memref<1x2x128xi32, #tpu.memory_space<hbm>>
        %dma_start3A_274 = tpu.memref_squeeze %dma_start3A_273 : memref<1x2x128xi32, #tpu.memory_space<hbm>> -> memref<2x128xi32, #tpu.memory_space<hbm>>
        %dma_start3A_275 = arith.constant 0 : i32
        %dma_start3A_276 = arith.constant 0 : i32
        %dma_start3A_277 = tpu.memref_slice %arg3[%add3A_270, %dma_start3A_275, %dma_start3A_276] : memref<2560x2x128xi32, #tpu.memory_space<hbm>> -> memref<1x2x128xi32, #tpu.memory_space<hbm>>
        %dma_start3A_278 = tpu.memref_squeeze %dma_start3A_277 : memref<1x2x128xi32, #tpu.memory_space<hbm>> -> memref<2x128xi32, #tpu.memory_space<hbm>>
        tpu.enqueue_dma source(%dma_start3A_278 : memref<2x128xi32, #tpu.memory_space<hbm>>) target(%arg7 : memref<2x128xi32, #tpu.memory_space<vmem>>) target_semaphore(%arg15 : memref<!tpu.dma_semaphore, #tpu.memory_space<semaphore_mem>>)
      } else {
      }
    }
    %scan3A_122 = arith.constant 20 : i32
    %dma_wait3A = arith.constant 0 : i32
    %dma_wait3A_123 = arith.constant 0 : i32
    %dma_wait3A_124 = tpu.memref_slice %arg8[%dma_wait3A, %dma_wait3A_123] : memref<2x128xi32, #tpu.memory_space<vmem>> -> memref<1x128xi32, #tpu.memory_space<vmem>>
    %dma_wait3A_125 = tpu.memref_squeeze %dma_wait3A_124 : memref<1x128xi32, #tpu.memory_space<vmem>> -> memref<128xi32, #tpu.memory_space<vmem>>
    %dma_wait3A_126 = arith.constant 0 : i32
    %dma_wait3A_127 = arith.constant 0 : i32
    %dma_wait3A_128 = tpu.memref_slice %arg2[%dma_wait3A_126, %dma_wait3A_127] : memref<10000x128xf32, #tpu.memory_space<hbm>> -> memref<10000x128xf32, #tpu.memory_space<hbm>>
    tpu.wait_indirect_dma semaphore(%arg18 : memref<!tpu.dma_semaphore, #tpu.memory_space<semaphore_mem>>) src(%dma_wait3A_128 : memref<10000x128xf32, #tpu.memory_space<hbm>>) dst(%arg10 : memref<128x128xf32, #tpu.memory_space<vmem>>)
    %run_scoped3A = arith.constant 1 : i32
    "tpu.region"() ({
      %run_scoped3A_134 = tpu.sem_alloc : memref<!tpu.dma_semaphore, #tpu.memory_space<semaphore_mem>>
      %dma_start3A_135 = arith.constant 0 : i32
      %dma_start3A_136 = tpu.memref_slice %arg8[%run_scoped3A, %dma_start3A_135] : memref<2x128xi32, #tpu.memory_space<vmem>> -> memref<1x128xi32, #tpu.memory_space<vmem>>
      %dma_start3A_137 = tpu.memref_squeeze %dma_start3A_136 : memref<1x128xi32, #tpu.memory_space<vmem>> -> memref<128xi32, #tpu.memory_space<vmem>>
      %dma_start3A_138 = arith.constant 0 : i32
      %dma_start3A_139 = arith.constant 0 : i32
      %dma_start3A_140 = tpu.memref_slice %arg12[%dma_start3A_138, %dma_start3A_139] : memref<10240x128xf32, #tpu.memory_space<vmem_shared>> -> memref<10240x128xf32, #tpu.memory_space<vmem_shared>>
      tpu.enqueue_indirect_dma source(%arg10 : memref<128x128xf32, #tpu.memory_space<vmem>>) target(%dma_start3A_140 : memref<10240x128xf32, #tpu.memory_space<vmem_shared>>) offsets(%dma_start3A_137 : memref<128xi32, #tpu.memory_space<vmem>>) semaphore(%run_scoped3A_134 : memref<!tpu.dma_semaphore, #tpu.memory_space<semaphore_mem>>) {add = true}
      %dma_wait3A_141 = arith.constant 0 : i32
      %dma_wait3A_142 = tpu.memref_slice %arg8[%run_scoped3A, %dma_wait3A_141] : memref<2x128xi32, #tpu.memory_space<vmem>> -> memref<1x128xi32, #tpu.memory_space<vmem>>
      %dma_wait3A_143 = tpu.memref_squeeze %dma_wait3A_142 : memref<1x128xi32, #tpu.memory_space<vmem>> -> memref<128xi32, #tpu.memory_space<vmem>>
      %dma_wait3A_144 = arith.constant 0 : i32
      %dma_wait3A_145 = arith.constant 0 : i32
      %dma_wait3A_146 = tpu.memref_slice %arg12[%dma_wait3A_144, %dma_wait3A_145] : memref<10240x128xf32, #tpu.memory_space<vmem_shared>> -> memref<10240x128xf32, #tpu.memory_space<vmem_shared>>
      tpu.wait_indirect_dma semaphore(%run_scoped3A_134 : memref<!tpu.dma_semaphore, #tpu.memory_space<semaphore_mem>>) src(%arg10 : memref<128x128xf32, #tpu.memory_space<vmem>>) dst(%dma_wait3A_146 : memref<10240x128xf32, #tpu.memory_space<vmem_shared>>)
      tpu.yield
    }) : () -> ()
    %barrier3A_129 = arith.constant 0 : index
    tpu.barrier barrier_id(%barrier3A_129)
    %mul3A_130 = arith.constant 640 : i32
    %mul3A_131 = arith.muli %arg1, %mul3A_130 : i32
    %mul3A_132 = arith.constant 640 : i32
    %mul3A_133 = arith.muli %arg1, %mul3A_132 : i32
    "tpu.region"() ({
      %run_scoped3A_134 = tpu.sem_alloc : memref<!tpu.dma_semaphore, #tpu.memory_space<semaphore_mem>>
      %dma_start3A_135 = arith.constant 0 : i32
      %dma_start3A_136 = tpu.memref_slice %arg4[%arg0, %mul3A_133, %dma_start3A_135] : memref<2x10240x128xf32, #tpu.memory_space<hbm>> -> memref<1x640x128xf32, #tpu.memory_space<hbm>>
      %dma_start3A_137 = tpu.memref_squeeze %dma_start3A_136 : memref<1x640x128xf32, #tpu.memory_space<hbm>> -> memref<640x128xf32, #tpu.memory_space<hbm>>
      %dma_start3A_138 = arith.constant 0 : i32
      %dma_start3A_139 = tpu.memref_slice %arg12[%mul3A_131, %dma_start3A_138] : memref<10240x128xf32, #tpu.memory_space<vmem_shared>> -> memref<640x128xf32, #tpu.memory_space<vmem_shared>>
      tpu.enqueue_dma source(%dma_start3A_139 : memref<640x128xf32, #tpu.memory_space<vmem_shared>>) target(%dma_start3A_137 : memref<640x128xf32, #tpu.memory_space<hbm>>) target_semaphore(%run_scoped3A_134 : memref<!tpu.dma_semaphore, #tpu.memory_space<semaphore_mem>>)
      %dma_wait3A_140 = arith.constant 0 : i32
      %dma_wait3A_141 = tpu.memref_slice %arg4[%arg0, %mul3A_133, %dma_wait3A_140] : memref<2x10240x128xf32, #tpu.memory_space<hbm>> -> memref<1x640x128xf32, #tpu.memory_space<hbm>>
      %dma_wait3A_142 = tpu.memref_squeeze %dma_wait3A_141 : memref<1x640x128xf32, #tpu.memory_space<hbm>> -> memref<640x128xf32, #tpu.memory_space<hbm>>
      %dma_wait3A_143 = arith.constant 0 : i32
      %dma_wait3A_144 = tpu.memref_slice %arg12[%mul3A_131, %dma_wait3A_143] : memref<10240x128xf32, #tpu.memory_space<vmem_shared>> -> memref<640x128xf32, #tpu.memory_space<vmem_shared>>
      tpu.wait_dma2 semaphore(%run_scoped3A_134 : memref<!tpu.dma_semaphore, #tpu.memory_space<semaphore_mem>>) src(%dma_wait3A_144 : memref<640x128xf32, #tpu.memory_space<vmem_shared>>) dst(%dma_wait3A_142 : memref<640x128xf32, #tpu.memory_space<hbm>>)
      tpu.yield
    }) : () -> ()
    return
  }
}

#map = affine_map<(d0, d1) -> (0, 0)>
#map1 = affine_map<(d0, d1) -> (0, 0, 0)>
module attributes {stable_mosaic.version = 14 : i64} {
  func.func @_agg_body(%arg0: i32, %arg1: i32, %arg2: memref<10000x128xf32, #tpu.memory_space<hbm>>, %arg3: memref<2560x2x128xi32, #tpu.memory_space<hbm>>, %arg4: memref<2x10240x128xf32, #tpu.memory_space<hbm>>, %arg5: memref<2x128xi32, #tpu.memory_space<vmem>>, %arg6: memref<2x128xi32, #tpu.memory_space<vmem>>, %arg7: memref<2x128xi32, #tpu.memory_space<vmem>>, %arg8: memref<2x128xi32, #tpu.memory_space<vmem>>, %arg9: memref<128x128xf32, #tpu.memory_space<vmem>>, %arg10: memref<128x128xf32, #tpu.memory_space<vmem>>, %arg11: memref<32x128xf32, #tpu.memory_space<vmem>>, %arg12: memref<10240x128xf32, #tpu.memory_space<vmem_shared>>, %arg13: memref<!tpu.dma_semaphore, #tpu.memory_space<semaphore_mem>>, %arg14: memref<!tpu.dma_semaphore, #tpu.memory_space<semaphore_mem>>, %arg15: memref<!tpu.dma_semaphore, #tpu.memory_space<semaphore_mem>>, %arg16: memref<!tpu.dma_semaphore, #tpu.memory_space<semaphore_mem>>, %arg17: memref<!tpu.dma_semaphore, #tpu.memory_space<semaphore_mem>>, %arg18: memref<!tpu.dma_semaphore, #tpu.memory_space<semaphore_mem>>) attributes {dimension_semantics = [#tpu.dimension_semantics<core_parallel>, #tpu.dimension_semantics<subcore_parallel>], iteration_bounds = array<i64: 2, 16>, scalar_prefetch = 0 : i64, scratch_operands = 14 : i64, tpu.core_type = #tpu.core_type<sc_vector_subcore>, window_params = [{transform_indices = #map}, {transform_indices = #map1}, {transform_indices = #map1}]} {
    %mul3A = arith.constant 2 : i32
    %mul3A_0 = arith.muli %arg1, %mul3A : i32
    %add3A = arith.addi %mul3A_0, %arg0 : i32
    %mul3A_1 = arith.constant 80 : i32
    %mul3A_2 = arith.muli %add3A, %mul3A_1 : i32
    %scan3A = arith.constant 0 : i32
    %scan3A_3 = arith.constant 0 : i32
    %scan3A_4 = arith.constant 32 : i32
    %scan3A_5 = arith.addi %scan3A_3, %scan3A_4 : i32
    %scan3A_6 = arith.constant 1 : i32
    scf.for %scan3A_134 = %scan3A_3 to %scan3A_5 step %scan3A_6  : i32 {
      %broadcast_in_dim3A = arith.constant 0.000000e+00 : f32
      %broadcast_in_dim3A_135 = vector.broadcast %broadcast_in_dim3A : f32 to vector<16xf32>
      %swap3A = arith.index_cast %scan3A_134 : i32 to index
      %swap3A_136 = arith.constant 0 : index
      %swap3A_137 = tpu.vector_load %arg11[%swap3A, %swap3A_136] {strides = array<i32>} : memref<32x128xf32, #tpu.memory_space<vmem>>, vector<1x16xf32>,
      %swap3A_138 = vector.shape_cast %swap3A_137 : vector<1x16xf32> to vector<16xf32>
      %swap3A_139 = vector.shape_cast %broadcast_in_dim3A_135 : vector<16xf32> to vector<1x16xf32>
      tpu.vector_store %arg11[%swap3A, %swap3A_136], %swap3A_139 {strides = array<i32>} : memref<32x128xf32, #tpu.memory_space<vmem>>, vector<1x16xf32>,
      %broadcast_in_dim3A_140 = arith.constant 0.000000e+00 : f32
      %broadcast_in_dim3A_141 = vector.broadcast %broadcast_in_dim3A_140 : f32 to vector<16xf32>
      %swap3A_142 = arith.index_cast %scan3A_134 : i32 to index
      %swap3A_143 = arith.constant 16 : index
      %swap3A_144 = tpu.vector_load %arg11[%swap3A_142, %swap3A_143] {strides = array<i32>} : memref<32x128xf32, #tpu.memory_space<vmem>>, vector<1x16xf32>,
      %swap3A_145 = vector.shape_cast %swap3A_144 : vector<1x16xf32> to vector<16xf32>
      %swap3A_146 = vector.shape_cast %broadcast_in_dim3A_141 : vector<16xf32> to vector<1x16xf32>
      tpu.vector_store %arg11[%swap3A_142, %swap3A_143], %swap3A_146 {strides = array<i32>} : memref<32x128xf32, #tpu.memory_space<vmem>>, vector<1x16xf32>,
      %broadcast_in_dim3A_147 = arith.constant 0.000000e+00 : f32
      %broadcast_in_dim3A_148 = vector.broadcast %broadcast_in_dim3A_147 : f32 to vector<16xf32>
      %swap3A_149 = arith.index_cast %scan3A_134 : i32 to index
      %swap3A_150 = arith.constant 32 : index
      %swap3A_151 = tpu.vector_load %arg11[%swap3A_149, %swap3A_150] {strides = array<i32>} : memref<32x128xf32, #tpu.memory_space<vmem>>, vector<1x16xf32>,
      %swap3A_152 = vector.shape_cast %swap3A_151 : vector<1x16xf32> to vector<16xf32>
      %swap3A_153 = vector.shape_cast %broadcast_in_dim3A_148 : vector<16xf32> to vector<1x16xf32>
      tpu.vector_store %arg11[%swap3A_149, %swap3A_150], %swap3A_153 {strides = array<i32>} : memref<32x128xf32, #tpu.memory_space<vmem>>, vector<1x16xf32>,
      %broadcast_in_dim3A_154 = arith.constant 0.000000e+00 : f32
      %broadcast_in_dim3A_155 = vector.broadcast %broadcast_in_dim3A_154 : f32 to vector<16xf32>
      %swap3A_156 = arith.index_cast %scan3A_134 : i32 to index
      %swap3A_157 = arith.constant 48 : index
      %swap3A_158 = tpu.vector_load %arg11[%swap3A_156, %swap3A_157] {strides = array<i32>} : memref<32x128xf32, #tpu.memory_space<vmem>>, vector<1x16xf32>,
      %swap3A_159 = vector.shape_cast %swap3A_158 : vector<1x16xf32> to vector<16xf32>
      %swap3A_160 = vector.shape_cast %broadcast_in_dim3A_155 : vector<16xf32> to vector<1x16xf32>
      tpu.vector_store %arg11[%swap3A_156, %swap3A_157], %swap3A_160 {strides = array<i32>} : memref<32x128xf32, #tpu.memory_space<vmem>>, vector<1x16xf32>,
      %broadcast_in_dim3A_161 = arith.constant 0.000000e+00 : f32
      %broadcast_in_dim3A_162 = vector.broadcast %broadcast_in_dim3A_161 : f32 to vector<16xf32>
      %swap3A_163 = arith.index_cast %scan3A_134 : i32 to index
      %swap3A_164 = arith.constant 64 : index
      %swap3A_165 = tpu.vector_load %arg11[%swap3A_163, %swap3A_164] {strides = array<i32>} : memref<32x128xf32, #tpu.memory_space<vmem>>, vector<1x16xf32>,
      %swap3A_166 = vector.shape_cast %swap3A_165 : vector<1x16xf32> to vector<16xf32>
      %swap3A_167 = vector.shape_cast %broadcast_in_dim3A_162 : vector<16xf32> to vector<1x16xf32>
      tpu.vector_store %arg11[%swap3A_163, %swap3A_164], %swap3A_167 {strides = array<i32>} : memref<32x128xf32, #tpu.memory_space<vmem>>, vector<1x16xf32>,
      %broadcast_in_dim3A_168 = arith.constant 0.000000e+00 : f32
      %broadcast_in_dim3A_169 = vector.broadcast %broadcast_in_dim3A_168 : f32 to vector<16xf32>
      %swap3A_170 = arith.index_cast %scan3A_134 : i32 to index
      %swap3A_171 = arith.constant 80 : index
      %swap3A_172 = tpu.vector_load %arg11[%swap3A_170, %swap3A_171] {strides = array<i32>} : memref<32x128xf32, #tpu.memory_space<vmem>>, vector<1x16xf32>,
      %swap3A_173 = vector.shape_cast %swap3A_172 : vector<1x16xf32> to vector<16xf32>
      %swap3A_174 = vector.shape_cast %broadcast_in_dim3A_169 : vector<16xf32> to vector<1x16xf32>
      tpu.vector_store %arg11[%swap3A_170, %swap3A_171], %swap3A_174 {strides = array<i32>} : memref<32x128xf32, #tpu.memory_space<vmem>>, vector<1x16xf32>,
      %broadcast_in_dim3A_175 = arith.constant 0.000000e+00 : f32
      %broadcast_in_dim3A_176 = vector.broadcast %broadcast_in_dim3A_175 : f32 to vector<16xf32>
      %swap3A_177 = arith.index_cast %scan3A_134 : i32 to index
      %swap3A_178 = arith.constant 96 : index
      %swap3A_179 = tpu.vector_load %arg11[%swap3A_177, %swap3A_178] {strides = array<i32>} : memref<32x128xf32, #tpu.memory_space<vmem>>, vector<1x16xf32>,
      %swap3A_180 = vector.shape_cast %swap3A_179 : vector<1x16xf32> to vector<16xf32>
      %swap3A_181 = vector.shape_cast %broadcast_in_dim3A_176 : vector<16xf32> to vector<1x16xf32>
      tpu.vector_store %arg11[%swap3A_177, %swap3A_178], %swap3A_181 {strides = array<i32>} : memref<32x128xf32, #tpu.memory_space<vmem>>, vector<1x16xf32>,
      %broadcast_in_dim3A_182 = arith.constant 0.000000e+00 : f32
      %broadcast_in_dim3A_183 = vector.broadcast %broadcast_in_dim3A_182 : f32 to vector<16xf32>
      %swap3A_184 = arith.index_cast %scan3A_134 : i32 to index
      %swap3A_185 = arith.constant 112 : index
      %swap3A_186 = tpu.vector_load %arg11[%swap3A_184, %swap3A_185] {strides = array<i32>} : memref<32x128xf32, #tpu.memory_space<vmem>>, vector<1x16xf32>,
      %swap3A_187 = vector.shape_cast %swap3A_186 : vector<1x16xf32> to vector<16xf32>
      %swap3A_188 = vector.shape_cast %broadcast_in_dim3A_183 : vector<16xf32> to vector<1x16xf32>
      tpu.vector_store %arg11[%swap3A_184, %swap3A_185], %swap3A_188 {strides = array<i32>} : memref<32x128xf32, #tpu.memory_space<vmem>>, vector<1x16xf32>,
    }
    %scan3A_7 = arith.constant 32 : i32
    %mul3A_8 = arith.constant 640 : i32
    %mul3A_9 = arith.muli %arg1, %mul3A_8 : i32
    %add3A_10 = arith.constant 0 : i32
    %add3A_11 = arith.addi %mul3A_9, %add3A_10 : i32
    "tpu.region"() ({
      %run_scoped3A_134 = tpu.sem_alloc : memref<!tpu.dma_semaphore, #tpu.memory_space<semaphore_mem>>
      %dma_start3A_135 = arith.constant 0 : i32
      %dma_start3A_136 = tpu.memref_slice %arg12[%add3A_11, %dma_start3A_135] : memref<10240x128xf32, #tpu.memory_space<vmem_shared>> -> memref<32x128xf32, #tpu.memory_space<vmem_shared>>
      %dma_start3A_137 = arith.constant 0 : i32
      %dma_start3A_138 = tpu.memref_slice %arg12[%add3A_11, %dma_start3A_137] : memref<10240x128xf32, #tpu.memory_space<vmem_shared>> -> memref<32x128xf32, #tpu.memory_space<vmem_shared>>
      tpu.enqueue_dma source(%arg11 : memref<32x128xf32, #tpu.memory_space<vmem>>) target(%dma_start3A_138 : memref<32x128xf32, #tpu.memory_space<vmem_shared>>) target_semaphore(%run_scoped3A_134 : memref<!tpu.dma_semaphore, #tpu.memory_space<semaphore_mem>>)
      %dma_wait3A_139 = arith.constant 0 : i32
      %dma_wait3A_140 = tpu.memref_slice %arg12[%add3A_11, %dma_wait3A_139] : memref<10240x128xf32, #tpu.memory_space<vmem_shared>> -> memref<32x128xf32, #tpu.memory_space<vmem_shared>>
      %dma_wait3A_141 = arith.constant 0 : i32
      %dma_wait3A_142 = tpu.memref_slice %arg12[%add3A_11, %dma_wait3A_141] : memref<10240x128xf32, #tpu.memory_space<vmem_shared>> -> memref<32x128xf32, #tpu.memory_space<vmem_shared>>
      tpu.wait_dma2 semaphore(%run_scoped3A_134 : memref<!tpu.dma_semaphore, #tpu.memory_space<semaphore_mem>>) src(%arg11 : memref<32x128xf32, #tpu.memory_space<vmem>>) dst(%dma_wait3A_142 : memref<32x128xf32, #tpu.memory_space<vmem_shared>>)
      tpu.yield
    }) : () -> ()
    %mul3A_12 = arith.constant 640 : i32
    %mul3A_13 = arith.muli %arg1, %mul3A_12 : i32
    %add3A_14 = arith.constant 32 : i32
    %add3A_15 = arith.addi %mul3A_13, %add3A_14 : i32
    "tpu.region"() ({
      %run_scoped3A_134 = tpu.sem_alloc : memref<!tpu.dma_semaphore, #tpu.memory_space<semaphore_mem>>
      %dma_start3A_135 = arith.constant 0 : i32
      %dma_start3A_136 = tpu.memref_slice %arg12[%add3A_15, %dma_start3A_135] : memref<10240x128xf32, #tpu.memory_space<vmem_shared>> -> memref<32x128xf32, #tpu.memory_space<vmem_shared>>
      %dma_start3A_137 = arith.constant 0 : i32
      %dma_start3A_138 = tpu.memref_slice %arg12[%add3A_15, %dma_start3A_137] : memref<10240x128xf32, #tpu.memory_space<vmem_shared>> -> memref<32x128xf32, #tpu.memory_space<vmem_shared>>
      tpu.enqueue_dma source(%arg11 : memref<32x128xf32, #tpu.memory_space<vmem>>) target(%dma_start3A_138 : memref<32x128xf32, #tpu.memory_space<vmem_shared>>) target_semaphore(%run_scoped3A_134 : memref<!tpu.dma_semaphore, #tpu.memory_space<semaphore_mem>>)
      %dma_wait3A_139 = arith.constant 0 : i32
      %dma_wait3A_140 = tpu.memref_slice %arg12[%add3A_15, %dma_wait3A_139] : memref<10240x128xf32, #tpu.memory_space<vmem_shared>> -> memref<32x128xf32, #tpu.memory_space<vmem_shared>>
      %dma_wait3A_141 = arith.constant 0 : i32
      %dma_wait3A_142 = tpu.memref_slice %arg12[%add3A_15, %dma_wait3A_141] : memref<10240x128xf32, #tpu.memory_space<vmem_shared>> -> memref<32x128xf32, #tpu.memory_space<vmem_shared>>
      tpu.wait_dma2 semaphore(%run_scoped3A_134 : memref<!tpu.dma_semaphore, #tpu.memory_space<semaphore_mem>>) src(%arg11 : memref<32x128xf32, #tpu.memory_space<vmem>>) dst(%dma_wait3A_142 : memref<32x128xf32, #tpu.memory_space<vmem_shared>>)
      tpu.yield
    }) : () -> ()
    %mul3A_16 = arith.constant 640 : i32
    %mul3A_17 = arith.muli %arg1, %mul3A_16 : i32
    %add3A_18 = arith.constant 64 : i32
    %add3A_19 = arith.addi %mul3A_17, %add3A_18 : i32
    "tpu.region"() ({
      %run_scoped3A_134 = tpu.sem_alloc : memref<!tpu.dma_semaphore, #tpu.memory_space<semaphore_mem>>
      %dma_start3A_135 = arith.constant 0 : i32
      %dma_start3A_136 = tpu.memref_slice %arg12[%add3A_19, %dma_start3A_135] : memref<10240x128xf32, #tpu.memory_space<vmem_shared>> -> memref<32x128xf32, #tpu.memory_space<vmem_shared>>
      %dma_start3A_137 = arith.constant 0 : i32
      %dma_start3A_138 = tpu.memref_slice %arg12[%add3A_19, %dma_start3A_137] : memref<10240x128xf32, #tpu.memory_space<vmem_shared>> -> memref<32x128xf32, #tpu.memory_space<vmem_shared>>
      tpu.enqueue_dma source(%arg11 : memref<32x128xf32, #tpu.memory_space<vmem>>) target(%dma_start3A_138 : memref<32x128xf32, #tpu.memory_space<vmem_shared>>) target_semaphore(%run_scoped3A_134 : memref<!tpu.dma_semaphore, #tpu.memory_space<semaphore_mem>>)
      %dma_wait3A_139 = arith.constant 0 : i32
      %dma_wait3A_140 = tpu.memref_slice %arg12[%add3A_19, %dma_wait3A_139] : memref<10240x128xf32, #tpu.memory_space<vmem_shared>> -> memref<32x128xf32, #tpu.memory_space<vmem_shared>>
      %dma_wait3A_141 = arith.constant 0 : i32
      %dma_wait3A_142 = tpu.memref_slice %arg12[%add3A_19, %dma_wait3A_141] : memref<10240x128xf32, #tpu.memory_space<vmem_shared>> -> memref<32x128xf32, #tpu.memory_space<vmem_shared>>
      tpu.wait_dma2 semaphore(%run_scoped3A_134 : memref<!tpu.dma_semaphore, #tpu.memory_space<semaphore_mem>>) src(%arg11 : memref<32x128xf32, #tpu.memory_space<vmem>>) dst(%dma_wait3A_142 : memref<32x128xf32, #tpu.memory_space<vmem_shared>>)
      tpu.yield
    }) : () -> ()
    %mul3A_20 = arith.constant 640 : i32
    %mul3A_21 = arith.muli %arg1, %mul3A_20 : i32
    %add3A_22 = arith.constant 96 : i32
    %add3A_23 = arith.addi %mul3A_21, %add3A_22 : i32
    "tpu.region"() ({
      %run_scoped3A_134 = tpu.sem_alloc : memref<!tpu.dma_semaphore, #tpu.memory_space<semaphore_mem>>
      %dma_start3A_135 = arith.constant 0 : i32
      %dma_start3A_136 = tpu.memref_slice %arg12[%add3A_23, %dma_start3A_135] : memref<10240x128xf32, #tpu.memory_space<vmem_shared>> -> memref<32x128xf32, #tpu.memory_space<vmem_shared>>
      %dma_start3A_137 = arith.constant 0 : i32
      %dma_start3A_138 = tpu.memref_slice %arg12[%add3A_23, %dma_start3A_137] : memref<10240x128xf32, #tpu.memory_space<vmem_shared>> -> memref<32x128xf32, #tpu.memory_space<vmem_shared>>
      tpu.enqueue_dma source(%arg11 : memref<32x128xf32, #tpu.memory_space<vmem>>) target(%dma_start3A_138 : memref<32x128xf32, #tpu.memory_space<vmem_shared>>) target_semaphore(%run_scoped3A_134 : memref<!tpu.dma_semaphore, #tpu.memory_space<semaphore_mem>>)
      %dma_wait3A_139 = arith.constant 0 : i32
      %dma_wait3A_140 = tpu.memref_slice %arg12[%add3A_23, %dma_wait3A_139] : memref<10240x128xf32, #tpu.memory_space<vmem_shared>> -> memref<32x128xf32, #tpu.memory_space<vmem_shared>>
      %dma_wait3A_141 = arith.constant 0 : i32
      %dma_wait3A_142 = tpu.memref_slice %arg12[%add3A_23, %dma_wait3A_141] : memref<10240x128xf32, #tpu.memory_space<vmem_shared>> -> memref<32x128xf32, #tpu.memory_space<vmem_shared>>
      tpu.wait_dma2 semaphore(%run_scoped3A_134 : memref<!tpu.dma_semaphore, #tpu.memory_space<semaphore_mem>>) src(%arg11 : memref<32x128xf32, #tpu.memory_space<vmem>>) dst(%dma_wait3A_142 : memref<32x128xf32, #tpu.memory_space<vmem_shared>>)
      tpu.yield
    }) : () -> ()
    %mul3A_24 = arith.constant 640 : i32
    %mul3A_25 = arith.muli %arg1, %mul3A_24 : i32
    %add3A_26 = arith.constant 128 : i32
    %add3A_27 = arith.addi %mul3A_25, %add3A_26 : i32
    "tpu.region"() ({
      %run_scoped3A_134 = tpu.sem_alloc : memref<!tpu.dma_semaphore, #tpu.memory_space<semaphore_mem>>
      %dma_start3A_135 = arith.constant 0 : i32
      %dma_start3A_136 = tpu.memref_slice %arg12[%add3A_27, %dma_start3A_135] : memref<10240x128xf32, #tpu.memory_space<vmem_shared>> -> memref<32x128xf32, #tpu.memory_space<vmem_shared>>
      %dma_start3A_137 = arith.constant 0 : i32
      %dma_start3A_138 = tpu.memref_slice %arg12[%add3A_27, %dma_start3A_137] : memref<10240x128xf32, #tpu.memory_space<vmem_shared>> -> memref<32x128xf32, #tpu.memory_space<vmem_shared>>
      tpu.enqueue_dma source(%arg11 : memref<32x128xf32, #tpu.memory_space<vmem>>) target(%dma_start3A_138 : memref<32x128xf32, #tpu.memory_space<vmem_shared>>) target_semaphore(%run_scoped3A_134 : memref<!tpu.dma_semaphore, #tpu.memory_space<semaphore_mem>>)
      %dma_wait3A_139 = arith.constant 0 : i32
      %dma_wait3A_140 = tpu.memref_slice %arg12[%add3A_27, %dma_wait3A_139] : memref<10240x128xf32, #tpu.memory_space<vmem_shared>> -> memref<32x128xf32, #tpu.memory_space<vmem_shared>>
      %dma_wait3A_141 = arith.constant 0 : i32
      %dma_wait3A_142 = tpu.memref_slice %arg12[%add3A_27, %dma_wait3A_141] : memref<10240x128xf32, #tpu.memory_space<vmem_shared>> -> memref<32x128xf32, #tpu.memory_space<vmem_shared>>
      tpu.wait_dma2 semaphore(%run_scoped3A_134 : memref<!tpu.dma_semaphore, #tpu.memory_space<semaphore_mem>>) src(%arg11 : memref<32x128xf32, #tpu.memory_space<vmem>>) dst(%dma_wait3A_142 : memref<32x128xf32, #tpu.memory_space<vmem_shared>>)
      tpu.yield
    }) : () -> ()
    %mul3A_28 = arith.constant 640 : i32
    %mul3A_29 = arith.muli %arg1, %mul3A_28 : i32
    %add3A_30 = arith.constant 160 : i32
    %add3A_31 = arith.addi %mul3A_29, %add3A_30 : i32
    "tpu.region"() ({
      %run_scoped3A_134 = tpu.sem_alloc : memref<!tpu.dma_semaphore, #tpu.memory_space<semaphore_mem>>
      %dma_start3A_135 = arith.constant 0 : i32
      %dma_start3A_136 = tpu.memref_slice %arg12[%add3A_31, %dma_start3A_135] : memref<10240x128xf32, #tpu.memory_space<vmem_shared>> -> memref<32x128xf32, #tpu.memory_space<vmem_shared>>
      %dma_start3A_137 = arith.constant 0 : i32
      %dma_start3A_138 = tpu.memref_slice %arg12[%add3A_31, %dma_start3A_137] : memref<10240x128xf32, #tpu.memory_space<vmem_shared>> -> memref<32x128xf32, #tpu.memory_space<vmem_shared>>
      tpu.enqueue_dma source(%arg11 : memref<32x128xf32, #tpu.memory_space<vmem>>) target(%dma_start3A_138 : memref<32x128xf32, #tpu.memory_space<vmem_shared>>) target_semaphore(%run_scoped3A_134 : memref<!tpu.dma_semaphore, #tpu.memory_space<semaphore_mem>>)
      %dma_wait3A_139 = arith.constant 0 : i32
      %dma_wait3A_140 = tpu.memref_slice %arg12[%add3A_31, %dma_wait3A_139] : memref<10240x128xf32, #tpu.memory_space<vmem_shared>> -> memref<32x128xf32, #tpu.memory_space<vmem_shared>>
      %dma_wait3A_141 = arith.constant 0 : i32
      %dma_wait3A_142 = tpu.memref_slice %arg12[%add3A_31, %dma_wait3A_141] : memref<10240x128xf32, #tpu.memory_space<vmem_shared>> -> memref<32x128xf32, #tpu.memory_space<vmem_shared>>
      tpu.wait_dma2 semaphore(%run_scoped3A_134 : memref<!tpu.dma_semaphore, #tpu.memory_space<semaphore_mem>>) src(%arg11 : memref<32x128xf32, #tpu.memory_space<vmem>>) dst(%dma_wait3A_142 : memref<32x128xf32, #tpu.memory_space<vmem_shared>>)
      tpu.yield
    }) : () -> ()
    %mul3A_32 = arith.constant 640 : i32
    %mul3A_33 = arith.muli %arg1, %mul3A_32 : i32
    %add3A_34 = arith.constant 192 : i32
    %add3A_35 = arith.addi %mul3A_33, %add3A_34 : i32
    "tpu.region"() ({
      %run_scoped3A_134 = tpu.sem_alloc : memref<!tpu.dma_semaphore, #tpu.memory_space<semaphore_mem>>
      %dma_start3A_135 = arith.constant 0 : i32
      %dma_start3A_136 = tpu.memref_slice %arg12[%add3A_35, %dma_start3A_135] : memref<10240x128xf32, #tpu.memory_space<vmem_shared>> -> memref<32x128xf32, #tpu.memory_space<vmem_shared>>
      %dma_start3A_137 = arith.constant 0 : i32
      %dma_start3A_138 = tpu.memref_slice %arg12[%add3A_35, %dma_start3A_137] : memref<10240x128xf32, #tpu.memory_space<vmem_shared>> -> memref<32x128xf32, #tpu.memory_space<vmem_shared>>
      tpu.enqueue_dma source(%arg11 : memref<32x128xf32, #tpu.memory_space<vmem>>) target(%dma_start3A_138 : memref<32x128xf32, #tpu.memory_space<vmem_shared>>) target_semaphore(%run_scoped3A_134 : memref<!tpu.dma_semaphore, #tpu.memory_space<semaphore_mem>>)
      %dma_wait3A_139 = arith.constant 0 : i32
      %dma_wait3A_140 = tpu.memref_slice %arg12[%add3A_35, %dma_wait3A_139] : memref<10240x128xf32, #tpu.memory_space<vmem_shared>> -> memref<32x128xf32, #tpu.memory_space<vmem_shared>>
      %dma_wait3A_141 = arith.constant 0 : i32
      %dma_wait3A_142 = tpu.memref_slice %arg12[%add3A_35, %dma_wait3A_141] : memref<10240x128xf32, #tpu.memory_space<vmem_shared>> -> memref<32x128xf32, #tpu.memory_space<vmem_shared>>
      tpu.wait_dma2 semaphore(%run_scoped3A_134 : memref<!tpu.dma_semaphore, #tpu.memory_space<semaphore_mem>>) src(%arg11 : memref<32x128xf32, #tpu.memory_space<vmem>>) dst(%dma_wait3A_142 : memref<32x128xf32, #tpu.memory_space<vmem_shared>>)
      tpu.yield
    }) : () -> ()
    %mul3A_36 = arith.constant 640 : i32
    %mul3A_37 = arith.muli %arg1, %mul3A_36 : i32
    %add3A_38 = arith.constant 224 : i32
    %add3A_39 = arith.addi %mul3A_37, %add3A_38 : i32
    "tpu.region"() ({
      %run_scoped3A_134 = tpu.sem_alloc : memref<!tpu.dma_semaphore, #tpu.memory_space<semaphore_mem>>
      %dma_start3A_135 = arith.constant 0 : i32
      %dma_start3A_136 = tpu.memref_slice %arg12[%add3A_39, %dma_start3A_135] : memref<10240x128xf32, #tpu.memory_space<vmem_shared>> -> memref<32x128xf32, #tpu.memory_space<vmem_shared>>
      %dma_start3A_137 = arith.constant 0 : i32
      %dma_start3A_138 = tpu.memref_slice %arg12[%add3A_39, %dma_start3A_137] : memref<10240x128xf32, #tpu.memory_space<vmem_shared>> -> memref<32x128xf32, #tpu.memory_space<vmem_shared>>
      tpu.enqueue_dma source(%arg11 : memref<32x128xf32, #tpu.memory_space<vmem>>) target(%dma_start3A_138 : memref<32x128xf32, #tpu.memory_space<vmem_shared>>) target_semaphore(%run_scoped3A_134 : memref<!tpu.dma_semaphore, #tpu.memory_space<semaphore_mem>>)
      %dma_wait3A_139 = arith.constant 0 : i32
      %dma_wait3A_140 = tpu.memref_slice %arg12[%add3A_39, %dma_wait3A_139] : memref<10240x128xf32, #tpu.memory_space<vmem_shared>> -> memref<32x128xf32, #tpu.memory_space<vmem_shared>>
      %dma_wait3A_141 = arith.constant 0 : i32
      %dma_wait3A_142 = tpu.memref_slice %arg12[%add3A_39, %dma_wait3A_141] : memref<10240x128xf32, #tpu.memory_space<vmem_shared>> -> memref<32x128xf32, #tpu.memory_space<vmem_shared>>
      tpu.wait_dma2 semaphore(%run_scoped3A_134 : memref<!tpu.dma_semaphore, #tpu.memory_space<semaphore_mem>>) src(%arg11 : memref<32x128xf32, #tpu.memory_space<vmem>>) dst(%dma_wait3A_142 : memref<32x128xf32, #tpu.memory_space<vmem_shared>>)
      tpu.yield
    }) : () -> ()
    %mul3A_40 = arith.constant 640 : i32
    %mul3A_41 = arith.muli %arg1, %mul3A_40 : i32
    %add3A_42 = arith.constant 256 : i32
    %add3A_43 = arith.addi %mul3A_41, %add3A_42 : i32
    "tpu.region"() ({
      %run_scoped3A_134 = tpu.sem_alloc : memref<!tpu.dma_semaphore, #tpu.memory_space<semaphore_mem>>
      %dma_start3A_135 = arith.constant 0 : i32
      %dma_start3A_136 = tpu.memref_slice %arg12[%add3A_43, %dma_start3A_135] : memref<10240x128xf32, #tpu.memory_space<vmem_shared>> -> memref<32x128xf32, #tpu.memory_space<vmem_shared>>
      %dma_start3A_137 = arith.constant 0 : i32
      %dma_start3A_138 = tpu.memref_slice %arg12[%add3A_43, %dma_start3A_137] : memref<10240x128xf32, #tpu.memory_space<vmem_shared>> -> memref<32x128xf32, #tpu.memory_space<vmem_shared>>
      tpu.enqueue_dma source(%arg11 : memref<32x128xf32, #tpu.memory_space<vmem>>) target(%dma_start3A_138 : memref<32x128xf32, #tpu.memory_space<vmem_shared>>) target_semaphore(%run_scoped3A_134 : memref<!tpu.dma_semaphore, #tpu.memory_space<semaphore_mem>>)
      %dma_wait3A_139 = arith.constant 0 : i32
      %dma_wait3A_140 = tpu.memref_slice %arg12[%add3A_43, %dma_wait3A_139] : memref<10240x128xf32, #tpu.memory_space<vmem_shared>> -> memref<32x128xf32, #tpu.memory_space<vmem_shared>>
      %dma_wait3A_141 = arith.constant 0 : i32
      %dma_wait3A_142 = tpu.memref_slice %arg12[%add3A_43, %dma_wait3A_141] : memref<10240x128xf32, #tpu.memory_space<vmem_shared>> -> memref<32x128xf32, #tpu.memory_space<vmem_shared>>
      tpu.wait_dma2 semaphore(%run_scoped3A_134 : memref<!tpu.dma_semaphore, #tpu.memory_space<semaphore_mem>>) src(%arg11 : memref<32x128xf32, #tpu.memory_space<vmem>>) dst(%dma_wait3A_142 : memref<32x128xf32, #tpu.memory_space<vmem_shared>>)
      tpu.yield
    }) : () -> ()
    %mul3A_44 = arith.constant 640 : i32
    %mul3A_45 = arith.muli %arg1, %mul3A_44 : i32
    %add3A_46 = arith.constant 288 : i32
    %add3A_47 = arith.addi %mul3A_45, %add3A_46 : i32
    "tpu.region"() ({
      %run_scoped3A_134 = tpu.sem_alloc : memref<!tpu.dma_semaphore, #tpu.memory_space<semaphore_mem>>
      %dma_start3A_135 = arith.constant 0 : i32
      %dma_start3A_136 = tpu.memref_slice %arg12[%add3A_47, %dma_start3A_135] : memref<10240x128xf32, #tpu.memory_space<vmem_shared>> -> memref<32x128xf32, #tpu.memory_space<vmem_shared>>
      %dma_start3A_137 = arith.constant 0 : i32
      %dma_start3A_138 = tpu.memref_slice %arg12[%add3A_47, %dma_start3A_137] : memref<10240x128xf32, #tpu.memory_space<vmem_shared>> -> memref<32x128xf32, #tpu.memory_space<vmem_shared>>
      tpu.enqueue_dma source(%arg11 : memref<32x128xf32, #tpu.memory_space<vmem>>) target(%dma_start3A_138 : memref<32x128xf32, #tpu.memory_space<vmem_shared>>) target_semaphore(%run_scoped3A_134 : memref<!tpu.dma_semaphore, #tpu.memory_space<semaphore_mem>>)
      %dma_wait3A_139 = arith.constant 0 : i32
      %dma_wait3A_140 = tpu.memref_slice %arg12[%add3A_47, %dma_wait3A_139] : memref<10240x128xf32, #tpu.memory_space<vmem_shared>> -> memref<32x128xf32, #tpu.memory_space<vmem_shared>>
      %dma_wait3A_141 = arith.constant 0 : i32
      %dma_wait3A_142 = tpu.memref_slice %arg12[%add3A_47, %dma_wait3A_141] : memref<10240x128xf32, #tpu.memory_space<vmem_shared>> -> memref<32x128xf32, #tpu.memory_space<vmem_shared>>
      tpu.wait_dma2 semaphore(%run_scoped3A_134 : memref<!tpu.dma_semaphore, #tpu.memory_space<semaphore_mem>>) src(%arg11 : memref<32x128xf32, #tpu.memory_space<vmem>>) dst(%dma_wait3A_142 : memref<32x128xf32, #tpu.memory_space<vmem_shared>>)
      tpu.yield
    }) : () -> ()
    %mul3A_48 = arith.constant 640 : i32
    %mul3A_49 = arith.muli %arg1, %mul3A_48 : i32
    %add3A_50 = arith.constant 320 : i32
    %add3A_51 = arith.addi %mul3A_49, %add3A_50 : i32
    "tpu.region"() ({
      %run_scoped3A_134 = tpu.sem_alloc : memref<!tpu.dma_semaphore, #tpu.memory_space<semaphore_mem>>
      %dma_start3A_135 = arith.constant 0 : i32
      %dma_start3A_136 = tpu.memref_slice %arg12[%add3A_51, %dma_start3A_135] : memref<10240x128xf32, #tpu.memory_space<vmem_shared>> -> memref<32x128xf32, #tpu.memory_space<vmem_shared>>
      %dma_start3A_137 = arith.constant 0 : i32
      %dma_start3A_138 = tpu.memref_slice %arg12[%add3A_51, %dma_start3A_137] : memref<10240x128xf32, #tpu.memory_space<vmem_shared>> -> memref<32x128xf32, #tpu.memory_space<vmem_shared>>
      tpu.enqueue_dma source(%arg11 : memref<32x128xf32, #tpu.memory_space<vmem>>) target(%dma_start3A_138 : memref<32x128xf32, #tpu.memory_space<vmem_shared>>) target_semaphore(%run_scoped3A_134 : memref<!tpu.dma_semaphore, #tpu.memory_space<semaphore_mem>>)
      %dma_wait3A_139 = arith.constant 0 : i32
      %dma_wait3A_140 = tpu.memref_slice %arg12[%add3A_51, %dma_wait3A_139] : memref<10240x128xf32, #tpu.memory_space<vmem_shared>> -> memref<32x128xf32, #tpu.memory_space<vmem_shared>>
      %dma_wait3A_141 = arith.constant 0 : i32
      %dma_wait3A_142 = tpu.memref_slice %arg12[%add3A_51, %dma_wait3A_141] : memref<10240x128xf32, #tpu.memory_space<vmem_shared>> -> memref<32x128xf32, #tpu.memory_space<vmem_shared>>
      tpu.wait_dma2 semaphore(%run_scoped3A_134 : memref<!tpu.dma_semaphore, #tpu.memory_space<semaphore_mem>>) src(%arg11 : memref<32x128xf32, #tpu.memory_space<vmem>>) dst(%dma_wait3A_142 : memref<32x128xf32, #tpu.memory_space<vmem_shared>>)
      tpu.yield
    }) : () -> ()
    %mul3A_52 = arith.constant 640 : i32
    %mul3A_53 = arith.muli %arg1, %mul3A_52 : i32
    %add3A_54 = arith.constant 352 : i32
    %add3A_55 = arith.addi %mul3A_53, %add3A_54 : i32
    "tpu.region"() ({
      %run_scoped3A_134 = tpu.sem_alloc : memref<!tpu.dma_semaphore, #tpu.memory_space<semaphore_mem>>
      %dma_start3A_135 = arith.constant 0 : i32
      %dma_start3A_136 = tpu.memref_slice %arg12[%add3A_55, %dma_start3A_135] : memref<10240x128xf32, #tpu.memory_space<vmem_shared>> -> memref<32x128xf32, #tpu.memory_space<vmem_shared>>
      %dma_start3A_137 = arith.constant 0 : i32
      %dma_start3A_138 = tpu.memref_slice %arg12[%add3A_55, %dma_start3A_137] : memref<10240x128xf32, #tpu.memory_space<vmem_shared>> -> memref<32x128xf32, #tpu.memory_space<vmem_shared>>
      tpu.enqueue_dma source(%arg11 : memref<32x128xf32, #tpu.memory_space<vmem>>) target(%dma_start3A_138 : memref<32x128xf32, #tpu.memory_space<vmem_shared>>) target_semaphore(%run_scoped3A_134 : memref<!tpu.dma_semaphore, #tpu.memory_space<semaphore_mem>>)
      %dma_wait3A_139 = arith.constant 0 : i32
      %dma_wait3A_140 = tpu.memref_slice %arg12[%add3A_55, %dma_wait3A_139] : memref<10240x128xf32, #tpu.memory_space<vmem_shared>> -> memref<32x128xf32, #tpu.memory_space<vmem_shared>>
      %dma_wait3A_141 = arith.constant 0 : i32
      %dma_wait3A_142 = tpu.memref_slice %arg12[%add3A_55, %dma_wait3A_141] : memref<10240x128xf32, #tpu.memory_space<vmem_shared>> -> memref<32x128xf32, #tpu.memory_space<vmem_shared>>
      tpu.wait_dma2 semaphore(%run_scoped3A_134 : memref<!tpu.dma_semaphore, #tpu.memory_space<semaphore_mem>>) src(%arg11 : memref<32x128xf32, #tpu.memory_space<vmem>>) dst(%dma_wait3A_142 : memref<32x128xf32, #tpu.memory_space<vmem_shared>>)
      tpu.yield
    }) : () -> ()
    %mul3A_56 = arith.constant 640 : i32
    %mul3A_57 = arith.muli %arg1, %mul3A_56 : i32
    %add3A_58 = arith.constant 384 : i32
    %add3A_59 = arith.addi %mul3A_57, %add3A_58 : i32
    "tpu.region"() ({
      %run_scoped3A_134 = tpu.sem_alloc : memref<!tpu.dma_semaphore, #tpu.memory_space<semaphore_mem>>
      %dma_start3A_135 = arith.constant 0 : i32
      %dma_start3A_136 = tpu.memref_slice %arg12[%add3A_59, %dma_start3A_135] : memref<10240x128xf32, #tpu.memory_space<vmem_shared>> -> memref<32x128xf32, #tpu.memory_space<vmem_shared>>
      %dma_start3A_137 = arith.constant 0 : i32
      %dma_start3A_138 = tpu.memref_slice %arg12[%add3A_59, %dma_start3A_137] : memref<10240x128xf32, #tpu.memory_space<vmem_shared>> -> memref<32x128xf32, #tpu.memory_space<vmem_shared>>
      tpu.enqueue_dma source(%arg11 : memref<32x128xf32, #tpu.memory_space<vmem>>) target(%dma_start3A_138 : memref<32x128xf32, #tpu.memory_space<vmem_shared>>) target_semaphore(%run_scoped3A_134 : memref<!tpu.dma_semaphore, #tpu.memory_space<semaphore_mem>>)
      %dma_wait3A_139 = arith.constant 0 : i32
      %dma_wait3A_140 = tpu.memref_slice %arg12[%add3A_59, %dma_wait3A_139] : memref<10240x128xf32, #tpu.memory_space<vmem_shared>> -> memref<32x128xf32, #tpu.memory_space<vmem_shared>>
      %dma_wait3A_141 = arith.constant 0 : i32
      %dma_wait3A_142 = tpu.memref_slice %arg12[%add3A_59, %dma_wait3A_141] : memref<10240x128xf32, #tpu.memory_space<vmem_shared>> -> memref<32x128xf32, #tpu.memory_space<vmem_shared>>
      tpu.wait_dma2 semaphore(%run_scoped3A_134 : memref<!tpu.dma_semaphore, #tpu.memory_space<semaphore_mem>>) src(%arg11 : memref<32x128xf32, #tpu.memory_space<vmem>>) dst(%dma_wait3A_142 : memref<32x128xf32, #tpu.memory_space<vmem_shared>>)
      tpu.yield
    }) : () -> ()
    %mul3A_60 = arith.constant 640 : i32
    %mul3A_61 = arith.muli %arg1, %mul3A_60 : i32
    %add3A_62 = arith.constant 416 : i32
    %add3A_63 = arith.addi %mul3A_61, %add3A_62 : i32
    "tpu.region"() ({
      %run_scoped3A_134 = tpu.sem_alloc : memref<!tpu.dma_semaphore, #tpu.memory_space<semaphore_mem>>
      %dma_start3A_135 = arith.constant 0 : i32
      %dma_start3A_136 = tpu.memref_slice %arg12[%add3A_63, %dma_start3A_135] : memref<10240x128xf32, #tpu.memory_space<vmem_shared>> -> memref<32x128xf32, #tpu.memory_space<vmem_shared>>
      %dma_start3A_137 = arith.constant 0 : i32
      %dma_start3A_138 = tpu.memref_slice %arg12[%add3A_63, %dma_start3A_137] : memref<10240x128xf32, #tpu.memory_space<vmem_shared>> -> memref<32x128xf32, #tpu.memory_space<vmem_shared>>
      tpu.enqueue_dma source(%arg11 : memref<32x128xf32, #tpu.memory_space<vmem>>) target(%dma_start3A_138 : memref<32x128xf32, #tpu.memory_space<vmem_shared>>) target_semaphore(%run_scoped3A_134 : memref<!tpu.dma_semaphore, #tpu.memory_space<semaphore_mem>>)
      %dma_wait3A_139 = arith.constant 0 : i32
      %dma_wait3A_140 = tpu.memref_slice %arg12[%add3A_63, %dma_wait3A_139] : memref<10240x128xf32, #tpu.memory_space<vmem_shared>> -> memref<32x128xf32, #tpu.memory_space<vmem_shared>>
      %dma_wait3A_141 = arith.constant 0 : i32
      %dma_wait3A_142 = tpu.memref_slice %arg12[%add3A_63, %dma_wait3A_141] : memref<10240x128xf32, #tpu.memory_space<vmem_shared>> -> memref<32x128xf32, #tpu.memory_space<vmem_shared>>
      tpu.wait_dma2 semaphore(%run_scoped3A_134 : memref<!tpu.dma_semaphore, #tpu.memory_space<semaphore_mem>>) src(%arg11 : memref<32x128xf32, #tpu.memory_space<vmem>>) dst(%dma_wait3A_142 : memref<32x128xf32, #tpu.memory_space<vmem_shared>>)
      tpu.yield
    }) : () -> ()
    %mul3A_64 = arith.constant 640 : i32
    %mul3A_65 = arith.muli %arg1, %mul3A_64 : i32
    %add3A_66 = arith.constant 448 : i32
    %add3A_67 = arith.addi %mul3A_65, %add3A_66 : i32
    "tpu.region"() ({
      %run_scoped3A_134 = tpu.sem_alloc : memref<!tpu.dma_semaphore, #tpu.memory_space<semaphore_mem>>
      %dma_start3A_135 = arith.constant 0 : i32
      %dma_start3A_136 = tpu.memref_slice %arg12[%add3A_67, %dma_start3A_135] : memref<10240x128xf32, #tpu.memory_space<vmem_shared>> -> memref<32x128xf32, #tpu.memory_space<vmem_shared>>
      %dma_start3A_137 = arith.constant 0 : i32
      %dma_start3A_138 = tpu.memref_slice %arg12[%add3A_67, %dma_start3A_137] : memref<10240x128xf32, #tpu.memory_space<vmem_shared>> -> memref<32x128xf32, #tpu.memory_space<vmem_shared>>
      tpu.enqueue_dma source(%arg11 : memref<32x128xf32, #tpu.memory_space<vmem>>) target(%dma_start3A_138 : memref<32x128xf32, #tpu.memory_space<vmem_shared>>) target_semaphore(%run_scoped3A_134 : memref<!tpu.dma_semaphore, #tpu.memory_space<semaphore_mem>>)
      %dma_wait3A_139 = arith.constant 0 : i32
      %dma_wait3A_140 = tpu.memref_slice %arg12[%add3A_67, %dma_wait3A_139] : memref<10240x128xf32, #tpu.memory_space<vmem_shared>> -> memref<32x128xf32, #tpu.memory_space<vmem_shared>>
      %dma_wait3A_141 = arith.constant 0 : i32
      %dma_wait3A_142 = tpu.memref_slice %arg12[%add3A_67, %dma_wait3A_141] : memref<10240x128xf32, #tpu.memory_space<vmem_shared>> -> memref<32x128xf32, #tpu.memory_space<vmem_shared>>
      tpu.wait_dma2 semaphore(%run_scoped3A_134 : memref<!tpu.dma_semaphore, #tpu.memory_space<semaphore_mem>>) src(%arg11 : memref<32x128xf32, #tpu.memory_space<vmem>>) dst(%dma_wait3A_142 : memref<32x128xf32, #tpu.memory_space<vmem_shared>>)
      tpu.yield
    }) : () -> ()
    %mul3A_68 = arith.constant 640 : i32
    %mul3A_69 = arith.muli %arg1, %mul3A_68 : i32
    %add3A_70 = arith.constant 480 : i32
    %add3A_71 = arith.addi %mul3A_69, %add3A_70 : i32
    "tpu.region"() ({
      %run_scoped3A_134 = tpu.sem_alloc : memref<!tpu.dma_semaphore, #tpu.memory_space<semaphore_mem>>
      %dma_start3A_135 = arith.constant 0 : i32
      %dma_start3A_136 = tpu.memref_slice %arg12[%add3A_71, %dma_start3A_135] : memref<10240x128xf32, #tpu.memory_space<vmem_shared>> -> memref<32x128xf32, #tpu.memory_space<vmem_shared>>
      %dma_start3A_137 = arith.constant 0 : i32
      %dma_start3A_138 = tpu.memref_slice %arg12[%add3A_71, %dma_start3A_137] : memref<10240x128xf32, #tpu.memory_space<vmem_shared>> -> memref<32x128xf32, #tpu.memory_space<vmem_shared>>
      tpu.enqueue_dma source(%arg11 : memref<32x128xf32, #tpu.memory_space<vmem>>) target(%dma_start3A_138 : memref<32x128xf32, #tpu.memory_space<vmem_shared>>) target_semaphore(%run_scoped3A_134 : memref<!tpu.dma_semaphore, #tpu.memory_space<semaphore_mem>>)
      %dma_wait3A_139 = arith.constant 0 : i32
      %dma_wait3A_140 = tpu.memref_slice %arg12[%add3A_71, %dma_wait3A_139] : memref<10240x128xf32, #tpu.memory_space<vmem_shared>> -> memref<32x128xf32, #tpu.memory_space<vmem_shared>>
      %dma_wait3A_141 = arith.constant 0 : i32
      %dma_wait3A_142 = tpu.memref_slice %arg12[%add3A_71, %dma_wait3A_141] : memref<10240x128xf32, #tpu.memory_space<vmem_shared>> -> memref<32x128xf32, #tpu.memory_space<vmem_shared>>
      tpu.wait_dma2 semaphore(%run_scoped3A_134 : memref<!tpu.dma_semaphore, #tpu.memory_space<semaphore_mem>>) src(%arg11 : memref<32x128xf32, #tpu.memory_space<vmem>>) dst(%dma_wait3A_142 : memref<32x128xf32, #tpu.memory_space<vmem_shared>>)
      tpu.yield
    }) : () -> ()
    %mul3A_72 = arith.constant 640 : i32
    %mul3A_73 = arith.muli %arg1, %mul3A_72 : i32
    %add3A_74 = arith.constant 512 : i32
    %add3A_75 = arith.addi %mul3A_73, %add3A_74 : i32
    "tpu.region"() ({
      %run_scoped3A_134 = tpu.sem_alloc : memref<!tpu.dma_semaphore, #tpu.memory_space<semaphore_mem>>
      %dma_start3A_135 = arith.constant 0 : i32
      %dma_start3A_136 = tpu.memref_slice %arg12[%add3A_75, %dma_start3A_135] : memref<10240x128xf32, #tpu.memory_space<vmem_shared>> -> memref<32x128xf32, #tpu.memory_space<vmem_shared>>
      %dma_start3A_137 = arith.constant 0 : i32
      %dma_start3A_138 = tpu.memref_slice %arg12[%add3A_75, %dma_start3A_137] : memref<10240x128xf32, #tpu.memory_space<vmem_shared>> -> memref<32x128xf32, #tpu.memory_space<vmem_shared>>
      tpu.enqueue_dma source(%arg11 : memref<32x128xf32, #tpu.memory_space<vmem>>) target(%dma_start3A_138 : memref<32x128xf32, #tpu.memory_space<vmem_shared>>) target_semaphore(%run_scoped3A_134 : memref<!tpu.dma_semaphore, #tpu.memory_space<semaphore_mem>>)
      %dma_wait3A_139 = arith.constant 0 : i32
      %dma_wait3A_140 = tpu.memref_slice %arg12[%add3A_75, %dma_wait3A_139] : memref<10240x128xf32, #tpu.memory_space<vmem_shared>> -> memref<32x128xf32, #tpu.memory_space<vmem_shared>>
      %dma_wait3A_141 = arith.constant 0 : i32
      %dma_wait3A_142 = tpu.memref_slice %arg12[%add3A_75, %dma_wait3A_141] : memref<10240x128xf32, #tpu.memory_space<vmem_shared>> -> memref<32x128xf32, #tpu.memory_space<vmem_shared>>
      tpu.wait_dma2 semaphore(%run_scoped3A_134 : memref<!tpu.dma_semaphore, #tpu.memory_space<semaphore_mem>>) src(%arg11 : memref<32x128xf32, #tpu.memory_space<vmem>>) dst(%dma_wait3A_142 : memref<32x128xf32, #tpu.memory_space<vmem_shared>>)
      tpu.yield
    }) : () -> ()
    %mul3A_76 = arith.constant 640 : i32
    %mul3A_77 = arith.muli %arg1, %mul3A_76 : i32
    %add3A_78 = arith.constant 544 : i32
    %add3A_79 = arith.addi %mul3A_77, %add3A_78 : i32
    "tpu.region"() ({
      %run_scoped3A_134 = tpu.sem_alloc : memref<!tpu.dma_semaphore, #tpu.memory_space<semaphore_mem>>
      %dma_start3A_135 = arith.constant 0 : i32
      %dma_start3A_136 = tpu.memref_slice %arg12[%add3A_79, %dma_start3A_135] : memref<10240x128xf32, #tpu.memory_space<vmem_shared>> -> memref<32x128xf32, #tpu.memory_space<vmem_shared>>
      %dma_start3A_137 = arith.constant 0 : i32
      %dma_start3A_138 = tpu.memref_slice %arg12[%add3A_79, %dma_start3A_137] : memref<10240x128xf32, #tpu.memory_space<vmem_shared>> -> memref<32x128xf32, #tpu.memory_space<vmem_shared>>
      tpu.enqueue_dma source(%arg11 : memref<32x128xf32, #tpu.memory_space<vmem>>) target(%dma_start3A_138 : memref<32x128xf32, #tpu.memory_space<vmem_shared>>) target_semaphore(%run_scoped3A_134 : memref<!tpu.dma_semaphore, #tpu.memory_space<semaphore_mem>>)
      %dma_wait3A_139 = arith.constant 0 : i32
      %dma_wait3A_140 = tpu.memref_slice %arg12[%add3A_79, %dma_wait3A_139] : memref<10240x128xf32, #tpu.memory_space<vmem_shared>> -> memref<32x128xf32, #tpu.memory_space<vmem_shared>>
      %dma_wait3A_141 = arith.constant 0 : i32
      %dma_wait3A_142 = tpu.memref_slice %arg12[%add3A_79, %dma_wait3A_141] : memref<10240x128xf32, #tpu.memory_space<vmem_shared>> -> memref<32x128xf32, #tpu.memory_space<vmem_shared>>
      tpu.wait_dma2 semaphore(%run_scoped3A_134 : memref<!tpu.dma_semaphore, #tpu.memory_space<semaphore_mem>>) src(%arg11 : memref<32x128xf32, #tpu.memory_space<vmem>>) dst(%dma_wait3A_142 : memref<32x128xf32, #tpu.memory_space<vmem_shared>>)
      tpu.yield
    }) : () -> ()
    %mul3A_80 = arith.constant 640 : i32
    %mul3A_81 = arith.muli %arg1, %mul3A_80 : i32
    %add3A_82 = arith.constant 576 : i32
    %add3A_83 = arith.addi %mul3A_81, %add3A_82 : i32
    "tpu.region"() ({
      %run_scoped3A_134 = tpu.sem_alloc : memref<!tpu.dma_semaphore, #tpu.memory_space<semaphore_mem>>
      %dma_start3A_135 = arith.constant 0 : i32
      %dma_start3A_136 = tpu.memref_slice %arg12[%add3A_83, %dma_start3A_135] : memref<10240x128xf32, #tpu.memory_space<vmem_shared>> -> memref<32x128xf32, #tpu.memory_space<vmem_shared>>
      %dma_start3A_137 = arith.constant 0 : i32
      %dma_start3A_138 = tpu.memref_slice %arg12[%add3A_83, %dma_start3A_137] : memref<10240x128xf32, #tpu.memory_space<vmem_shared>> -> memref<32x128xf32, #tpu.memory_space<vmem_shared>>
      tpu.enqueue_dma source(%arg11 : memref<32x128xf32, #tpu.memory_space<vmem>>) target(%dma_start3A_138 : memref<32x128xf32, #tpu.memory_space<vmem_shared>>) target_semaphore(%run_scoped3A_134 : memref<!tpu.dma_semaphore, #tpu.memory_space<semaphore_mem>>)
      %dma_wait3A_139 = arith.constant 0 : i32
      %dma_wait3A_140 = tpu.memref_slice %arg12[%add3A_83, %dma_wait3A_139] : memref<10240x128xf32, #tpu.memory_space<vmem_shared>> -> memref<32x128xf32, #tpu.memory_space<vmem_shared>>
      %dma_wait3A_141 = arith.constant 0 : i32
      %dma_wait3A_142 = tpu.memref_slice %arg12[%add3A_83, %dma_wait3A_141] : memref<10240x128xf32, #tpu.memory_space<vmem_shared>> -> memref<32x128xf32, #tpu.memory_space<vmem_shared>>
      tpu.wait_dma2 semaphore(%run_scoped3A_134 : memref<!tpu.dma_semaphore, #tpu.memory_space<semaphore_mem>>) src(%arg11 : memref<32x128xf32, #tpu.memory_space<vmem>>) dst(%dma_wait3A_142 : memref<32x128xf32, #tpu.memory_space<vmem_shared>>)
      tpu.yield
    }) : () -> ()
    %mul3A_84 = arith.constant 640 : i32
    %mul3A_85 = arith.muli %arg1, %mul3A_84 : i32
    %add3A_86 = arith.constant 608 : i32
    %add3A_87 = arith.addi %mul3A_85, %add3A_86 : i32
    "tpu.region"() ({
      %run_scoped3A_134 = tpu.sem_alloc : memref<!tpu.dma_semaphore, #tpu.memory_space<semaphore_mem>>
      %dma_start3A_135 = arith.constant 0 : i32
      %dma_start3A_136 = tpu.memref_slice %arg12[%add3A_87, %dma_start3A_135] : memref<10240x128xf32, #tpu.memory_space<vmem_shared>> -> memref<32x128xf32, #tpu.memory_space<vmem_shared>>
      %dma_start3A_137 = arith.constant 0 : i32
      %dma_start3A_138 = tpu.memref_slice %arg12[%add3A_87, %dma_start3A_137] : memref<10240x128xf32, #tpu.memory_space<vmem_shared>> -> memref<32x128xf32, #tpu.memory_space<vmem_shared>>
      tpu.enqueue_dma source(%arg11 : memref<32x128xf32, #tpu.memory_space<vmem>>) target(%dma_start3A_138 : memref<32x128xf32, #tpu.memory_space<vmem_shared>>) target_semaphore(%run_scoped3A_134 : memref<!tpu.dma_semaphore, #tpu.memory_space<semaphore_mem>>)
      %dma_wait3A_139 = arith.constant 0 : i32
      %dma_wait3A_140 = tpu.memref_slice %arg12[%add3A_87, %dma_wait3A_139] : memref<10240x128xf32, #tpu.memory_space<vmem_shared>> -> memref<32x128xf32, #tpu.memory_space<vmem_shared>>
      %dma_wait3A_141 = arith.constant 0 : i32
      %dma_wait3A_142 = tpu.memref_slice %arg12[%add3A_87, %dma_wait3A_141] : memref<10240x128xf32, #tpu.memory_space<vmem_shared>> -> memref<32x128xf32, #tpu.memory_space<vmem_shared>>
      tpu.wait_dma2 semaphore(%run_scoped3A_134 : memref<!tpu.dma_semaphore, #tpu.memory_space<semaphore_mem>>) src(%arg11 : memref<32x128xf32, #tpu.memory_space<vmem>>) dst(%dma_wait3A_142 : memref<32x128xf32, #tpu.memory_space<vmem_shared>>)
      tpu.yield
    }) : () -> ()
    %barrier3A = arith.constant 0 : index
    tpu.barrier barrier_id(%barrier3A)
    %add3A_88 = arith.constant 0 : i32
    %add3A_89 = arith.addi %mul3A_2, %add3A_88 : i32
    %dma_start3A = arith.constant 0 : i32
    %dma_start3A_90 = arith.constant 0 : i32
    %dma_start3A_91 = tpu.memref_slice %arg3[%add3A_89, %dma_start3A, %dma_start3A_90] : memref<2560x2x128xi32, #tpu.memory_space<hbm>> -> memref<1x2x128xi32, #tpu.memory_space<hbm>>
    %dma_start3A_92 = tpu.memref_squeeze %dma_start3A_91 : memref<1x2x128xi32, #tpu.memory_space<hbm>> -> memref<2x128xi32, #tpu.memory_space<hbm>>
    %dma_start3A_93 = arith.constant 0 : i32
    %dma_start3A_94 = arith.constant 0 : i32
    %dma_start3A_95 = tpu.memref_slice %arg3[%add3A_89, %dma_start3A_93, %dma_start3A_94] : memref<2560x2x128xi32, #tpu.memory_space<hbm>> -> memref<1x2x128xi32, #tpu.memory_space<hbm>>
    %dma_start3A_96 = tpu.memref_squeeze %dma_start3A_95 : memref<1x2x128xi32, #tpu.memory_space<hbm>> -> memref<2x128xi32, #tpu.memory_space<hbm>>
    tpu.enqueue_dma source(%dma_start3A_96 : memref<2x128xi32, #tpu.memory_space<hbm>>) target(%arg5 : memref<2x128xi32, #tpu.memory_space<vmem>>) target_semaphore(%arg13 : memref<!tpu.dma_semaphore, #tpu.memory_space<semaphore_mem>>)
    %add3A_97 = arith.constant 1 : i32
    %add3A_98 = arith.addi %mul3A_2, %add3A_97 : i32
    %dma_start3A_99 = arith.constant 0 : i32
    %dma_start3A_100 = arith.constant 0 : i32
    %dma_start3A_101 = tpu.memref_slice %arg3[%add3A_98, %dma_start3A_99, %dma_start3A_100] : memref<2560x2x128xi32, #tpu.memory_space<hbm>> -> memref<1x2x128xi32, #tpu.memory_space<hbm>>
    %dma_start3A_102 = tpu.memref_squeeze %dma_start3A_101 : memref<1x2x128xi32, #tpu.memory_space<hbm>> -> memref<2x128xi32, #tpu.memory_space<hbm>>
    %dma_start3A_103 = arith.constant 0 : i32
    %dma_start3A_104 = arith.constant 0 : i32
    %dma_start3A_105 = tpu.memref_slice %arg3[%add3A_98, %dma_start3A_103, %dma_start3A_104] : memref<2560x2x128xi32, #tpu.memory_space<hbm>> -> memref<1x2x128xi32, #tpu.memory_space<hbm>>
    %dma_start3A_106 = tpu.memref_squeeze %dma_start3A_105 : memref<1x2x128xi32, #tpu.memory_space<hbm>> -> memref<2x128xi32, #tpu.memory_space<hbm>>
    tpu.enqueue_dma source(%dma_start3A_106 : memref<2x128xi32, #tpu.memory_space<hbm>>) target(%arg6 : memref<2x128xi32, #tpu.memory_space<vmem>>) target_semaphore(%arg14 : memref<!tpu.dma_semaphore, #tpu.memory_space<semaphore_mem>>)
    %add3A_107 = arith.constant 2 : i32
    %add3A_108 = arith.addi %mul3A_2, %add3A_107 : i32
    %dma_start3A_109 = arith.constant 0 : i32
    %dma_start3A_110 = arith.constant 0 : i32
    %dma_start3A_111 = tpu.memref_slice %arg3[%add3A_108, %dma_start3A_109, %dma_start3A_110] : memref<2560x2x128xi32, #tpu.memory_space<hbm>> -> memref<1x2x128xi32, #tpu.memory_space<hbm>>
    %dma_start3A_112 = tpu.memref_squeeze %dma_start3A_111 : memref<1x2x128xi32, #tpu.memory_space<hbm>> -> memref<2x128xi32, #tpu.memory_space<hbm>>
    %dma_start3A_113 = arith.constant 0 : i32
    %dma_start3A_114 = arith.constant 0 : i32
    %dma_start3A_115 = tpu.memref_slice %arg3[%add3A_108, %dma_start3A_113, %dma_start3A_114] : memref<2560x2x128xi32, #tpu.memory_space<hbm>> -> memref<1x2x128xi32, #tpu.memory_space<hbm>>
    %dma_start3A_116 = tpu.memref_squeeze %dma_start3A_115 : memref<1x2x128xi32, #tpu.memory_space<hbm>> -> memref<2x128xi32, #tpu.memory_space<hbm>>
    tpu.enqueue_dma source(%dma_start3A_116 : memref<2x128xi32, #tpu.memory_space<hbm>>) target(%arg7 : memref<2x128xi32, #tpu.memory_space<vmem>>) target_semaphore(%arg15 : memref<!tpu.dma_semaphore, #tpu.memory_space<semaphore_mem>>)
    %scan3A_117 = arith.constant 0 : i32
    %scan3A_118 = arith.constant 0 : i32
    %scan3A_119 = arith.constant 20 : i32
    %scan3A_120 = arith.addi %scan3A_118, %scan3A_119 : i32
    %scan3A_121 = arith.constant 1 : i32
    scf.for %scan3A_134 = %scan3A_118 to %scan3A_120 step %scan3A_121  : i32 {
      %mul3A_135 = arith.constant 4 : i32
      %mul3A_136 = arith.muli %scan3A_134, %mul3A_135 : i32
      %add3A_137 = arith.constant 0 : i32
      %add3A_138 = arith.addi %mul3A_136, %add3A_137 : i32
      %dma_wait3A_139 = arith.constant 0 : i32
      %dma_wait3A_140 = arith.constant 0 : i32
      %dma_wait3A_141 = arith.constant 0 : i32
      %dma_wait3A_142 = tpu.memref_slice %arg3[%dma_wait3A_139, %dma_wait3A_140, %dma_wait3A_141] : memref<2560x2x128xi32, #tpu.memory_space<hbm>> -> memref<1x2x128xi32, #tpu.memory_space<hbm>>
      %dma_wait3A_143 = tpu.memref_squeeze %dma_wait3A_142 : memref<1x2x128xi32, #tpu.memory_space<hbm>> -> memref<2x128xi32, #tpu.memory_space<hbm>>
      %dma_wait3A_144 = arith.constant 0 : i32
      %dma_wait3A_145 = arith.constant 0 : i32
      %dma_wait3A_146 = tpu.memref_slice %arg3[%dma_wait3A_139, %dma_wait3A_144, %dma_wait3A_145] : memref<2560x2x128xi32, #tpu.memory_space<hbm>> -> memref<1x2x128xi32, #tpu.memory_space<hbm>>
      %dma_wait3A_147 = tpu.memref_squeeze %dma_wait3A_146 : memref<1x2x128xi32, #tpu.memory_space<hbm>> -> memref<2x128xi32, #tpu.memory_space<hbm>>
      tpu.wait_dma2 semaphore(%arg13 : memref<!tpu.dma_semaphore, #tpu.memory_space<semaphore_mem>>) src(%dma_wait3A_147 : memref<2x128xi32, #tpu.memory_space<hbm>>) dst(%arg5 : memref<2x128xi32, #tpu.memory_space<vmem>>)
      %dma_start3A_148 = arith.constant 0 : i32
      %dma_start3A_149 = arith.constant 0 : i32
      %dma_start3A_150 = tpu.memref_slice %arg5[%dma_start3A_148, %dma_start3A_149] : memref<2x128xi32, #tpu.memory_space<vmem>> -> memref<1x128xi32, #tpu.memory_space<vmem>>
      %dma_start3A_151 = tpu.memref_squeeze %dma_start3A_150 : memref<1x128xi32, #tpu.memory_space<vmem>> -> memref<128xi32, #tpu.memory_space<vmem>>
      %dma_start3A_152 = arith.constant 0 : i32
      %dma_start3A_153 = arith.constant 0 : i32
      %dma_start3A_154 = tpu.memref_slice %arg2[%dma_start3A_152, %dma_start3A_153] : memref<10000x128xf32, #tpu.memory_space<hbm>> -> memref<10000x128xf32, #tpu.memory_space<hbm>>
      tpu.enqueue_indirect_dma source(%dma_start3A_154 : memref<10000x128xf32, #tpu.memory_space<hbm>>) target(%arg9 : memref<128x128xf32, #tpu.memory_space<vmem>>) offsets(%dma_start3A_151 : memref<128xi32, #tpu.memory_space<vmem>>) semaphore(%arg17 : memref<!tpu.dma_semaphore, #tpu.memory_space<semaphore_mem>>)
      %gt3A = arith.constant 0 : i32
      %gt3A_155 = arith.cmpi sgt, %add3A_138, %gt3A : i32
      %convert_element_type3A = arith.extui %gt3A_155 : i1 to i32
      %cond3A = arith.constant 0 : i32
      %cond3A_156 = arith.cmpi ne, %convert_element_type3A, %cond3A : i32
      scf.if %cond3A_156 {
        %dma_wait3A_268 = arith.constant 0 : i32
        %dma_wait3A_269 = arith.constant 0 : i32
        %dma_wait3A_270 = tpu.memref_slice %arg8[%dma_wait3A_268, %dma_wait3A_269] : memref<2x128xi32, #tpu.memory_space<vmem>> -> memref<1x128xi32, #tpu.memory_space<vmem>>
        %dma_wait3A_271 = tpu.memref_squeeze %dma_wait3A_270 : memref<1x128xi32, #tpu.memory_space<vmem>> -> memref<128xi32, #tpu.memory_space<vmem>>
        %dma_wait3A_272 = arith.constant 0 : i32
        %dma_wait3A_273 = arith.constant 0 : i32
        %dma_wait3A_274 = tpu.memref_slice %arg2[%dma_wait3A_272, %dma_wait3A_273] : memref<10000x128xf32, #tpu.memory_space<hbm>> -> memref<10000x128xf32, #tpu.memory_space<hbm>>
        tpu.wait_indirect_dma semaphore(%arg18 : memref<!tpu.dma_semaphore, #tpu.memory_space<semaphore_mem>>) src(%dma_wait3A_274 : memref<10000x128xf32, #tpu.memory_space<hbm>>) dst(%arg10 : memref<128x128xf32, #tpu.memory_space<vmem>>)
        %run_scoped3A_275 = arith.constant 1 : i32
        "tpu.region"() ({
          %run_scoped3A_276 = tpu.sem_alloc : memref<!tpu.dma_semaphore, #tpu.memory_space<semaphore_mem>>
          %dma_start3A_277 = arith.constant 0 : i32
          %dma_start3A_278 = tpu.memref_slice %arg8[%run_scoped3A_275, %dma_start3A_277] : memref<2x128xi32, #tpu.memory_space<vmem>> -> memref<1x128xi32, #tpu.memory_space<vmem>>
          %dma_start3A_279 = tpu.memref_squeeze %dma_start3A_278 : memref<1x128xi32, #tpu.memory_space<vmem>> -> memref<128xi32, #tpu.memory_space<vmem>>
          %dma_start3A_280 = arith.constant 0 : i32
          %dma_start3A_281 = arith.constant 0 : i32
          %dma_start3A_282 = tpu.memref_slice %arg12[%dma_start3A_280, %dma_start3A_281] : memref<10240x128xf32, #tpu.memory_space<vmem_shared>> -> memref<10240x128xf32, #tpu.memory_space<vmem_shared>>
          tpu.enqueue_indirect_dma source(%arg10 : memref<128x128xf32, #tpu.memory_space<vmem>>) target(%dma_start3A_282 : memref<10240x128xf32, #tpu.memory_space<vmem_shared>>) offsets(%dma_start3A_279 : memref<128xi32, #tpu.memory_space<vmem>>) semaphore(%run_scoped3A_276 : memref<!tpu.dma_semaphore, #tpu.memory_space<semaphore_mem>>) {add = true}
          %dma_wait3A_283 = arith.constant 0 : i32
          %dma_wait3A_284 = tpu.memref_slice %arg8[%run_scoped3A_275, %dma_wait3A_283] : memref<2x128xi32, #tpu.memory_space<vmem>> -> memref<1x128xi32, #tpu.memory_space<vmem>>
          %dma_wait3A_285 = tpu.memref_squeeze %dma_wait3A_284 : memref<1x128xi32, #tpu.memory_space<vmem>> -> memref<128xi32, #tpu.memory_space<vmem>>
          %dma_wait3A_286 = arith.constant 0 : i32
          %dma_wait3A_287 = arith.constant 0 : i32
          %dma_wait3A_288 = tpu.memref_slice %arg12[%dma_wait3A_286, %dma_wait3A_287] : memref<10240x128xf32, #tpu.memory_space<vmem_shared>> -> memref<10240x128xf32, #tpu.memory_space<vmem_shared>>
          tpu.wait_indirect_dma semaphore(%run_scoped3A_276 : memref<!tpu.dma_semaphore, #tpu.memory_space<semaphore_mem>>) src(%arg10 : memref<128x128xf32, #tpu.memory_space<vmem>>) dst(%dma_wait3A_288 : memref<10240x128xf32, #tpu.memory_space<vmem_shared>>)
          tpu.yield
        }) : () -> ()
      } else {
      }
      %add3A_157 = arith.constant 3 : i32
      %add3A_158 = arith.addi %add3A_138, %add3A_157 : i32
      %lt3A = arith.constant 80 : i32
      %lt3A_159 = arith.cmpi slt, %add3A_158, %lt3A : i32
      %convert_element_type3A_160 = arith.extui %lt3A_159 : i1 to i32
      %cond3A_161 = arith.constant 0 : i32
      %cond3A_162 = arith.cmpi ne, %convert_element_type3A_160, %cond3A_161 : i32
      scf.if %cond3A_162 {
        %add3A_268 = arith.constant 3 : i32
        %add3A_269 = arith.addi %add3A_138, %add3A_268 : i32
        %add3A_270 = arith.addi %mul3A_2, %add3A_269 : i32
        %dma_start3A_271 = arith.constant 0 : i32
        %dma_start3A_272 = arith.constant 0 : i32
        %dma_start3A_273 = tpu.memref_slice %arg3[%add3A_270, %dma_start3A_271, %dma_start3A_272] : memref<2560x2x128xi32, #tpu.memory_space<hbm>> -> memref<1x2x128xi32, #tpu.memory_space<hbm>>
        %dma_start3A_274 = tpu.memref_squeeze %dma_start3A_273 : memref<1x2x128xi32, #tpu.memory_space<hbm>> -> memref<2x128xi32, #tpu.memory_space<hbm>>
        %dma_start3A_275 = arith.constant 0 : i32
        %dma_start3A_276 = arith.constant 0 : i32
        %dma_start3A_277 = tpu.memref_slice %arg3[%add3A_270, %dma_start3A_275, %dma_start3A_276] : memref<2560x2x128xi32, #tpu.memory_space<hbm>> -> memref<1x2x128xi32, #tpu.memory_space<hbm>>
        %dma_start3A_278 = tpu.memref_squeeze %dma_start3A_277 : memref<1x2x128xi32, #tpu.memory_space<hbm>> -> memref<2x128xi32, #tpu.memory_space<hbm>>
        tpu.enqueue_dma source(%dma_start3A_278 : memref<2x128xi32, #tpu.memory_space<hbm>>) target(%arg8 : memref<2x128xi32, #tpu.memory_space<vmem>>) target_semaphore(%arg16 : memref<!tpu.dma_semaphore, #tpu.memory_space<semaphore_mem>>)
      } else {
      }
      %mul3A_163 = arith.constant 4 : i32
      %mul3A_164 = arith.muli %scan3A_134, %mul3A_163 : i32
      %add3A_165 = arith.constant 1 : i32
      %add3A_166 = arith.addi %mul3A_164, %add3A_165 : i32
      %dma_wait3A_167 = arith.constant 0 : i32
      %dma_wait3A_168 = arith.constant 0 : i32
      %dma_wait3A_169 = arith.constant 0 : i32
      %dma_wait3A_170 = tpu.memref_slice %arg3[%dma_wait3A_167, %dma_wait3A_168, %dma_wait3A_169] : memref<2560x2x128xi32, #tpu.memory_space<hbm>> -> memref<1x2x128xi32, #tpu.memory_space<hbm>>
      %dma_wait3A_171 = tpu.memref_squeeze %dma_wait3A_170 : memref<1x2x128xi32, #tpu.memory_space<hbm>> -> memref<2x128xi32, #tpu.memory_space<hbm>>
      %dma_wait3A_172 = arith.constant 0 : i32
      %dma_wait3A_173 = arith.constant 0 : i32
      %dma_wait3A_174 = tpu.memref_slice %arg3[%dma_wait3A_167, %dma_wait3A_172, %dma_wait3A_173] : memref<2560x2x128xi32, #tpu.memory_space<hbm>> -> memref<1x2x128xi32, #tpu.memory_space<hbm>>
      %dma_wait3A_175 = tpu.memref_squeeze %dma_wait3A_174 : memref<1x2x128xi32, #tpu.memory_space<hbm>> -> memref<2x128xi32, #tpu.memory_space<hbm>>
      tpu.wait_dma2 semaphore(%arg14 : memref<!tpu.dma_semaphore, #tpu.memory_space<semaphore_mem>>) src(%dma_wait3A_175 : memref<2x128xi32, #tpu.memory_space<hbm>>) dst(%arg6 : memref<2x128xi32, #tpu.memory_space<vmem>>)
      %dma_start3A_176 = arith.constant 0 : i32
      %dma_start3A_177 = arith.constant 0 : i32
      %dma_start3A_178 = tpu.memref_slice %arg6[%dma_start3A_176, %dma_start3A_177] : memref<2x128xi32, #tpu.memory_space<vmem>> -> memref<1x128xi32, #tpu.memory_space<vmem>>
      %dma_start3A_179 = tpu.memref_squeeze %dma_start3A_178 : memref<1x128xi32, #tpu.memory_space<vmem>> -> memref<128xi32, #tpu.memory_space<vmem>>
      %dma_start3A_180 = arith.constant 0 : i32
      %dma_start3A_181 = arith.constant 0 : i32
      %dma_start3A_182 = tpu.memref_slice %arg2[%dma_start3A_180, %dma_start3A_181] : memref<10000x128xf32, #tpu.memory_space<hbm>> -> memref<10000x128xf32, #tpu.memory_space<hbm>>
      tpu.enqueue_indirect_dma source(%dma_start3A_182 : memref<10000x128xf32, #tpu.memory_space<hbm>>) target(%arg10 : memref<128x128xf32, #tpu.memory_space<vmem>>) offsets(%dma_start3A_179 : memref<128xi32, #tpu.memory_space<vmem>>) semaphore(%arg18 : memref<!tpu.dma_semaphore, #tpu.memory_space<semaphore_mem>>)
      %dma_wait3A_183 = arith.constant 0 : i32
      %dma_wait3A_184 = arith.constant 0 : i32
      %dma_wait3A_185 = tpu.memref_slice %arg5[%dma_wait3A_183, %dma_wait3A_184] : memref<2x128xi32, #tpu.memory_space<vmem>> -> memref<1x128xi32, #tpu.memory_space<vmem>>
      %dma_wait3A_186 = tpu.memref_squeeze %dma_wait3A_185 : memref<1x128xi32, #tpu.memory_space<vmem>> -> memref<128xi32, #tpu.memory_space<vmem>>
      %dma_wait3A_187 = arith.constant 0 : i32
      %dma_wait3A_188 = arith.constant 0 : i32
      %dma_wait3A_189 = tpu.memref_slice %arg2[%dma_wait3A_187, %dma_wait3A_188] : memref<10000x128xf32, #tpu.memory_space<hbm>> -> memref<10000x128xf32, #tpu.memory_space<hbm>>
      tpu.wait_indirect_dma semaphore(%arg17 : memref<!tpu.dma_semaphore, #tpu.memory_space<semaphore_mem>>) src(%dma_wait3A_189 : memref<10000x128xf32, #tpu.memory_space<hbm>>) dst(%arg9 : memref<128x128xf32, #tpu.memory_space<vmem>>)
      %run_scoped3A_190 = arith.constant 1 : i32
      "tpu.region"() ({
        %run_scoped3A_268 = tpu.sem_alloc : memref<!tpu.dma_semaphore, #tpu.memory_space<semaphore_mem>>
        %dma_start3A_269 = arith.constant 0 : i32
        %dma_start3A_270 = tpu.memref_slice %arg5[%run_scoped3A_190, %dma_start3A_269] : memref<2x128xi32, #tpu.memory_space<vmem>> -> memref<1x128xi32, #tpu.memory_space<vmem>>
        %dma_start3A_271 = tpu.memref_squeeze %dma_start3A_270 : memref<1x128xi32, #tpu.memory_space<vmem>> -> memref<128xi32, #tpu.memory_space<vmem>>
        %dma_start3A_272 = arith.constant 0 : i32
        %dma_start3A_273 = arith.constant 0 : i32
        %dma_start3A_274 = tpu.memref_slice %arg12[%dma_start3A_272, %dma_start3A_273] : memref<10240x128xf32, #tpu.memory_space<vmem_shared>> -> memref<10240x128xf32, #tpu.memory_space<vmem_shared>>
        tpu.enqueue_indirect_dma source(%arg9 : memref<128x128xf32, #tpu.memory_space<vmem>>) target(%dma_start3A_274 : memref<10240x128xf32, #tpu.memory_space<vmem_shared>>) offsets(%dma_start3A_271 : memref<128xi32, #tpu.memory_space<vmem>>) semaphore(%run_scoped3A_268 : memref<!tpu.dma_semaphore, #tpu.memory_space<semaphore_mem>>) {add = true}
        %dma_wait3A_275 = arith.constant 0 : i32
        %dma_wait3A_276 = tpu.memref_slice %arg5[%run_scoped3A_190, %dma_wait3A_275] : memref<2x128xi32, #tpu.memory_space<vmem>> -> memref<1x128xi32, #tpu.memory_space<vmem>>
        %dma_wait3A_277 = tpu.memref_squeeze %dma_wait3A_276 : memref<1x128xi32, #tpu.memory_space<vmem>> -> memref<128xi32, #tpu.memory_space<vmem>>
        %dma_wait3A_278 = arith.constant 0 : i32
        %dma_wait3A_279 = arith.constant 0 : i32
        %dma_wait3A_280 = tpu.memref_slice %arg12[%dma_wait3A_278, %dma_wait3A_279] : memref<10240x128xf32, #tpu.memory_space<vmem_shared>> -> memref<10240x128xf32, #tpu.memory_space<vmem_shared>>
        tpu.wait_indirect_dma semaphore(%run_scoped3A_268 : memref<!tpu.dma_semaphore, #tpu.memory_space<semaphore_mem>>) src(%arg9 : memref<128x128xf32, #tpu.memory_space<vmem>>) dst(%dma_wait3A_280 : memref<10240x128xf32, #tpu.memory_space<vmem_shared>>)
        tpu.yield
      }) : () -> ()
      %add3A_191 = arith.constant 3 : i32
      %add3A_192 = arith.addi %add3A_166, %add3A_191 : i32
      %lt3A_193 = arith.constant 80 : i32
      %lt3A_194 = arith.cmpi slt, %add3A_192, %lt3A_193 : i32
      %convert_element_type3A_195 = arith.extui %lt3A_194 : i1 to i32
      %cond3A_196 = arith.constant 0 : i32
      %cond3A_197 = arith.cmpi ne, %convert_element_type3A_195, %cond3A_196 : i32
      scf.if %cond3A_197 {
        %add3A_268 = arith.constant 3 : i32
        %add3A_269 = arith.addi %add3A_166, %add3A_268 : i32
        %add3A_270 = arith.addi %mul3A_2, %add3A_269 : i32
        %dma_start3A_271 = arith.constant 0 : i32
        %dma_start3A_272 = arith.constant 0 : i32
        %dma_start3A_273 = tpu.memref_slice %arg3[%add3A_270, %dma_start3A_271, %dma_start3A_272] : memref<2560x2x128xi32, #tpu.memory_space<hbm>> -> memref<1x2x128xi32, #tpu.memory_space<hbm>>
        %dma_start3A_274 = tpu.memref_squeeze %dma_start3A_273 : memref<1x2x128xi32, #tpu.memory_space<hbm>> -> memref<2x128xi32, #tpu.memory_space<hbm>>
        %dma_start3A_275 = arith.constant 0 : i32
        %dma_start3A_276 = arith.constant 0 : i32
        %dma_start3A_277 = tpu.memref_slice %arg3[%add3A_270, %dma_start3A_275, %dma_start3A_276] : memref<2560x2x128xi32, #tpu.memory_space<hbm>> -> memref<1x2x128xi32, #tpu.memory_space<hbm>>
        %dma_start3A_278 = tpu.memref_squeeze %dma_start3A_277 : memref<1x2x128xi32, #tpu.memory_space<hbm>> -> memref<2x128xi32, #tpu.memory_space<hbm>>
        tpu.enqueue_dma source(%dma_start3A_278 : memref<2x128xi32, #tpu.memory_space<hbm>>) target(%arg5 : memref<2x128xi32, #tpu.memory_space<vmem>>) target_semaphore(%arg13 : memref<!tpu.dma_semaphore, #tpu.memory_space<semaphore_mem>>)
      } else {
      }
      %mul3A_198 = arith.constant 4 : i32
      %mul3A_199 = arith.muli %scan3A_134, %mul3A_198 : i32
      %add3A_200 = arith.constant 2 : i32
      %add3A_201 = arith.addi %mul3A_199, %add3A_200 : i32
      %dma_wait3A_202 = arith.constant 0 : i32
      %dma_wait3A_203 = arith.constant 0 : i32
      %dma_wait3A_204 = arith.constant 0 : i32
      %dma_wait3A_205 = tpu.memref_slice %arg3[%dma_wait3A_202, %dma_wait3A_203, %dma_wait3A_204] : memref<2560x2x128xi32, #tpu.memory_space<hbm>> -> memref<1x2x128xi32, #tpu.memory_space<hbm>>
      %dma_wait3A_206 = tpu.memref_squeeze %dma_wait3A_205 : memref<1x2x128xi32, #tpu.memory_space<hbm>> -> memref<2x128xi32, #tpu.memory_space<hbm>>
      %dma_wait3A_207 = arith.constant 0 : i32
      %dma_wait3A_208 = arith.constant 0 : i32
      %dma_wait3A_209 = tpu.memref_slice %arg3[%dma_wait3A_202, %dma_wait3A_207, %dma_wait3A_208] : memref<2560x2x128xi32, #tpu.memory_space<hbm>> -> memref<1x2x128xi32, #tpu.memory_space<hbm>>
      %dma_wait3A_210 = tpu.memref_squeeze %dma_wait3A_209 : memref<1x2x128xi32, #tpu.memory_space<hbm>> -> memref<2x128xi32, #tpu.memory_space<hbm>>
      tpu.wait_dma2 semaphore(%arg15 : memref<!tpu.dma_semaphore, #tpu.memory_space<semaphore_mem>>) src(%dma_wait3A_210 : memref<2x128xi32, #tpu.memory_space<hbm>>) dst(%arg7 : memref<2x128xi32, #tpu.memory_space<vmem>>)
      %dma_start3A_211 = arith.constant 0 : i32
      %dma_start3A_212 = arith.constant 0 : i32
      %dma_start3A_213 = tpu.memref_slice %arg7[%dma_start3A_211, %dma_start3A_212] : memref<2x128xi32, #tpu.memory_space<vmem>> -> memref<1x128xi32, #tpu.memory_space<vmem>>
      %dma_start3A_214 = tpu.memref_squeeze %dma_start3A_213 : memref<1x128xi32, #tpu.memory_space<vmem>> -> memref<128xi32, #tpu.memory_space<vmem>>
      %dma_start3A_215 = arith.constant 0 : i32
      %dma_start3A_216 = arith.constant 0 : i32
      %dma_start3A_217 = tpu.memref_slice %arg2[%dma_start3A_215, %dma_start3A_216] : memref<10000x128xf32, #tpu.memory_space<hbm>> -> memref<10000x128xf32, #tpu.memory_space<hbm>>
      tpu.enqueue_indirect_dma source(%dma_start3A_217 : memref<10000x128xf32, #tpu.memory_space<hbm>>) target(%arg9 : memref<128x128xf32, #tpu.memory_space<vmem>>) offsets(%dma_start3A_214 : memref<128xi32, #tpu.memory_space<vmem>>) semaphore(%arg17 : memref<!tpu.dma_semaphore, #tpu.memory_space<semaphore_mem>>)
      %dma_wait3A_218 = arith.constant 0 : i32
      %dma_wait3A_219 = arith.constant 0 : i32
      %dma_wait3A_220 = tpu.memref_slice %arg6[%dma_wait3A_218, %dma_wait3A_219] : memref<2x128xi32, #tpu.memory_space<vmem>> -> memref<1x128xi32, #tpu.memory_space<vmem>>
      %dma_wait3A_221 = tpu.memref_squeeze %dma_wait3A_220 : memref<1x128xi32, #tpu.memory_space<vmem>> -> memref<128xi32, #tpu.memory_space<vmem>>
      %dma_wait3A_222 = arith.constant 0 : i32
      %dma_wait3A_223 = arith.constant 0 : i32
      %dma_wait3A_224 = tpu.memref_slice %arg2[%dma_wait3A_222, %dma_wait3A_223] : memref<10000x128xf32, #tpu.memory_space<hbm>> -> memref<10000x128xf32, #tpu.memory_space<hbm>>
      tpu.wait_indirect_dma semaphore(%arg18 : memref<!tpu.dma_semaphore, #tpu.memory_space<semaphore_mem>>) src(%dma_wait3A_224 : memref<10000x128xf32, #tpu.memory_space<hbm>>) dst(%arg10 : memref<128x128xf32, #tpu.memory_space<vmem>>)
      %run_scoped3A_225 = arith.constant 1 : i32
      "tpu.region"() ({
        %run_scoped3A_268 = tpu.sem_alloc : memref<!tpu.dma_semaphore, #tpu.memory_space<semaphore_mem>>
        %dma_start3A_269 = arith.constant 0 : i32
        %dma_start3A_270 = tpu.memref_slice %arg6[%run_scoped3A_225, %dma_start3A_269] : memref<2x128xi32, #tpu.memory_space<vmem>> -> memref<1x128xi32, #tpu.memory_space<vmem>>
        %dma_start3A_271 = tpu.memref_squeeze %dma_start3A_270 : memref<1x128xi32, #tpu.memory_space<vmem>> -> memref<128xi32, #tpu.memory_space<vmem>>
        %dma_start3A_272 = arith.constant 0 : i32
        %dma_start3A_273 = arith.constant 0 : i32
        %dma_start3A_274 = tpu.memref_slice %arg12[%dma_start3A_272, %dma_start3A_273] : memref<10240x128xf32, #tpu.memory_space<vmem_shared>> -> memref<10240x128xf32, #tpu.memory_space<vmem_shared>>
        tpu.enqueue_indirect_dma source(%arg10 : memref<128x128xf32, #tpu.memory_space<vmem>>) target(%dma_start3A_274 : memref<10240x128xf32, #tpu.memory_space<vmem_shared>>) offsets(%dma_start3A_271 : memref<128xi32, #tpu.memory_space<vmem>>) semaphore(%run_scoped3A_268 : memref<!tpu.dma_semaphore, #tpu.memory_space<semaphore_mem>>) {add = true}
        %dma_wait3A_275 = arith.constant 0 : i32
        %dma_wait3A_276 = tpu.memref_slice %arg6[%run_scoped3A_225, %dma_wait3A_275] : memref<2x128xi32, #tpu.memory_space<vmem>> -> memref<1x128xi32, #tpu.memory_space<vmem>>
        %dma_wait3A_277 = tpu.memref_squeeze %dma_wait3A_276 : memref<1x128xi32, #tpu.memory_space<vmem>> -> memref<128xi32, #tpu.memory_space<vmem>>
        %dma_wait3A_278 = arith.constant 0 : i32
        %dma_wait3A_279 = arith.constant 0 : i32
        %dma_wait3A_280 = tpu.memref_slice %arg12[%dma_wait3A_278, %dma_wait3A_279] : memref<10240x128xf32, #tpu.memory_space<vmem_shared>> -> memref<10240x128xf32, #tpu.memory_space<vmem_shared>>
        tpu.wait_indirect_dma semaphore(%run_scoped3A_268 : memref<!tpu.dma_semaphore, #tpu.memory_space<semaphore_mem>>) src(%arg10 : memref<128x128xf32, #tpu.memory_space<vmem>>) dst(%dma_wait3A_280 : memref<10240x128xf32, #tpu.memory_space<vmem_shared>>)
        tpu.yield
      }) : () -> ()
      %add3A_226 = arith.constant 3 : i32
      %add3A_227 = arith.addi %add3A_201, %add3A_226 : i32
      %lt3A_228 = arith.constant 80 : i32
      %lt3A_229 = arith.cmpi slt, %add3A_227, %lt3A_228 : i32
      %convert_element_type3A_230 = arith.extui %lt3A_229 : i1 to i32
      %cond3A_231 = arith.constant 0 : i32
      %cond3A_232 = arith.cmpi ne, %convert_element_type3A_230, %cond3A_231 : i32
      scf.if %cond3A_232 {
        %add3A_268 = arith.constant 3 : i32
        %add3A_269 = arith.addi %add3A_201, %add3A_268 : i32
        %add3A_270 = arith.addi %mul3A_2, %add3A_269 : i32
        %dma_start3A_271 = arith.constant 0 : i32
        %dma_start3A_272 = arith.constant 0 : i32
        %dma_start3A_273 = tpu.memref_slice %arg3[%add3A_270, %dma_start3A_271, %dma_start3A_272] : memref<2560x2x128xi32, #tpu.memory_space<hbm>> -> memref<1x2x128xi32, #tpu.memory_space<hbm>>
        %dma_start3A_274 = tpu.memref_squeeze %dma_start3A_273 : memref<1x2x128xi32, #tpu.memory_space<hbm>> -> memref<2x128xi32, #tpu.memory_space<hbm>>
        %dma_start3A_275 = arith.constant 0 : i32
        %dma_start3A_276 = arith.constant 0 : i32
        %dma_start3A_277 = tpu.memref_slice %arg3[%add3A_270, %dma_start3A_275, %dma_start3A_276] : memref<2560x2x128xi32, #tpu.memory_space<hbm>> -> memref<1x2x128xi32, #tpu.memory_space<hbm>>
        %dma_start3A_278 = tpu.memref_squeeze %dma_start3A_277 : memref<1x2x128xi32, #tpu.memory_space<hbm>> -> memref<2x128xi32, #tpu.memory_space<hbm>>
        tpu.enqueue_dma source(%dma_start3A_278 : memref<2x128xi32, #tpu.memory_space<hbm>>) target(%arg6 : memref<2x128xi32, #tpu.memory_space<vmem>>) target_semaphore(%arg14 : memref<!tpu.dma_semaphore, #tpu.memory_space<semaphore_mem>>)
      } else {
      }
      %mul3A_233 = arith.constant 4 : i32
      %mul3A_234 = arith.muli %scan3A_134, %mul3A_233 : i32
      %add3A_235 = arith.constant 3 : i32
      %add3A_236 = arith.addi %mul3A_234, %add3A_235 : i32
      %dma_wait3A_237 = arith.constant 0 : i32
      %dma_wait3A_238 = arith.constant 0 : i32
      %dma_wait3A_239 = arith.constant 0 : i32
      %dma_wait3A_240 = tpu.memref_slice %arg3[%dma_wait3A_237, %dma_wait3A_238, %dma_wait3A_239] : memref<2560x2x128xi32, #tpu.memory_space<hbm>> -> memref<1x2x128xi32, #tpu.memory_space<hbm>>
      %dma_wait3A_241 = tpu.memref_squeeze %dma_wait3A_240 : memref<1x2x128xi32, #tpu.memory_space<hbm>> -> memref<2x128xi32, #tpu.memory_space<hbm>>
      %dma_wait3A_242 = arith.constant 0 : i32
      %dma_wait3A_243 = arith.constant 0 : i32
      %dma_wait3A_244 = tpu.memref_slice %arg3[%dma_wait3A_237, %dma_wait3A_242, %dma_wait3A_243] : memref<2560x2x128xi32, #tpu.memory_space<hbm>> -> memref<1x2x128xi32, #tpu.memory_space<hbm>>
      %dma_wait3A_245 = tpu.memref_squeeze %dma_wait3A_244 : memref<1x2x128xi32, #tpu.memory_space<hbm>> -> memref<2x128xi32, #tpu.memory_space<hbm>>
      tpu.wait_dma2 semaphore(%arg16 : memref<!tpu.dma_semaphore, #tpu.memory_space<semaphore_mem>>) src(%dma_wait3A_245 : memref<2x128xi32, #tpu.memory_space<hbm>>) dst(%arg8 : memref<2x128xi32, #tpu.memory_space<vmem>>)
      %dma_start3A_246 = arith.constant 0 : i32
      %dma_start3A_247 = arith.constant 0 : i32
      %dma_start3A_248 = tpu.memref_slice %arg8[%dma_start3A_246, %dma_start3A_247] : memref<2x128xi32, #tpu.memory_space<vmem>> -> memref<1x128xi32, #tpu.memory_space<vmem>>
      %dma_start3A_249 = tpu.memref_squeeze %dma_start3A_248 : memref<1x128xi32, #tpu.memory_space<vmem>> -> memref<128xi32, #tpu.memory_space<vmem>>
      %dma_start3A_250 = arith.constant 0 : i32
      %dma_start3A_251 = arith.constant 0 : i32
      %dma_start3A_252 = tpu.memref_slice %arg2[%dma_start3A_250, %dma_start3A_251] : memref<10000x128xf32, #tpu.memory_space<hbm>> -> memref<10000x128xf32, #tpu.memory_space<hbm>>
      tpu.enqueue_indirect_dma source(%dma_start3A_252 : memref<10000x128xf32, #tpu.memory_space<hbm>>) target(%arg10 : memref<128x128xf32, #tpu.memory_space<vmem>>) offsets(%dma_start3A_249 : memref<128xi32, #tpu.memory_space<vmem>>) semaphore(%arg18 : memref<!tpu.dma_semaphore, #tpu.memory_space<semaphore_mem>>)
      %dma_wait3A_253 = arith.constant 0 : i32
      %dma_wait3A_254 = arith.constant 0 : i32
      %dma_wait3A_255 = tpu.memref_slice %arg7[%dma_wait3A_253, %dma_wait3A_254] : memref<2x128xi32, #tpu.memory_space<vmem>> -> memref<1x128xi32, #tpu.memory_space<vmem>>
      %dma_wait3A_256 = tpu.memref_squeeze %dma_wait3A_255 : memref<1x128xi32, #tpu.memory_space<vmem>> -> memref<128xi32, #tpu.memory_space<vmem>>
      %dma_wait3A_257 = arith.constant 0 : i32
      %dma_wait3A_258 = arith.constant 0 : i32
      %dma_wait3A_259 = tpu.memref_slice %arg2[%dma_wait3A_257, %dma_wait3A_258] : memref<10000x128xf32, #tpu.memory_space<hbm>> -> memref<10000x128xf32, #tpu.memory_space<hbm>>
      tpu.wait_indirect_dma semaphore(%arg17 : memref<!tpu.dma_semaphore, #tpu.memory_space<semaphore_mem>>) src(%dma_wait3A_259 : memref<10000x128xf32, #tpu.memory_space<hbm>>) dst(%arg9 : memref<128x128xf32, #tpu.memory_space<vmem>>)
      %run_scoped3A_260 = arith.constant 1 : i32
      "tpu.region"() ({
        %run_scoped3A_268 = tpu.sem_alloc : memref<!tpu.dma_semaphore, #tpu.memory_space<semaphore_mem>>
        %dma_start3A_269 = arith.constant 0 : i32
        %dma_start3A_270 = tpu.memref_slice %arg7[%run_scoped3A_260, %dma_start3A_269] : memref<2x128xi32, #tpu.memory_space<vmem>> -> memref<1x128xi32, #tpu.memory_space<vmem>>
        %dma_start3A_271 = tpu.memref_squeeze %dma_start3A_270 : memref<1x128xi32, #tpu.memory_space<vmem>> -> memref<128xi32, #tpu.memory_space<vmem>>
        %dma_start3A_272 = arith.constant 0 : i32
        %dma_start3A_273 = arith.constant 0 : i32
        %dma_start3A_274 = tpu.memref_slice %arg12[%dma_start3A_272, %dma_start3A_273] : memref<10240x128xf32, #tpu.memory_space<vmem_shared>> -> memref<10240x128xf32, #tpu.memory_space<vmem_shared>>
        tpu.enqueue_indirect_dma source(%arg9 : memref<128x128xf32, #tpu.memory_space<vmem>>) target(%dma_start3A_274 : memref<10240x128xf32, #tpu.memory_space<vmem_shared>>) offsets(%dma_start3A_271 : memref<128xi32, #tpu.memory_space<vmem>>) semaphore(%run_scoped3A_268 : memref<!tpu.dma_semaphore, #tpu.memory_space<semaphore_mem>>) {add = true}
        %dma_wait3A_275 = arith.constant 0 : i32
        %dma_wait3A_276 = tpu.memref_slice %arg7[%run_scoped3A_260, %dma_wait3A_275] : memref<2x128xi32, #tpu.memory_space<vmem>> -> memref<1x128xi32, #tpu.memory_space<vmem>>
        %dma_wait3A_277 = tpu.memref_squeeze %dma_wait3A_276 : memref<1x128xi32, #tpu.memory_space<vmem>> -> memref<128xi32, #tpu.memory_space<vmem>>
        %dma_wait3A_278 = arith.constant 0 : i32
        %dma_wait3A_279 = arith.constant 0 : i32
        %dma_wait3A_280 = tpu.memref_slice %arg12[%dma_wait3A_278, %dma_wait3A_279] : memref<10240x128xf32, #tpu.memory_space<vmem_shared>> -> memref<10240x128xf32, #tpu.memory_space<vmem_shared>>
        tpu.wait_indirect_dma semaphore(%run_scoped3A_268 : memref<!tpu.dma_semaphore, #tpu.memory_space<semaphore_mem>>) src(%arg9 : memref<128x128xf32, #tpu.memory_space<vmem>>) dst(%dma_wait3A_280 : memref<10240x128xf32, #tpu.memory_space<vmem_shared>>)
        tpu.yield
      }) : () -> ()
      %add3A_261 = arith.constant 3 : i32
      %add3A_262 = arith.addi %add3A_236, %add3A_261 : i32
      %lt3A_263 = arith.constant 80 : i32
      %lt3A_264 = arith.cmpi slt, %add3A_262, %lt3A_263 : i32
      %convert_element_type3A_265 = arith.extui %lt3A_264 : i1 to i32
      %cond3A_266 = arith.constant 0 : i32
      %cond3A_267 = arith.cmpi ne, %convert_element_type3A_265, %cond3A_266 : i32
      scf.if %cond3A_267 {
        %add3A_268 = arith.constant 3 : i32
        %add3A_269 = arith.addi %add3A_236, %add3A_268 : i32
        %add3A_270 = arith.addi %mul3A_2, %add3A_269 : i32
        %dma_start3A_271 = arith.constant 0 : i32
        %dma_start3A_272 = arith.constant 0 : i32
        %dma_start3A_273 = tpu.memref_slice %arg3[%add3A_270, %dma_start3A_271, %dma_start3A_272] : memref<2560x2x128xi32, #tpu.memory_space<hbm>> -> memref<1x2x128xi32, #tpu.memory_space<hbm>>
        %dma_start3A_274 = tpu.memref_squeeze %dma_start3A_273 : memref<1x2x128xi32, #tpu.memory_space<hbm>> -> memref<2x128xi32, #tpu.memory_space<hbm>>
        %dma_start3A_275 = arith.constant 0 : i32
        %dma_start3A_276 = arith.constant 0 : i32
        %dma_start3A_277 = tpu.memref_slice %arg3[%add3A_270, %dma_start3A_275, %dma_start3A_276] : memref<2560x2x128xi32, #tpu.memory_space<hbm>> -> memref<1x2x128xi32, #tpu.memory_space<hbm>>
        %dma_start3A_278 = tpu.memref_squeeze %dma_start3A_277 : memref<1x2x128xi32, #tpu.memory_space<hbm>> -> memref<2x128xi32, #tpu.memory_space<hbm>>
        tpu.enqueue_dma source(%dma_start3A_278 : memref<2x128xi32, #tpu.memory_space<hbm>>) target(%arg7 : memref<2x128xi32, #tpu.memory_space<vmem>>) target_semaphore(%arg15 : memref<!tpu.dma_semaphore, #tpu.memory_space<semaphore_mem>>)
      } else {
      }
    }
    %scan3A_122 = arith.constant 20 : i32
    %dma_wait3A = arith.constant 0 : i32
    %dma_wait3A_123 = arith.constant 0 : i32
    %dma_wait3A_124 = tpu.memref_slice %arg8[%dma_wait3A, %dma_wait3A_123] : memref<2x128xi32, #tpu.memory_space<vmem>> -> memref<1x128xi32, #tpu.memory_space<vmem>>
    %dma_wait3A_125 = tpu.memref_squeeze %dma_wait3A_124 : memref<1x128xi32, #tpu.memory_space<vmem>> -> memref<128xi32, #tpu.memory_space<vmem>>
    %dma_wait3A_126 = arith.constant 0 : i32
    %dma_wait3A_127 = arith.constant 0 : i32
    %dma_wait3A_128 = tpu.memref_slice %arg2[%dma_wait3A_126, %dma_wait3A_127] : memref<10000x128xf32, #tpu.memory_space<hbm>> -> memref<10000x128xf32, #tpu.memory_space<hbm>>
    tpu.wait_indirect_dma semaphore(%arg18 : memref<!tpu.dma_semaphore, #tpu.memory_space<semaphore_mem>>) src(%dma_wait3A_128 : memref<10000x128xf32, #tpu.memory_space<hbm>>) dst(%arg10 : memref<128x128xf32, #tpu.memory_space<vmem>>)
    %run_scoped3A = arith.constant 1 : i32
    "tpu.region"() ({
      %run_scoped3A_134 = tpu.sem_alloc : memref<!tpu.dma_semaphore, #tpu.memory_space<semaphore_mem>>
      %dma_start3A_135 = arith.constant 0 : i32
      %dma_start3A_136 = tpu.memref_slice %arg8[%run_scoped3A, %dma_start3A_135] : memref<2x128xi32, #tpu.memory_space<vmem>> -> memref<1x128xi32, #tpu.memory_space<vmem>>
      %dma_start3A_137 = tpu.memref_squeeze %dma_start3A_136 : memref<1x128xi32, #tpu.memory_space<vmem>> -> memref<128xi32, #tpu.memory_space<vmem>>
      %dma_start3A_138 = arith.constant 0 : i32
      %dma_start3A_139 = arith.constant 0 : i32
      %dma_start3A_140 = tpu.memref_slice %arg12[%dma_start3A_138, %dma_start3A_139] : memref<10240x128xf32, #tpu.memory_space<vmem_shared>> -> memref<10240x128xf32, #tpu.memory_space<vmem_shared>>
      tpu.enqueue_indirect_dma source(%arg10 : memref<128x128xf32, #tpu.memory_space<vmem>>) target(%dma_start3A_140 : memref<10240x128xf32, #tpu.memory_space<vmem_shared>>) offsets(%dma_start3A_137 : memref<128xi32, #tpu.memory_space<vmem>>) semaphore(%run_scoped3A_134 : memref<!tpu.dma_semaphore, #tpu.memory_space<semaphore_mem>>) {add = true}
      %dma_wait3A_141 = arith.constant 0 : i32
      %dma_wait3A_142 = tpu.memref_slice %arg8[%run_scoped3A, %dma_wait3A_141] : memref<2x128xi32, #tpu.memory_space<vmem>> -> memref<1x128xi32, #tpu.memory_space<vmem>>
      %dma_wait3A_143 = tpu.memref_squeeze %dma_wait3A_142 : memref<1x128xi32, #tpu.memory_space<vmem>> -> memref<128xi32, #tpu.memory_space<vmem>>
      %dma_wait3A_144 = arith.constant 0 : i32
      %dma_wait3A_145 = arith.constant 0 : i32
      %dma_wait3A_146 = tpu.memref_slice %arg12[%dma_wait3A_144, %dma_wait3A_145] : memref<10240x128xf32, #tpu.memory_space<vmem_shared>> -> memref<10240x128xf32, #tpu.memory_space<vmem_shared>>
      tpu.wait_indirect_dma semaphore(%run_scoped3A_134 : memref<!tpu.dma_semaphore, #tpu.memory_space<semaphore_mem>>) src(%arg10 : memref<128x128xf32, #tpu.memory_space<vmem>>) dst(%dma_wait3A_146 : memref<10240x128xf32, #tpu.memory_space<vmem_shared>>)
      tpu.yield
    }) : () -> ()
    %barrier3A_129 = arith.constant 0 : index
    tpu.barrier barrier_id(%barrier3A_129)
    %mul3A_130 = arith.constant 640 : i32
    %mul3A_131 = arith.muli %arg1, %mul3A_130 : i32
    %mul3A_132 = arith.constant 640 : i32
    %mul3A_133 = arith.muli %arg1, %mul3A_132 : i32
    "tpu.region"() ({
      %run_scoped3A_134 = tpu.sem_alloc : memref<!tpu.dma_semaphore, #tpu.memory_space<semaphore_mem>>
      %dma_start3A_135 = arith.constant 0 : i32
      %dma_start3A_136 = tpu.memref_slice %arg4[%arg0, %mul3A_133, %dma_start3A_135] : memref<2x10240x128xf32, #tpu.memory_space<hbm>> -> memref<1x640x128xf32, #tpu.memory_space<hbm>>
      %dma_start3A_137 = tpu.memref_squeeze %dma_start3A_136 : memref<1x640x128xf32, #tpu.memory_space<hbm>> -> memref<640x128xf32, #tpu.memory_space<hbm>>
      %dma_start3A_138 = arith.constant 0 : i32
      %dma_start3A_139 = tpu.memref_slice %arg12[%mul3A_131, %dma_start3A_138] : memref<10240x128xf32, #tpu.memory_space<vmem_shared>> -> memref<640x128xf32, #tpu.memory_space<vmem_shared>>
      tpu.enqueue_dma source(%dma_start3A_139 : memref<640x128xf32, #tpu.memory_space<vmem_shared>>) target(%dma_start3A_137 : memref<640x128xf32, #tpu.memory_space<hbm>>) target_semaphore(%run_scoped3A_134 : memref<!tpu.dma_semaphore, #tpu.memory_space<semaphore_mem>>)
      %dma_wait3A_140 = arith.constant 0 : i32
      %dma_wait3A_141 = tpu.memref_slice %arg4[%arg0, %mul3A_133, %dma_wait3A_140] : memref<2x10240x128xf32, #tpu.memory_space<hbm>> -> memref<1x640x128xf32, #tpu.memory_space<hbm>>
      %dma_wait3A_142 = tpu.memref_squeeze %dma_wait3A_141 : memref<1x640x128xf32, #tpu.memory_space<hbm>> -> memref<640x128xf32, #tpu.memory_space<hbm>>
      %dma_wait3A_143 = arith.constant 0 : i32
      %dma_wait3A_144 = tpu.memref_slice %arg12[%mul3A_131, %dma_wait3A_143] : memref<10240x128xf32, #tpu.memory_space<vmem_shared>> -> memref<640x128xf32, #tpu.memory_space<vmem_shared>>
      tpu.wait_dma2 semaphore(%run_scoped3A_134 : memref<!tpu.dma_semaphore, #tpu.memory_space<semaphore_mem>>) src(%dma_wait3A_144 : memref<640x128xf32, #tpu.memory_space<vmem_shared>>) dst(%dma_wait3A_142 : memref<640x128xf32, #tpu.memory_space<hbm>>)
      tpu.yield
    }) : () -> ()
    return
  }
}

module attributes {stable_mosaic.version = 14 : i64} {
  func.func @_pre_body(%arg0: i32, %arg1: memref<1000x2xf32, #tpu.memory_space<vmem>>, %arg2: memref<1000x128xf32, #tpu.memory_space<vmem>>, %arg3: memref<128x128xf32, #tpu.memory_space<vmem>>, %arg4: memref<1000x128xf32, #tpu.memory_space<vmem>>) attributes {dimension_semantics = [#tpu.dimension_semantics<arbitrary>], iteration_bounds = array<i64: 10>, scalar_prefetch = 0 : i64, scratch_operands = 0 : i64, tpu.core_type = #tpu.core_type<tc>, window_params = [{transform_indices = @transform_0, window_bounds = array<i64: 1000, 2>}, {transform_indices = @transform_1, window_bounds = array<i64: 1000, 128>}, {pipeline_mode = #tpu.pipeline_mode<synchronous>, transform_indices = @transform_2, window_bounds = array<i64: 128, 128>}, {transform_indices = @transform_3, window_bounds = array<i64: 1000, 128>}]} {
    %get3A = arith.constant 0 : index
    %get3A_0 = arith.constant 0 : index
    %get3A_1 = vector.load %arg2[%get3A, %get3A_0] : memref<1000x128xf32, #tpu.memory_space<vmem>>, vector<1000x128xf32>
    %get3A_2 = arith.constant 0 : index
    %get3A_3 = arith.constant 0 : index
    %get3A_4 = vector.load %arg3[%get3A_2, %get3A_3] : memref<128x128xf32, #tpu.memory_space<vmem>>, vector<128x128xf32>
    %dot_general3A = arith.constant dense<0.000000e+00> : vector<1000x128xf32>
    %dot_general3A_5 = tpu.matmul %get3A_1, %get3A_4, %dot_general3A {dimension_numbers = #tpu.dot_dimension_numbers<[1], [0], [0], [1], [0, 0, 1, 1], [], []>, transpose_lhs_hint = false} : vector<1000x128xf32>, vector<128x128xf32>, vector<1000x128xf32> -> vector<1000x128xf32>
    %get3A_6 = arith.constant 0 : index
    %get3A_7 = arith.constant 0 : index
    %get3A_8 = vector.load %arg1[%get3A_6, %get3A_7] : memref<1000x2xf32, #tpu.memory_space<vmem>>, vector<1000x1xf32>
    %get3A_9 = arith.constant 0 : index
    %get3A_10 = arith.constant 1 : index
    %get3A_11 = vector.load %arg1[%get3A_9, %get3A_10] : memref<1000x2xf32, #tpu.memory_space<vmem>>, vector<1000x1xf32>
    %add3A = arith.addf %get3A_8, %get3A_11 : vector<1000x1xf32>
    %add3A_12 = arith.constant 1.000000e+00 : f32
    %add3A_13 = vector.broadcast %add3A_12 : f32 to vector<1000x1xf32>
    %add3A_14 = arith.addf %add3A, %add3A_13 : vector<1000x1xf32>
    %max3A = arith.constant 1.000000e+00 : f32
    %max3A_15 = vector.broadcast %max3A : f32 to vector<1000x1xf32>
    %max3A_16 = arith.maximumf %add3A_14, %max3A_15 : vector<1000x1xf32>
    %rsqrt3A = math.rsqrt %max3A_16 : vector<1000x1xf32>
    %mul3A = vector.broadcast %rsqrt3A : vector<1000x1xf32> to vector<1000x128xf32>
    %mul3A_17 = arith.mulf %dot_general3A_5, %mul3A : vector<1000x128xf32>
    %swap3A = arith.constant 0 : index
    %swap3A_18 = arith.constant 0 : index
    %swap3A_19 = vector.load %arg4[%swap3A, %swap3A_18] : memref<1000x128xf32, #tpu.memory_space<vmem>>, vector<1000x128xf32>
    tpu.vector_store %arg4[%swap3A, %swap3A_18], %mul3A_17 {strides = array<i32>} : memref<1000x128xf32, #tpu.memory_space<vmem>>, vector<1000x128xf32>,
    return
  }
  func.func @transform_0(%arg0: i32) -> (i32, i32) {
    %c0_i32 = arith.constant 0 : i32
    %c0_i32_0 = arith.constant 0 : i32
    return %arg0, %c0_i32 : i32, i32
  }
  func.func @transform_1(%arg0: i32) -> (i32, i32) {
    %c0_i32 = arith.constant 0 : i32
    %c0_i32_0 = arith.constant 0 : i32
    return %arg0, %c0_i32 : i32, i32
  }
  func.func @transform_2(%arg0: i32) -> (i32, i32) {
    %c0_i32 = arith.constant 0 : i32
    %c0_i32_0 = arith.constant 0 : i32
    %c0_i32_1 = arith.constant 0 : i32
    return %c0_i32, %c0_i32_0 : i32, i32
  }
  func.func @transform_3(%arg0: i32) -> (i32, i32) {
    %c0_i32 = arith.constant 0 : i32
    %c0_i32_0 = arith.constant 0 : i32
    return %arg0, %c0_i32 : i32, i32
  }
}

module attributes {stable_mosaic.version = 14 : i64} {
  func.func @_mid_body(%arg0: i32, %arg1: memref<1000x2xf32, #tpu.memory_space<vmem>>, %arg2: memref<2x1000x128xf32, #tpu.memory_space<vmem>>, %arg3: memref<1000x128xf32, #tpu.memory_space<vmem>>, %arg4: memref<1x128xf32, #tpu.memory_space<vmem>>, %arg5: memref<128x128xf32, #tpu.memory_space<vmem>>, %arg6: memref<1000x128xf32, #tpu.memory_space<vmem>>) attributes {dimension_semantics = [#tpu.dimension_semantics<arbitrary>], iteration_bounds = array<i64: 10>, scalar_prefetch = 0 : i64, scratch_operands = 0 : i64, tpu.core_type = #tpu.core_type<tc>, window_params = [{transform_indices = @transform_0, window_bounds = array<i64: 1000, 2>}, {transform_indices = @transform_1, window_bounds = array<i64: 2, 1000, 128>}, {transform_indices = @transform_2, window_bounds = array<i64: 1000, 128>}, {pipeline_mode = #tpu.pipeline_mode<synchronous>, transform_indices = @transform_3, window_bounds = array<i64: 1, 128>}, {pipeline_mode = #tpu.pipeline_mode<synchronous>, transform_indices = @transform_4, window_bounds = array<i64: 128, 128>}, {transform_indices = @transform_5, window_bounds = array<i64: 1000, 128>}]} {
    %get3A = arith.constant 0 : index
    %get3A_0 = arith.constant 0 : index
    %get3A_1 = vector.load %arg1[%get3A, %get3A_0] : memref<1000x2xf32, #tpu.memory_space<vmem>>, vector<1000x1xf32>
    %get3A_2 = arith.constant 0 : index
    %get3A_3 = arith.constant 1 : index
    %get3A_4 = vector.load %arg1[%get3A_2, %get3A_3] : memref<1000x2xf32, #tpu.memory_space<vmem>>, vector<1000x1xf32>
    %add3A = arith.addf %get3A_1, %get3A_4 : vector<1000x1xf32>
    %add3A_5 = arith.constant 1.000000e+00 : f32
    %add3A_6 = vector.broadcast %add3A_5 : f32 to vector<1000x1xf32>
    %add3A_7 = arith.addf %add3A, %add3A_6 : vector<1000x1xf32>
    %max3A = arith.constant 1.000000e+00 : f32
    %max3A_8 = vector.broadcast %max3A : f32 to vector<1000x1xf32>
    %max3A_9 = arith.maximumf %add3A_7, %max3A_8 : vector<1000x1xf32>
    %rsqrt3A = math.rsqrt %max3A_9 : vector<1000x1xf32>
    %get3A_10 = arith.constant 0 : index
    %get3A_11 = arith.constant 0 : index
    %get3A_12 = arith.constant 0 : index
    %get3A_13 = vector.load %arg2[%get3A_10, %get3A_11, %get3A_12] : memref<2x1000x128xf32, #tpu.memory_space<vmem>>, vector<1x1000x128xf32>
    %get3A_14 = vector.shape_cast %get3A_13 : vector<1x1000x128xf32> to vector<1000x128xf32>
    %get3A_15 = arith.constant 1 : index
    %get3A_16 = arith.constant 0 : index
    %get3A_17 = arith.constant 0 : index
    %get3A_18 = vector.load %arg2[%get3A_15, %get3A_16, %get3A_17] : memref<2x1000x128xf32, #tpu.memory_space<vmem>>, vector<1x1000x128xf32>
    %get3A_19 = vector.shape_cast %get3A_18 : vector<1x1000x128xf32> to vector<1000x128xf32>
    %add3A_20 = arith.addf %get3A_14, %get3A_19 : vector<1000x128xf32>
    %get3A_21 = arith.constant 0 : index
    %get3A_22 = arith.constant 0 : index
    %get3A_23 = vector.load %arg3[%get3A_21, %get3A_22] : memref<1000x128xf32, #tpu.memory_space<vmem>>, vector<1000x128xf32>
    %add3A_24 = arith.addf %add3A_20, %get3A_23 : vector<1000x128xf32>
    %mul3A = vector.broadcast %rsqrt3A : vector<1000x1xf32> to vector<1000x128xf32>
    %mul3A_25 = arith.mulf %add3A_24, %mul3A : vector<1000x128xf32>
    %get3A_26 = arith.constant 0 : index
    %get3A_27 = arith.constant 0 : index
    %get3A_28 = vector.load %arg4[%get3A_26, %get3A_27] : memref<1x128xf32, #tpu.memory_space<vmem>>, vector<1x128xf32>
    %add3A_29 = vector.broadcast %get3A_28 : vector<1x128xf32> to vector<1000x128xf32>
    %add3A_30 = arith.addf %mul3A_25, %add3A_29 : vector<1000x128xf32>
    %max3A_31 = arith.constant 0.000000e+00 : f32
    %max3A_32 = vector.broadcast %max3A_31 : f32 to vector<1000x128xf32>
    %max3A_33 = arith.maximumf %add3A_30, %max3A_32 : vector<1000x128xf32>
    %get3A_34 = arith.constant 0 : index
    %get3A_35 = arith.constant 0 : index
    %get3A_36 = vector.load %arg5[%get3A_34, %get3A_35] : memref<128x128xf32, #tpu.memory_space<vmem>>, vector<128x128xf32>
    %dot_general3A = arith.constant dense<0.000000e+00> : vector<1000x128xf32>
    %dot_general3A_37 = tpu.matmul %max3A_33, %get3A_36, %dot_general3A {dimension_numbers = #tpu.dot_dimension_numbers<[1], [0], [0], [1], [0, 0, 1, 1], [], []>, transpose_lhs_hint = false} : vector<1000x128xf32>, vector<128x128xf32>, vector<1000x128xf32> -> vector<1000x128xf32>
    %mul3A_38 = vector.broadcast %rsqrt3A : vector<1000x1xf32> to vector<1000x128xf32>
    %mul3A_39 = arith.mulf %dot_general3A_37, %mul3A_38 : vector<1000x128xf32>
    %swap3A = arith.constant 0 : index
    %swap3A_40 = arith.constant 0 : index
    %swap3A_41 = vector.load %arg6[%swap3A, %swap3A_40] : memref<1000x128xf32, #tpu.memory_space<vmem>>, vector<1000x128xf32>
    tpu.vector_store %arg6[%swap3A, %swap3A_40], %mul3A_39 {strides = array<i32>} : memref<1000x128xf32, #tpu.memory_space<vmem>>, vector<1000x128xf32>,
    return
  }
  func.func @transform_0(%arg0: i32) -> (i32, i32) {
    %c0_i32 = arith.constant 0 : i32
    %c0_i32_0 = arith.constant 0 : i32
    return %arg0, %c0_i32 : i32, i32
  }
  func.func @transform_1(%arg0: i32) -> (i32, i32, i32) {
    %c0_i32 = arith.constant 0 : i32
    %c0_i32_0 = arith.constant 0 : i32
    %c0_i32_1 = arith.constant 0 : i32
    return %c0_i32, %arg0, %c0_i32_0 : i32, i32, i32
  }
  func.func @transform_2(%arg0: i32) -> (i32, i32) {
    %c0_i32 = arith.constant 0 : i32
    %c0_i32_0 = arith.constant 0 : i32
    return %arg0, %c0_i32 : i32, i32
  }
  func.func @transform_3(%arg0: i32) -> (i32, i32) {
    %c0_i32 = arith.constant 0 : i32
    %c0_i32_0 = arith.constant 0 : i32
    %c0_i32_1 = arith.constant 0 : i32
    return %c0_i32, %c0_i32_0 : i32, i32
  }
  func.func @transform_4(%arg0: i32) -> (i32, i32) {
    %c0_i32 = arith.constant 0 : i32
    %c0_i32_0 = arith.constant 0 : i32
    %c0_i32_1 = arith.constant 0 : i32
    return %c0_i32, %c0_i32_0 : i32, i32
  }
  func.func @transform_5(%arg0: i32) -> (i32, i32) {
    %c0_i32 = arith.constant 0 : i32
    %c0_i32_0 = arith.constant 0 : i32
    return %arg0, %c0_i32 : i32, i32
  }
}

module attributes {stable_mosaic.version = 14 : i64} {
  func.func @_post_body(%arg0: i32, %arg1: memref<1000x2xf32, #tpu.memory_space<vmem>>, %arg2: memref<2x1000x128xf32, #tpu.memory_space<vmem>>, %arg3: memref<1000x128xf32, #tpu.memory_space<vmem>>, %arg4: memref<1x128xf32, #tpu.memory_space<vmem>>, %arg5: memref<128x70xf32, #tpu.memory_space<vmem>>, %arg6: memref<1x70xf32, #tpu.memory_space<vmem>>, %arg7: memref<1000x70xf32, #tpu.memory_space<vmem>>) attributes {dimension_semantics = [#tpu.dimension_semantics<arbitrary>], iteration_bounds = array<i64: 10>, scalar_prefetch = 0 : i64, scratch_operands = 0 : i64, tpu.core_type = #tpu.core_type<tc>, window_params = [{transform_indices = @transform_0, window_bounds = array<i64: 1000, 2>}, {transform_indices = @transform_1, window_bounds = array<i64: 2, 1000, 128>}, {transform_indices = @transform_2, window_bounds = array<i64: 1000, 128>}, {pipeline_mode = #tpu.pipeline_mode<synchronous>, transform_indices = @transform_3, window_bounds = array<i64: 1, 128>}, {pipeline_mode = #tpu.pipeline_mode<synchronous>, transform_indices = @transform_4, window_bounds = array<i64: 128, 70>}, {pipeline_mode = #tpu.pipeline_mode<synchronous>, transform_indices = @transform_5, window_bounds = array<i64: 1, 70>}, {transform_indices = @transform_6, window_bounds = array<i64: 1000, 70>}]} {
    %get3A = arith.constant 0 : index
    %get3A_0 = arith.constant 0 : index
    %get3A_1 = vector.load %arg1[%get3A, %get3A_0] : memref<1000x2xf32, #tpu.memory_space<vmem>>, vector<1000x1xf32>
    %get3A_2 = arith.constant 0 : index
    %get3A_3 = arith.constant 1 : index
    %get3A_4 = vector.load %arg1[%get3A_2, %get3A_3] : memref<1000x2xf32, #tpu.memory_space<vmem>>, vector<1000x1xf32>
    %add3A = arith.addf %get3A_1, %get3A_4 : vector<1000x1xf32>
    %add3A_5 = arith.constant 1.000000e+00 : f32
    %add3A_6 = vector.broadcast %add3A_5 : f32 to vector<1000x1xf32>
    %add3A_7 = arith.addf %add3A, %add3A_6 : vector<1000x1xf32>
    %max3A = arith.constant 1.000000e+00 : f32
    %max3A_8 = vector.broadcast %max3A : f32 to vector<1000x1xf32>
    %max3A_9 = arith.maximumf %add3A_7, %max3A_8 : vector<1000x1xf32>
    %rsqrt3A = math.rsqrt %max3A_9 : vector<1000x1xf32>
    %get3A_10 = arith.constant 0 : index
    %get3A_11 = arith.constant 0 : index
    %get3A_12 = arith.constant 0 : index
    %get3A_13 = vector.load %arg2[%get3A_10, %get3A_11, %get3A_12] : memref<2x1000x128xf32, #tpu.memory_space<vmem>>, vector<1x1000x128xf32>
    %get3A_14 = vector.shape_cast %get3A_13 : vector<1x1000x128xf32> to vector<1000x128xf32>
    %get3A_15 = arith.constant 1 : index
    %get3A_16 = arith.constant 0 : index
    %get3A_17 = arith.constant 0 : index
    %get3A_18 = vector.load %arg2[%get3A_15, %get3A_16, %get3A_17] : memref<2x1000x128xf32, #tpu.memory_space<vmem>>, vector<1x1000x128xf32>
    %get3A_19 = vector.shape_cast %get3A_18 : vector<1x1000x128xf32> to vector<1000x128xf32>
    %add3A_20 = arith.addf %get3A_14, %get3A_19 : vector<1000x128xf32>
    %get3A_21 = arith.constant 0 : index
    %get3A_22 = arith.constant 0 : index
    %get3A_23 = vector.load %arg3[%get3A_21, %get3A_22] : memref<1000x128xf32, #tpu.memory_space<vmem>>, vector<1000x128xf32>
    %add3A_24 = arith.addf %add3A_20, %get3A_23 : vector<1000x128xf32>
    %mul3A = vector.broadcast %rsqrt3A : vector<1000x1xf32> to vector<1000x128xf32>
    %mul3A_25 = arith.mulf %add3A_24, %mul3A : vector<1000x128xf32>
    %get3A_26 = arith.constant 0 : index
    %get3A_27 = arith.constant 0 : index
    %get3A_28 = vector.load %arg4[%get3A_26, %get3A_27] : memref<1x128xf32, #tpu.memory_space<vmem>>, vector<1x128xf32>
    %add3A_29 = vector.broadcast %get3A_28 : vector<1x128xf32> to vector<1000x128xf32>
    %add3A_30 = arith.addf %mul3A_25, %add3A_29 : vector<1000x128xf32>
    %get3A_31 = arith.constant 0 : index
    %get3A_32 = arith.constant 0 : index
    %get3A_33 = vector.load %arg5[%get3A_31, %get3A_32] : memref<128x70xf32, #tpu.memory_space<vmem>>, vector<128x70xf32>
    %dot_general3A = arith.constant dense<0.000000e+00> : vector<1000x70xf32>
    %dot_general3A_34 = tpu.matmul %add3A_30, %get3A_33, %dot_general3A {dimension_numbers = #tpu.dot_dimension_numbers<[1], [0], [0], [1], [0, 0, 1, 1], [], []>, transpose_lhs_hint = false} : vector<1000x128xf32>, vector<128x70xf32>, vector<1000x70xf32> -> vector<1000x70xf32>
    %get3A_35 = arith.constant 0 : index
    %get3A_36 = arith.constant 0 : index
    %get3A_37 = vector.load %arg6[%get3A_35, %get3A_36] : memref<1x70xf32, #tpu.memory_space<vmem>>, vector<1x70xf32>
    %add3A_38 = vector.broadcast %get3A_37 : vector<1x70xf32> to vector<1000x70xf32>
    %add3A_39 = arith.addf %dot_general3A_34, %add3A_38 : vector<1000x70xf32>
    %swap3A = arith.constant 0 : index
    %swap3A_40 = arith.constant 0 : index
    %swap3A_41 = vector.load %arg7[%swap3A, %swap3A_40] : memref<1000x70xf32, #tpu.memory_space<vmem>>, vector<1000x70xf32>
    tpu.vector_store %arg7[%swap3A, %swap3A_40], %add3A_39 {strides = array<i32>} : memref<1000x70xf32, #tpu.memory_space<vmem>>, vector<1000x70xf32>,
    return
  }
  func.func @transform_0(%arg0: i32) -> (i32, i32) {
    %c0_i32 = arith.constant 0 : i32
    %c0_i32_0 = arith.constant 0 : i32
    return %arg0, %c0_i32 : i32, i32
  }
  func.func @transform_1(%arg0: i32) -> (i32, i32, i32) {
    %c0_i32 = arith.constant 0 : i32
    %c0_i32_0 = arith.constant 0 : i32
    %c0_i32_1 = arith.constant 0 : i32
    return %c0_i32, %arg0, %c0_i32_0 : i32, i32, i32
  }
  func.func @transform_2(%arg0: i32) -> (i32, i32) {
    %c0_i32 = arith.constant 0 : i32
    %c0_i32_0 = arith.constant 0 : i32
    return %arg0, %c0_i32 : i32, i32
  }
  func.func @transform_3(%arg0: i32) -> (i32, i32) {
    %c0_i32 = arith.constant 0 : i32
    %c0_i32_0 = arith.constant 0 : i32
    %c0_i32_1 = arith.constant 0 : i32
    return %c0_i32, %c0_i32_0 : i32, i32
  }
  func.func @transform_4(%arg0: i32) -> (i32, i32) {
    %c0_i32 = arith.constant 0 : i32
    %c0_i32_0 = arith.constant 0 : i32
    %c0_i32_1 = arith.constant 0 : i32
    return %c0_i32, %c0_i32_0 : i32, i32
  }
  func.func @transform_5(%arg0: i32) -> (i32, i32) {
    %c0_i32 = arith.constant 0 : i32
    %c0_i32_0 = arith.constant 0 : i32
    %c0_i32_1 = arith.constant 0 : i32
    return %c0_i32, %c0_i32_0 : i32, i32
  }
  func.func @transform_6(%arg0: i32) -> (i32, i32) {
    %c0_i32 = arith.constant 0 : i32
    %c0_i32_0 = arith.constant 0 : i32
    return %arg0, %c0_i32 : i32, i32
  }
}

</mosaic_0001>

<sc_bundles>
// kernel: kernel.11.cloned.1.call-start
scs
__scs_entry_jumppad:
0x0: {  	(pc) =	sbr.rel $0x88, $3  }
0x1: {  	(tag) =	ssettag $0x0;
	lr =	simm.s32 $0x1  }
0x2: {  	[smem:$0x3F99] =	sst lr;
	_ =	strace $0xD0000000  }
0x3: {  	_ = 	snop  }
0x4: {  	_ = 	snop  }
0x5: {  	_ = 	snop  }
0x6: {  	_ = 	snop  }
0x7: {  	_ = 	snop  }
__scs_overlays_trampoline_lowered:
0x8: {  	[smem:$0x3FA8] =	sst s0  }
0x9: {  	[smem:$0x3FA9] =	sst s1  }
0xa: {  	[smem:$0x3FAA] =	sst s2  }
0xb: {  	[smem:$0x3FAB] =	sst s3  }
0xc: {  	[smem:$0x3FAC] =	sst s4  }
0xd: {  	[smem:$0x3FAD] =	sst s5  }
0xe: {  	[smem:$0x3FAE] =	sst s6  }
0xf: {  	[smem:$0x3FAF] =	sst s7  }
0x10: {  	[smem:$0x3FB0] =	sst s8  }
0x11: {  	[smem:$0x3FB1] =	sst s9;
	s0 =	simm.s32 @!p0 $0x0  }
0x12: {  	s1 =	sld [smem:$0x3F97];
	s0 =	simm.s32 @p0 $0x1  }
0x13: {  	[smem:$0x3FB2] =	sst s0;
	s0 =	simm.s32 @!p1 $0x0  }
0x14: {  	s2 =	sld [smem:$0x3F96];
	s0 =	simm.s32 @p1 $0x1  }
0x15: {  	[smem:$0x3FB3] =	sst s0;
	s0 =	simm.s32 @!p2 $0x0  }
0x16: {  	s3 =	sld [smem:$0x3FDB];
	s0 =	simm.s32 @p2 $0x1  }
0x17: {  	s4 =	simm.s32 $0x1BF5;
	[smem:$0x3FB5] =	sst s0  }
0x18: {  	s0 =	sld [smem:$0x3F98];
	_ =	swait.ge [sflag:s4], $0x0  }
0x19: {  	s7 =	sld [smem:$0x3F99]  }
0x1a: {  	s8 =	sadd.s32 $0xFFFFE003, lr  }
0x1b: {  	s9 =	sadd.s32 $0xFFFFFEF7, lr;
	s5 =	simm.s32 $0xFFFFFFFF;
	p2 =	slt.u32 s8, $0xFFFFF086  }
0x1c: {  	p1 =	slt.u32 s9, $0xF7A;
	s5 =	simm.s32 @!p2 $0x0  }
0x1d: {  	s5 =	simm.s32 @p1 $0x1;
	p0 =	seq.s32 s7, s2  }
0x1e: {  	s7 =	smul.u32 @!p0 $0xF7A, s2;
	p2 =	seq.s32 @!p0 s5, $0x0  }
0x1f: {  	s9 =	smul.u32 $0xF7A, s1;
	s8 =	simm.s32 @!p0 $0x1BF5;
	p2 =	por !p2, p0  }
0x20: {  	[sflag:s8] =	ssyncset.s32 @!p0 $0xFFFFF086;
	s6 =	sadd.s32 @!p0 s3, s7;
	s7 =	simm.s32 @!p0 $0x108  }
0x21: {  	s3 =	sadd.s32 s3, s9;
	s6 =	sadd.s32 @!p0 $0x88, s6;
	s7 =	simm.s32 @p2 $0x1082  }
0x22: {  	[simem:s7], [sflag:s8] =	dma.local @!p0 [hbm:s6], $0xF7A  }
0x23: {  	s9 =	sor.u32 $0xD0000000, s2;
	s6 =	simm.s32 $0x108;
	_ =	swait.ge @!p0 [sflag:s8], $0x0  }
0x24: {  	s3 =	sadd.s32 $0x88, s3;
	s6 =	simm.s32 @!p1 $0x1082;
	[sflag:s4] =	ssyncset.s32 $0xFFFFF086  }
0x25: {  	[simem:s6], [sflag:s4] =	dma.local [hbm:s3], $0xF7A  }
0x26: {  	[smem:$0x3F99] =	sst s1;
	(tag) =	ssettag s2;
	_ =	strace s9  }
0x27: {  	s1 =	sld [smem:$0x3FA9]  }
0x28: {  	s2 =	sld [smem:$0x3FAA]  }
0x29: {  	s4 =	sld [smem:$0x3FAC]  }
0x2a: {  	p0 =	seq.s32 s5, $0x0;
	s5 =	sld [smem:$0x3FAD]  }
0x2b: {  	s6 =	sld [smem:$0x3FAE]  }
0x2c: {  	s7 =	sld [smem:$0x3FAF]  }
0x2d: {  	s3 =	simm.s32 $0x108;
	s8 =	sld [smem:$0x3FB0]  }
0x2e: {  	s3 =	simm.s32 @!p0 $0x1082;
	s9 =	sld [smem:$0x3FB1]  }
0x2f: {  	lr =	sadd.s32 s0, s3;
	s0 =	sld [smem:$0x3FA8]  }
0x30: {  	s3 =	sld [smem:$0x3FAB]  }
0x31: {  	[smem:$0x3FB4] =	sst s10  }
0x32: {  	s10 =	sld [smem:$0x3FB2];
	_ =	sdelay $0x3  }
0x33: {  	p0 =	seq.s32 s10, $0x1;
	s10 =	sld [smem:$0x3FB4];
	_ =	sdelay $0x3  }
0x34: {  	[smem:$0x3FB4] =	sst s10  }
0x35: {  	s10 =	sld [smem:$0x3FB3];
	_ =	sdelay $0x3  }
0x36: {  	p1 =	seq.s32 s10, $0x1;
	s10 =	sld [smem:$0x3FB4];
	_ =	sdelay $0x3  }
0x37: {  	[smem:$0x3FB4] =	sst s10  }
0x38: {  	s10 =	sld [smem:$0x3FB5]  }
0x39: {  	_ = 	snop;
	(pc) =	sbr.ind lr, $3  }
0x3a: {  	_ = 	snop  }
0x3b: {  	_ = 	snop  }
0x3c: {  	p2 =	seq.s32 s10, $0x1;
	s10 =	sld [smem:$0x3FB4]  }
0x3d: {  	_ =	shalt  }
0x3e: {  	_ =	shalt  }
0x3f: {  	_ =	shalt  }
0x40: {  	_ =	shalt  }
0x41: {  	_ =	shalt  }
0x42: {  	_ =	shalt  }
0x43: {  	_ =	shalt  }
0x44: {  	_ =	shalt  }
0x45: {  	_ =	shalt  }
0x46: {  	_ =	shalt  }
0x47: {  	_ =	shalt  }
0x48: {  	_ =	shalt  }
0x49: {  	_ =	shalt  }
0x4a: {  	_ =	shalt  }
0x4b: {  	_ =	shalt  }
0x4c: {  	_ =	shalt  }
0x4d: {  	_ =	shalt  }
0x4e: {  	_ =	shalt  }
0x4f: {  	_ =	shalt  }
0x50: {  	_ =	shalt  }
0x51: {  	_ =	shalt  }
0x52: {  	_ =	shalt  }
0x53: {  	_ =	shalt  }
0x54: {  	_ =	shalt  }
0x55: {  	_ =	shalt  }
0x56: {  	_ =	shalt  }
0x57: {  	_ =	shalt  }
0x58: {  	_ =	shalt  }
0x59: {  	_ =	shalt  }
0x5a: {  	_ =	shalt  }
0x5b: {  	_ =	shalt  }
0x5c: {  	_ =	shalt  }
0x5d: {  	_ =	shalt  }
0x5e: {  	_ =	shalt  }
0x5f: {  	_ =	shalt  }
0x60: {  	_ =	shalt  }
0x61: {  	_ =	shalt  }
0x62: {  	_ =	shalt  }
0x63: {  	_ =	shalt  }
0x64: {  	_ =	shalt  }
0x65: {  	_ =	shalt  }
0x66: {  	_ =	shalt  }
0x67: {  	_ =	shalt  }
0x68: {  	_ =	shalt  }
0x69: {  	_ =	shalt  }
0x6a: {  	_ =	shalt  }
0x6b: {  	_ =	shalt  }
0x6c: {  	_ =	shalt  }
0x6d: {  	_ =	shalt  }
0x6e: {  	_ =	shalt  }
0x6f: {  	_ =	shalt  }
0x70: {  	_ =	shalt  }
0x71: {  	_ =	shalt  }
0x72: {  	_ =	shalt  }
0x73: {  	_ =	shalt  }
0x74: {  	_ =	shalt  }
0x75: {  	_ =	shalt  }
0x76: {  	_ =	shalt  }
0x77: {  	_ =	shalt  }
0x78: {  	_ =	shalt  }
0x79: {  	_ =	shalt  }
0x7a: {  	_ =	shalt  }
0x7b: {  	_ =	shalt  }
0x7c: {  	_ =	shalt  }
0x7d: {  	_ =	shalt  }
0x7e: {  	_ =	shalt  }
0x7f: {  	_ =	shalt  }
0x80: {  	_ =	shalt  }
0x81: {  	_ =	shalt  }
0x82: {  	_ =	shalt  }
0x83: {  	_ =	shalt  }
0x84: {  	_ =	shalt  }
0x85: {  	_ =	shalt  }
0x86: {  	_ =	shalt  }
0x87: {  	_ =	shalt  }
.Lfunc_end0:
.L_simem_size_0:
called_computation.1_lowered:
.L_overlay_start_0:
0x88: {  	s2 =	sld [smem:$0x3FD9]  }
0x89: {  	s3 =	sld [smem:$0x3FFE];
	_ =	sdelay $0x1  }
0x8a: {  	s1 =	srdreg.scid  }
0x8b: {  	s0 =	sand.u32 $0x1, s1  }
0x8c: {  	s17 =	sshll.u32 s0, $0xA;
	s2 =	sadd.s32 s3, s2  }
0x8d: {  	s2 =	sadd.s32 s2, s17  }
0x8e: {  	[smem:$0x3FC0] =	sst s2  }
0x8f: {  	_ = 	snop  }
0x90: {  	s2 =	sld [smem:$0x3FD0];
	(tm) =	ssettm $0x1  }
0x91: {  	s18 =	sld [smem:$0x3FFB];
	_ =	sdelay $0x3  }
0x92: {  	_ =	strace s18  }
0x93: {  	s3 =	sld [smem:$0x3FFC];
	_ =	sdelay $0x3  }
0x94: {  	_ =	strace s3  }
0x95: {  	s3 =	sld [smem:$0x3FFD];
	_ =	sdelay $0x3  }
0x96: {  	_ =	strace s3  }
0x97: {  	_ =	strace $0x8FFFFFFF  }
0x98: {  	s19 =	sld [smem:$0x3FDB];
	_ =	sdelay $0x1  }
0x99: {  	s4 =	simm.s32 $_scs_section_size  }
0x9a: {  	s5 =	simm.s32 $_size__tile_overlayer_lowered;
	s6 =	simm.s32 $_tile_overlayer_lowered  }
0x9b: {  	s22 =	simm.s32 $0x1BFF;
	s21 =	sshll.u32 s6, $0x1;
	s3 =	sadd.s32 s4, s19  }
0x9c: {  	s7 =	simm.s32 $0x0;
	s20 =	sshll.u32 s5, $0x1;
	s5 =	sadd.s32 s21, s3  }
0x9d: {  	[timem:s7], [sflag:s22] =	dma.local [hbm:s5], s20  }
0x9e: {  	_ =	swait.ge [sflag:s22], s20  }
0x9f: {  	s4 =	ssub.s32 $0x0, s20;
	[sflag:s22] =	ssyncset.done $0x0  }
0xa0: {  	[sflag:s22] =	ssyncadd.s32 s4;
	_ =	sdelay $0x1  }
0xa1: {  	s23 =	simm.s32 $0x1B8B  }
0xa2: {  	_ =	swait.ge [sflag:s23], $0x1  }
0xa3: {  	[sflag:s23] =	ssyncset.done $0x0  }
0xa4: {  	s25 =	simm.s32 $0x1B8E;
	s24 =	sld [smem:$0x3FFE];
	[sflag:s23] =	ssyncadd.s32 $0xFFFFFFFF  }
0xa5: {  	s26 =	simm.s32 $execute0_lowered;
	[smem:$0x3FD2] =	sst s25  }
0xa6: {  	s5 =	sshll.u32 s26, $0x1;
	_ =	strace $0x80000049;
	[dreg:$0x1] =	wrdreg $0xFFFFFFFF  }
0xa7: {  	s28 =	simm.s32 $_size_execute0_lowered;
	s3 =	sadd.s32 s3, s5;
	[dreg:$0x0] =	wrdreg $0x0  }
0xa8: {  	s5 =	sshll.u32 s28, $0x1;
	[dreg:$0x2] =	wrdreg s3  }
0xa9: {  	[dreg:$0x3] =	wrdreg s5  }
0xaa: {  	[dreg:$0x4] =	wrdreg $0xC0  }
0xab: {  	_ =	task [dreg:s7], $0x5FFFF  }
0xac: {  	[dreg:$0x1] =	wrdreg $0xFFFFFFFF  }
0xad: {  	[dreg:$0x0] =	wrdreg $0x60  }
0xae: {  	[dreg:$0x2] =	wrdreg s24  }
0xaf: {  	[dreg:$0x3] =	wrdreg s2  }
0xb0: {  	[dreg:$0x4] =	wrdreg $0x94000  }
0xb1: {  	[dreg:$0x5] =	wrdreg $0x9  }
0xb2: {  	_ =	task.clear_ibuf [dreg:s7], $0x6FFFF;
	_ =	strace $0x90000049  }
0xb3: {  	s29 =	simm.s32 $0x9;
	_ =	strace $0x8000004B  }
0xb4: {  	_ =	swait.ge [sflag:s29], $0x1  }
0xb5: {  	[sflag:s29] =	ssyncadd.s32 $0xFFFFFFFF  }
0xb6: {  	_ =	strace $0x9000004B  }
0xb7: {  	_ =	sfence  }
0xb8: {  	s30 =	sld [smem:$0x0];
	_ =	sdelay $0x2  }
0xb9: {  	s31 =	sshll.u32 s1, $0xD;
	s1 =	sshrl.u32 s1, $0x2  }
0xba: {  	s3 =	sand.u32 $0x4000, s31;
	s1 =	sadd.s32 s1, s30  }
0xbb: {  	s0 =	sor.u32 s3, s0;
	s1 =	sshll.u32 s1, $0x11  }
0xbc: {  	s0 =	sor.u32 s1, s0  }
0xbd: {  	s0 =	sadd.s32 $0x8F2B, s0  }
0xbe: {  	[sflag:s0] =	ssyncadd.remote.s32 $0x1  }
0xbf: {  	_ =	sfence.sel $0xFFFF  }
0xc0: {  	[dreg:$0x0] =	wrdreg $0xFFFFFFFF;
	(pc) =	sbr.abs _section_cstart, $3  }
0xc1: {  	[dreg:$0x1] =	wrdreg $0xFFFFFFFF  }
0xc2: {  	_ =	task.clear_ibuf [dreg:s7], $0x2FFFF;
	_ =	strace $0x9FFFFFFF  }
0xc3: {  	(tm) =	ssettm $0x7FFFFFFF  }
tec
execute0_lowered:
.L_overlay_start_1:
0x0: {  	(tag) =	ssettag $0x1  }
0x1: {  	s0 =	rddreg [dreg:$0x0]  }
0x2: {  	s3 =	srdreg.scid;
	s10 =	stileid.u32  }
0x3: {  	s1 =	rddreg [dreg:$0x1];
	s6 =	sand.u32 $0x1, s3;
	s5 =	smul.u32 $0x14000, s10  }
0x4: {  	s2 =	rddreg [dreg:$0x2];
	s3 =	simm.s32 $0x0;
	s4 =	smul.u32 $0x140000, s6  }
0x5: {  	s7 =	smul.u32 $0x50000, s10;
	s9 =	sshll.u32 s10, $0x1;
	[smem:$0x7FF] =	sst s3  }
0x6: {  	s8 =	ssub.s32 $0x2, s6;
	s25 =	sor.u32 s6, s9;
	s5 =	sadd.s32 s5, s4  }
0x7: {  	s24 =	sshrl.u32 s8, $0x1;
	s7 =	sshrl.u32 s7, $0x2;
	s5 =	sshrl.u32 s5, $0x3  }
0x8: {  	s4 =	sadd.s32 $0x2200, s0;
	s8 =	ssub.s32 s8, s24;
	s0 =	sadd.s32 s5, s0  }
0x9: {  	s5 =	sadd.s32 s7, s2;
	s7 =	smul.u32 $0xA00, s25;
	s25 =	smax.u32 s8, $0x1  }
0xa: {  	_ =	strace $0x8000004A;
	s26 =	sadd.s32 $0x1000, s5;
	[dreg:$0x15] =	wrdreg s25  }
0xb: {  	s28 =	sadd.s32 $0x2000, s5;
	[dreg:$0x4] =	wrdreg s26  }
0xc: {  	s29 =	sadd.s32 $0x3000, s5;
	[dreg:$0x5] =	wrdreg s28  }
0xd: {  	s11 =	sadd.s32 $0x4000, s5;
	[dreg:$0x6] =	wrdreg s29  }
0xe: {  	s12 =	sadd.s32 $0x5000, s5;
	[dreg:$0x7] =	wrdreg s11  }
0xf: {  	s13 =	sadd.s32 $0x6000, s5;
	[dreg:$0x8] =	wrdreg s12  }
0x10: {  	s14 =	sadd.s32 $0x7000, s5;
	[dreg:$0x9] =	wrdreg s13  }
0x11: {  	s16 =	sadd.s32 $0x8000, s5;
	[dreg:$0xa] =	wrdreg s14  }
0x12: {  	s17 =	sadd.s32 $0x9000, s5;
	[dreg:$0xb] =	wrdreg s16  }
0x13: {  	s15 =	smul.u32 $0xA0, s10;
	s18 =	sadd.s32 $0xA000, s5;
	[dreg:$0xc] =	wrdreg s17  }
0x14: {  	s10 =	simm.s32 $0x1;
	s19 =	sadd.s32 $0xB000, s5;
	[dreg:$0xd] =	wrdreg s18  }
0x15: {  	s6 =	smul.u32 $0x50, s6;
	s20 =	sadd.s32 $0xC000, s5;
	[dreg:$0xe] =	wrdreg s19  }
0x16: {  	s9 =	simm.s32 $0x200;
	s21 =	sadd.s32 $0xD000, s5;
	[dreg:$0xf] =	wrdreg s20  }
0x17: {  	s6 =	sadd.s32 s6, s15;
	s22 =	sadd.s32 $0xE000, s5;
	[dreg:$0x10] =	wrdreg s21  }
0x18: {  	s15 =	simm.s32 $0x4400;
	s23 =	sadd.s32 $0xF000, s5;
	[dreg:$0x11] =	wrdreg s22  }
0x19: {  	s6 =	sshll.u32 s6, $0x5;
	s24 =	sadd.s32 $0x10000, s5;
	[dreg:$0x12] =	wrdreg s23  }
0x1a: {  	s8 =	simm.s32 $0x100;
	s0 =	sadd.s32 $0x29400, s0;
	[dreg:$0x13] =	wrdreg s24  }
0x1b: {  	s21 =	sadd.s32 s1, s7;
	s22 =	sadd.s32 s6, s1;
	[dreg:$0x14] =	wrdreg s0  }
0x1c: {  	s26 =	sadd.s32 $0x11000, s5;
	s28 =	sadd.s32 $0x12000, s5;
	s29 =	sadd.s32 $0x13000, s5  }
0x1d: {  	s6 =	simm.s32 $0x8400;
	s7 =	simm.s32 $0x7;
	s11 =	simm.s32 $0x80  }
0x1e: {  	s12 =	simm.s32 $0x400;
	s13 =	simm.s32 $0x300;
	s14 =	simm.s32 $0x2  }
.Ltmp0:
0x1f: {  	s16 =	simm.s32 $0x5;
	s17 =	simm.s32 $0x3;
	(pc) =	sbr.rel .LBB2_1-.Ltmp0, $4  }
0x20: {  	s18 =	simm.s32 $0x6;
	s19 =	simm.s32 $0x180;
	[dreg:$0x16] =	wrdreg s26  }
0x21: {  	s20 =	simm.s32 $0x4;
	s23 =	simm.s32 $0x280;
	[dreg:$0x17] =	wrdreg s28  }
0x22: {  	s24 =	simm.s32 $0x0;
	[dreg:$0x18] =	wrdreg s29;
	s30 =	sadd.s32 $0x20, s21  }
0x23: {  	v0 =	vimm.f32 $0.0e+00;
	s31 =	sadd.s32 $0x40, s21;
	s0 =	sadd.s32 $0xC0, s22;
	s1 =	sadd.s32 $0x80, s22  }
.LBB2_6:
0x24: {  	_ =	swait.ge [sflag:s18], $0x4000  }
0x25: {  	[sflag:s18] =	ssyncset.done $0x0  }
0x26: {  	s25 =	simm.s32 $0x380;
	[sflag:s18] =	ssyncadd.s32 $0xFFFFC000  }
0x27: {  	[spmem:s2] =	stream.indirect.scatter.add.f32 [tilespmem:s15], [sflag:$0x7], $0x80, s25, s11, $0xb8;
	[tilespmem:$0x1D400] =	vst v63  }
0x28: {  	_ =	swait.ge [sflag:s7], $0x4000  }
0x29: {  	[sflag:s7] =	ssyncset.done $0x0  }
0x2a: {  	s28 =	stileid.u32;
	[sflag:s7] =	ssyncadd.s32 $0xFFFFC000  }
0x2b: {  	s25 =	sshll.u32 s28, $0x6;
	[bflag:$0x0] =	sbarrier.arrive $0xFFFF  }
0x2c: {  	s26 =	sshrl.u32 s5, $0x3;
	s25 =	sor.u32 $0x1C07, s25;
	s28 =	rddreg [dreg:$0x14]  }
0x2d: {  	[hbm:s28], [sflag:s25] =	dma.local [spmem:s26], $0x2800  }
0x2e: {  	_ =	swait.ge [sflag:s7], $0x2800  }
0x2f: {  	s24 =	sadd.s32 $0x1, s24;
	s29 =	rddreg [dreg:$0x15]  }
0x30: {  	p0 =	sne.s32 s24, s29  }
.Ltmp1:
0x31: {  	_ = 	snop;
	(pc) =	sbr.rel @!p0 .LBB2_7-.Ltmp1, $3  }
0x32: {  	_ =	sdelay $0x1  }
0x33: {  	[sflag:s7] =	ssyncset.done $0x0  }
0x34: {  	[sflag:s7] =	ssyncadd.s32 $0xFFFFD800  }
.LBB2_1:
0x35: {  	s25 =	simm.s32 $0x0;
	s26 =	simm.s32 $0x200  }
.LBB2_2:
0x36: {  	p0 =	sne.s32 s26, $0x3E00;
	[tilespmem:s25+$0x8470] =	vst v0  }
0x37: {  	[tilespmem:s25+$0x8400] =	vst v0  }
0x38: {  	[tilespmem:s25+$0x8410] =	vst v0  }
.Ltmp2:
0x39: {  	[tilespmem:s25+$0x8420] =	vst v0;
	(pc) =	sbr.rel @p0 .LBB2_2-.Ltmp2, $4  }
0x3a: {  	[tilespmem:s25+$0x8430] =	vst v0  }
0x3b: {  	[tilespmem:s25+$0x8440] =	vst v0  }
0x3c: {  	[tilespmem:s25+$0x8450] =	vst v0  }
0x3d: {  	[tilespmem:s25+$0x8460] =	vst v0;
	s25 =	sshra.s32 s26, $0x2;
	s26 =	sadd.s32 $0x200, s26  }
0x3e: {  	[tilespmem:s25+$0x8470] =	vst v0  }
0x3f: {  	[tilespmem:s25+$0x8400] =	vst v0  }
0x40: {  	[tilespmem:s25+$0x8410] =	vst v0  }
0x41: {  	[tilespmem:s25+$0x8420] =	vst v0  }
0x42: {  	[tilespmem:s25+$0x8430] =	vst v0  }
0x43: {  	[tilespmem:s25+$0x8440] =	vst v0  }
0x44: {  	[tilespmem:s25+$0x8450] =	vst v0  }
0x45: {  	[tilespmem:s25+$0x8460] =	vst v0  }
0x46: {  	[spmem:s5] =	stream.linear.scatter [tilespmem:s6], [sflag:$0x7], $0x1000, $0x38;
	[tilespmem:$0x1D400] =	vst v63  }
0x47: {  	_ =	swait.ge [sflag:s7], $0x1000  }
0x48: {  	[sflag:s7] =	ssyncset.done $0x0  }
0x49: {  	s29 =	rddreg [dreg:$0x4];
	[sflag:s7] =	ssyncadd.s32 $0xFFFFF000  }
0x4a: {  	[spmem:s29] =	stream.linear.scatter [tilespmem:s6], [sflag:$0x7], $0x1000, $0x38;
	[tilespmem:$0x1D400] =	vst v63  }
0x4b: {  	_ =	swait.ge [sflag:s7], $0x1000  }
0x4c: {  	[sflag:s7] =	ssyncset.done $0x0  }
0x4d: {  	s26 =	rddreg [dreg:$0x5];
	[sflag:s7] =	ssyncadd.s32 $0xFFFFF000  }
0x4e: {  	[spmem:s26] =	stream.linear.scatter [tilespmem:s6], [sflag:$0x7], $0x1000, $0x38;
	[tilespmem:$0x1D400] =	vst v63  }
0x4f: {  	_ =	swait.ge [sflag:s7], $0x1000  }
0x50: {  	[sflag:s7] =	ssyncset.done $0x0  }
0x51: {  	s28 =	rddreg [dreg:$0x6];
	[sflag:s7] =	ssyncadd.s32 $0xFFFFF000  }
0x52: {  	[spmem:s28] =	stream.linear.scatter [tilespmem:s6], [sflag:$0x7], $0x1000, $0x38;
	[tilespmem:$0x1D400] =	vst v63  }
0x53: {  	_ =	swait.ge [sflag:s7], $0x1000  }
0x54: {  	[sflag:s7] =	ssyncset.done $0x0  }
0x55: {  	s29 =	rddreg [dreg:$0x7];
	[sflag:s7] =	ssyncadd.s32 $0xFFFFF000  }
0x56: {  	[spmem:s29] =	stream.linear.scatter [tilespmem:s6], [sflag:$0x7], $0x1000, $0x38;
	[tilespmem:$0x1D400] =	vst v63  }
0x57: {  	_ =	swait.ge [sflag:s7], $0x1000  }
0x58: {  	[sflag:s7] =	ssyncset.done $0x0  }
0x59: {  	s26 =	rddreg [dreg:$0x8];
	[sflag:s7] =	ssyncadd.s32 $0xFFFFF000  }
0x5a: {  	[spmem:s26] =	stream.linear.scatter [tilespmem:s6], [sflag:$0x7], $0x1000, $0x38;
	[tilespmem:$0x1D400] =	vst v63  }
0x5b: {  	_ =	swait.ge [sflag:s7], $0x1000  }
0x5c: {  	[sflag:s7] =	ssyncset.done $0x0  }
0x5d: {  	s28 =	rddreg [dreg:$0x9];
	[sflag:s7] =	ssyncadd.s32 $0xFFFFF000  }
0x5e: {  	[spmem:s28] =	stream.linear.scatter [tilespmem:s6], [sflag:$0x7], $0x1000, $0x38;
	[tilespmem:$0x1D400] =	vst v63  }
0x5f: {  	_ =	swait.ge [sflag:s7], $0x1000  }
0x60: {  	[sflag:s7] =	ssyncset.done $0x0  }
0x61: {  	s29 =	rddreg [dreg:$0xa];
	[sflag:s7] =	ssyncadd.s32 $0xFFFFF000  }
0x62: {  	[spmem:s29] =	stream.linear.scatter [tilespmem:s6], [sflag:$0x7], $0x1000, $0x38;
	[tilespmem:$0x1D400] =	vst v63  }
0x63: {  	_ =	swait.ge [sflag:s7], $0x1000  }
0x64: {  	[sflag:s7] =	ssyncset.done $0x0  }
0x65: {  	s26 =	rddreg [dreg:$0xb];
	[sflag:s7] =	ssyncadd.s32 $0xFFFFF000  }
0x66: {  	[spmem:s26] =	stream.linear.scatter [tilespmem:s6], [sflag:$0x7], $0x1000, $0x38;
	[tilespmem:$0x1D400] =	vst v63  }
0x67: {  	_ =	swait.ge [sflag:s7], $0x1000  }
0x68: {  	[sflag:s7] =	ssyncset.done $0x0  }
0x69: {  	s28 =	rddreg [dreg:$0xc];
	[sflag:s7] =	ssyncadd.s32 $0xFFFFF000  }
0x6a: {  	[spmem:s28] =	stream.linear.scatter [tilespmem:s6], [sflag:$0x7], $0x1000, $0x38;
	[tilespmem:$0x1D400] =	vst v63  }
0x6b: {  	_ =	swait.ge [sflag:s7], $0x1000  }
0x6c: {  	[sflag:s7] =	ssyncset.done $0x0  }
0x6d: {  	s29 =	rddreg [dreg:$0xd];
	[sflag:s7] =	ssyncadd.s32 $0xFFFFF000  }
0x6e: {  	[spmem:s29] =	stream.linear.scatter [tilespmem:s6], [sflag:$0x7], $0x1000, $0x38;
	[tilespmem:$0x1D400] =	vst v63  }
0x6f: {  	_ =	swait.ge [sflag:s7], $0x1000  }
0x70: {  	[sflag:s7] =	ssyncset.done $0x0  }
0x71: {  	s26 =	rddreg [dreg:$0xe];
	[sflag:s7] =	ssyncadd.s32 $0xFFFFF000  }
0x72: {  	[spmem:s26] =	stream.linear.scatter [tilespmem:s6], [sflag:$0x7], $0x1000, $0x38;
	[tilespmem:$0x1D400] =	vst v63  }
0x73: {  	_ =	swait.ge [sflag:s7], $0x1000  }
0x74: {  	[sflag:s7] =	ssyncset.done $0x0  }
0x75: {  	s28 =	rddreg [dreg:$0xf];
	[sflag:s7] =	ssyncadd.s32 $0xFFFFF000  }
0x76: {  	[spmem:s28] =	stream.linear.scatter [tilespmem:s6], [sflag:$0x7], $0x1000, $0x38;
	[tilespmem:$0x1D400] =	vst v63  }
0x77: {  	_ =	swait.ge [sflag:s7], $0x1000  }
0x78: {  	[sflag:s7] =	ssyncset.done $0x0  }
0x79: {  	s29 =	rddreg [dreg:$0x10];
	[sflag:s7] =	ssyncadd.s32 $0xFFFFF000  }
0x7a: {  	[spmem:s29] =	stream.linear.scatter [tilespmem:s6], [sflag:$0x7], $0x1000, $0x38;
	[tilespmem:$0x1D400] =	vst v63  }
0x7b: {  	_ =	swait.ge [sflag:s7], $0x1000  }
0x7c: {  	[sflag:s7] =	ssyncset.done $0x0  }
0x7d: {  	s26 =	rddreg [dreg:$0x11];
	[sflag:s7] =	ssyncadd.s32 $0xFFFFF000  }
0x7e: {  	[spmem:s26] =	stream.linear.scatter [tilespmem:s6], [sflag:$0x7], $0x1000, $0x38;
	[tilespmem:$0x1D400] =	vst v63  }
0x7f: {  	_ =	swait.ge [sflag:s7], $0x1000  }
0x80: {  	[sflag:s7] =	ssyncset.done $0x0  }
0x81: {  	s28 =	rddreg [dreg:$0x12];
	[sflag:s7] =	ssyncadd.s32 $0xFFFFF000  }
0x82: {  	[spmem:s28] =	stream.linear.scatter [tilespmem:s6], [sflag:$0x7], $0x1000, $0x38;
	[tilespmem:$0x1D400] =	vst v63  }
0x83: {  	_ =	swait.ge [sflag:s7], $0x1000  }
0x84: {  	[sflag:s7] =	ssyncset.done $0x0  }
0x85: {  	s29 =	rddreg [dreg:$0x13];
	[sflag:s7] =	ssyncadd.s32 $0xFFFFF000  }
0x86: {  	[spmem:s29] =	stream.linear.scatter [tilespmem:s6], [sflag:$0x7], $0x1000, $0x38;
	[tilespmem:$0x1D400] =	vst v63  }
0x87: {  	_ =	swait.ge [sflag:s7], $0x1000  }
0x88: {  	[sflag:s7] =	ssyncset.done $0x0  }
0x89: {  	s26 =	rddreg [dreg:$0x16];
	[sflag:s7] =	ssyncadd.s32 $0xFFFFF000  }
0x8a: {  	[spmem:s26] =	stream.linear.scatter [tilespmem:s6], [sflag:$0x7], $0x1000, $0x38;
	[tilespmem:$0x1D400] =	vst v63  }
0x8b: {  	_ =	swait.ge [sflag:s7], $0x1000  }
0x8c: {  	[sflag:s7] =	ssyncset.done $0x0  }
0x8d: {  	s28 =	rddreg [dreg:$0x17];
	[sflag:s7] =	ssyncadd.s32 $0xFFFFF000  }
0x8e: {  	[spmem:s28] =	stream.linear.scatter [tilespmem:s6], [sflag:$0x7], $0x1000, $0x38;
	[tilespmem:$0x1D400] =	vst v63  }
0x8f: {  	_ =	swait.ge [sflag:s7], $0x1000  }
0x90: {  	[sflag:s7] =	ssyncset.done $0x0  }
0x91: {  	s29 =	rddreg [dreg:$0x18];
	[sflag:s7] =	ssyncadd.s32 $0xFFFFF000  }
0x92: {  	[spmem:s29] =	stream.linear.scatter [tilespmem:s6], [sflag:$0x7], $0x1000, $0x38;
	[tilespmem:$0x1D400] =	vst v63  }
0x93: {  	_ =	swait.ge [sflag:s7], $0x1000  }
0x94: {  	[sflag:s7] =	ssyncset.done $0x0  }
0x95: {  	[sflag:s7] =	ssyncadd.s32 $0xFFFFF000  }
0x96: {  	s25 =	simm.s32 $0x0;
	[bflag:$0x0] =	sbarrier.arrive $0xFFFF  }
0x97: {  	[tilespmem:s25], [sflag:$0x1] =	stream.linear.gather [hbm4b:s21+s25], $0x100, $0x38;
	[tilespmem:$0x1D400] =	vst v63  }
0x98: {  	_ = 	snop  }
0x99: {  	[tilespmem:s8], [sflag:$0x2] =	stream.linear.gather [hbm4b:s30+s25], $0x100, $0x38;
	[tilespmem:$0x1D400] =	vst v63  }
0x9a: {  	_ = 	snop  }
0x9b: {  	[tilespmem:s9], [sflag:$0x3] =	stream.linear.gather [hbm4b:s31+s25], $0x100, $0x38;
	[tilespmem:$0x1D400] =	vst v63  }
.LBB2_4:
0x9c: {  	_ =	swait.ge [sflag:s10], $0x100  }
0x9d: {  	p0 =	seq.s32 s25, $0x0;
	[sflag:s10] =	ssyncset.done $0x0  }
0x9e: {  	s26 =	simm.s32 @!p0 $0x6;
	[sflag:s10] =	ssyncadd.s32 $0xFFFFFF00  }
0x9f: {  	[tilespmem:s12], [sflag:$0x5] =	stream.indirect.gather [hbm4b:s4+s11], $0x80, s3, s11, $0xb8;
	[tilespmem:$0x1D400] =	vst v63  }
0xa0: {  	_ =	swait.ge @!p0 [sflag:s26], $0x4000  }
0xa1: {  	s28 =	simm.s32 @!p0 $0x380;
	[sflag:s26] =	ssyncset.done @!p0 $0x0  }
0xa2: {  	s29 =	simm.s32 @!p0 $0x4400;
	[sflag:s26] =	ssyncadd.s32 @!p0 $0xFFFFC000;
	s26 =	simm.s32 @!p0 $0x80  }
0xa3: {  	[spmem:s2] =	stream.indirect.scatter.add.f32 @!p0 [tilespmem:s29], [sflag:$0x7], $0x80, s28, s26, $0xb8;
	[tilespmem:$0x1D400] =	vst v63  }
0xa4: {  	s26 =	simm.s32 @!p0 $0x7  }
0xa5: {  	_ =	swait.ge @!p0 [sflag:s26], $0x4000  }
0xa6: {  	s29 =	sadd.s32 s25, s22;
	[sflag:s26] =	ssyncset.done @!p0 $0x0  }
0xa7: {  	s29 =	sadd.s32 $0x60, s29;
	[sflag:s26] =	ssyncadd.s32 @!p0 $0xFFFFC000  }
0xa8: {  	[tilespmem:s13], [sflag:$0x4] =	stream.linear.gather [hbm4b:s29+s3], $0x100, $0x38;
	[tilespmem:$0x1D400] =	vst v63  }
0xa9: {  	_ =	swait.ge [sflag:s14], $0x100  }
0xaa: {  	[sflag:s14] =	ssyncset.done $0x0  }
0xab: {  	[sflag:s14] =	ssyncadd.s32 $0xFFFFFF00  }
0xac: {  	[tilespmem:s15], [sflag:$0x6] =	stream.indirect.gather [hbm4b:s4+s11], $0x80, s8, s11, $0xb8;
	[tilespmem:$0x1D400] =	vst v63  }
0xad: {  	_ =	swait.ge [sflag:s16], $0x4000  }
0xae: {  	[sflag:s16] =	ssyncset.done $0x0  }
0xaf: {  	[sflag:s16] =	ssyncadd.s32 $0xFFFFC000  }
0xb0: {  	[spmem:s2] =	stream.indirect.scatter.add.f32 [tilespmem:s12], [sflag:$0x7], $0x80, s11, s11, $0xb8;
	[tilespmem:$0x1D400] =	vst v63  }
0xb1: {  	_ =	swait.ge [sflag:s7], $0x4000  }
0xb2: {  	p0 =	seq.s32 s25, $0x980;
	[sflag:s7] =	ssyncset.done $0x0  }
0xb3: {  	s26 =	sadd.s32 @!p0 s25, s1;
	s28 =	simm.s32 @!p0 $0x0;
	[sflag:s7] =	ssyncadd.s32 $0xFFFFC000  }
0xb4: {  	[tilespmem:s28], [sflag:$0x1] =	stream.linear.gather @!p0 [hbm4b:s26+s28], $0x100, $0x38;
	[tilespmem:$0x1D400] =	vst v63  }
0xb5: {  	_ =	swait.ge [sflag:s17], $0x100  }
0xb6: {  	[sflag:s17] =	ssyncset.done $0x0  }
0xb7: {  	[sflag:s17] =	ssyncadd.s32 $0xFFFFFF00  }
0xb8: {  	[tilespmem:s12], [sflag:$0x5] =	stream.indirect.gather [hbm4b:s4+s11], $0x80, s9, s11, $0xb8;
	[tilespmem:$0x1D400] =	vst v63  }
0xb9: {  	_ =	swait.ge [sflag:s18], $0x4000  }
0xba: {  	[sflag:s18] =	ssyncset.done $0x0  }
0xbb: {  	[sflag:s18] =	ssyncadd.s32 $0xFFFFC000  }
0xbc: {  	[spmem:s2] =	stream.indirect.scatter.add.f32 [tilespmem:s15], [sflag:$0x7], $0x80, s19, s11, $0xb8;
	[tilespmem:$0x1D400] =	vst v63  }
0xbd: {  	_ =	swait.ge [sflag:s7], $0x4000  }
0xbe: {  	s26 =	sadd.s32 @!p0 s25, s22;
	[sflag:s7] =	ssyncset.done $0x0  }
0xbf: {  	s29 =	simm.s32 @!p0 $0x100;
	s26 =	sadd.s32 @!p0 $0xA0, s26;
	[sflag:s7] =	ssyncadd.s32 $0xFFFFC000  }
0xc0: {  	[tilespmem:s29], [sflag:$0x2] =	stream.linear.gather @!p0 [hbm4b:s26+s28], $0x100, $0x38;
	[tilespmem:$0x1D400] =	vst v63  }
0xc1: {  	_ =	swait.ge [sflag:s20], $0x100  }
0xc2: {  	[sflag:s20] =	ssyncset.done $0x0  }
0xc3: {  	[sflag:s20] =	ssyncadd.s32 $0xFFFFFF00  }
0xc4: {  	[tilespmem:s15], [sflag:$0x6] =	stream.indirect.gather [hbm4b:s4+s11], $0x80, s13, s11, $0xb8;
	[tilespmem:$0x1D400] =	vst v63  }
0xc5: {  	_ =	swait.ge [sflag:s16], $0x4000  }
0xc6: {  	[sflag:s16] =	ssyncset.done $0x0  }
.Ltmp3:
0xc7: {  	[sflag:s16] =	ssyncadd.s32 $0xFFFFC000;
	(pc) =	sbr.rel @p0 .LBB2_6-.Ltmp3, $4  }
0xc8: {  	[spmem:s2] =	stream.indirect.scatter.add.f32 [tilespmem:s12], [sflag:$0x7], $0x80, s23, s11, $0xb8;
	[tilespmem:$0x1D400] =	vst v63  }
0xc9: {  	_ =	swait.ge [sflag:s7], $0x4000  }
0xca: {  	[sflag:s7] =	ssyncset.done $0x0  }
0xcb: {  	[sflag:s7] =	ssyncadd.s32 $0xFFFFC000  }
.Ltmp4:
0xcc: {  	(pc) =	sbr.rel .LBB2_4-.Ltmp4, $3  }
0xcd: {  	_ =	sdelay $0x1  }
0xce: {  	s26 =	sadd.s32 s25, s0;
	s25 =	sadd.s32 $0x80, s25  }
0xcf: {  	[tilespmem:s9], [sflag:$0x3] =	stream.linear.gather [hbm4b:s26+s3], $0x100, $0x38;
	[tilespmem:$0x1D400] =	vst v63  }
.LBB2_7:
0xd0: {  	_ =	sfence.sel $0x180000  }
0xd1: {  	[bflag:$0x0] =	sbarrier.arrive $0xFFFF  }
0xd2: {  	_ =	strace $0x9000004A  }
0xd3: {  	s0 =	stileid.u32;
	[bflag:$0x2] =	sbarrier.arrive $0xFFFF  }
0xd4: {  	p0 =	sne.s32 s0, $0x0;
	s0 =	rddreg [dreg:$0x3]  }
0xd5: {  	s0 =	sadd.s32 @!p0 $0x100000, s0  }
0xd6: {  	[sflag:s0] =	ssyncadd.tile.s32 @!p0 $0x1;
	_ =	shalt  }
.Lfunc_end2:
_tile_overlayer_lowered:
.L_overlay_start_2:
0xd7: {  	(tag) =	ssettag $0x2  }
0xd8: {  	s0 =	rddreg [dreg:$0x0];
	s2 =	stileid.u32  }
0xd9: {  	s1 =	rddreg [dreg:$0x1];
	p0 =	sne.s32 s2, $0x0  }
0xda: {  	s3 =	rddreg [dreg:$0x2];
	[bflag:$0x3] =	sbarrier.arrive $0xFFFF;
	s2 =	simm.s32 @!p0 $0x1C07  }
0xdb: {  	[timem:s3], [sflag:s2] =	dma.local @!p0 [hbm:s0], s1  }
0xdc: {  	s0 =	simm.s32 @!p0 $0x7  }
0xdd: {  	_ =	swait.ge @!p0 [sflag:s0], s1  }
0xde: {  	s1 =	ssub.s32 @!p0 $0x0, s1;
	[sflag:s0] =	ssyncset.done @!p0 $0x0  }
0xdf: {  	[sflag:s0] =	ssyncadd.s32 @!p0 s1  }
0xe0: {  	[bflag:$0x3] =	sbarrier.arrive $0xFFFF  }
0xe1: {  	_ =	shalt  }

// kernel: kernel.14.cloned.1.call-start
scs
__scs_entry_jumppad:
0x0: {  	(pc) =	sbr.rel $0x88, $3  }
0x1: {  	(tag) =	ssettag $0x0;
	lr =	simm.s32 $0x1  }
0x2: {  	[smem:$0x3F99] =	sst lr;
	_ =	strace $0xD0000000  }
0x3: {  	_ = 	snop  }
0x4: {  	_ = 	snop  }
0x5: {  	_ = 	snop  }
0x6: {  	_ = 	snop  }
0x7: {  	_ = 	snop  }
__scs_overlays_trampoline_lowered:
0x8: {  	[smem:$0x3FA8] =	sst s0  }
0x9: {  	[smem:$0x3FA9] =	sst s1  }
0xa: {  	[smem:$0x3FAA] =	sst s2  }
0xb: {  	[smem:$0x3FAB] =	sst s3  }
0xc: {  	[smem:$0x3FAC] =	sst s4  }
0xd: {  	[smem:$0x3FAD] =	sst s5  }
0xe: {  	[smem:$0x3FAE] =	sst s6  }
0xf: {  	[smem:$0x3FAF] =	sst s7  }
0x10: {  	[smem:$0x3FB0] =	sst s8  }
0x11: {  	[smem:$0x3FB1] =	sst s9;
	s0 =	simm.s32 @!p0 $0x0  }
0x12: {  	s1 =	sld [smem:$0x3F97];
	s0 =	simm.s32 @p0 $0x1  }
0x13: {  	[smem:$0x3FB2] =	sst s0;
	s0 =	simm.s32 @!p1 $0x0  }
0x14: {  	s2 =	sld [smem:$0x3F96];
	s0 =	simm.s32 @p1 $0x1  }
0x15: {  	[smem:$0x3FB3] =	sst s0;
	s0 =	simm.s32 @!p2 $0x0  }
0x16: {  	s3 =	sld [smem:$0x3FDB];
	s0 =	simm.s32 @p2 $0x1  }
0x17: {  	s4 =	simm.s32 $0x1BF5;
	[smem:$0x3FB5] =	sst s0  }
0x18: {  	s0 =	sld [smem:$0x3F98];
	_ =	swait.ge [sflag:s4], $0x0  }
0x19: {  	s7 =	sld [smem:$0x3F99]  }
0x1a: {  	s8 =	sadd.s32 $0xFFFFE003, lr  }
0x1b: {  	s9 =	sadd.s32 $0xFFFFFEF7, lr;
	s5 =	simm.s32 $0xFFFFFFFF;
	p2 =	slt.u32 s8, $0xFFFFF086  }
0x1c: {  	p1 =	slt.u32 s9, $0xF7A;
	s5 =	simm.s32 @!p2 $0x0  }
0x1d: {  	s5 =	simm.s32 @p1 $0x1;
	p0 =	seq.s32 s7, s2  }
0x1e: {  	s7 =	smul.u32 @!p0 $0xF7A, s2;
	p2 =	seq.s32 @!p0 s5, $0x0  }
0x1f: {  	s9 =	smul.u32 $0xF7A, s1;
	s8 =	simm.s32 @!p0 $0x1BF5;
	p2 =	por !p2, p0  }
0x20: {  	[sflag:s8] =	ssyncset.s32 @!p0 $0xFFFFF086;
	s6 =	sadd.s32 @!p0 s3, s7;
	s7 =	simm.s32 @!p0 $0x108  }
0x21: {  	s3 =	sadd.s32 s3, s9;
	s6 =	sadd.s32 @!p0 $0x88, s6;
	s7 =	simm.s32 @p2 $0x1082  }
0x22: {  	[simem:s7], [sflag:s8] =	dma.local @!p0 [hbm:s6], $0xF7A  }
0x23: {  	s9 =	sor.u32 $0xD0000000, s2;
	s6 =	simm.s32 $0x108;
	_ =	swait.ge @!p0 [sflag:s8], $0x0  }
0x24: {  	s3 =	sadd.s32 $0x88, s3;
	s6 =	simm.s32 @!p1 $0x1082;
	[sflag:s4] =	ssyncset.s32 $0xFFFFF086  }
0x25: {  	[simem:s6], [sflag:s4] =	dma.local [hbm:s3], $0xF7A  }
0x26: {  	[smem:$0x3F99] =	sst s1;
	(tag) =	ssettag s2;
	_ =	strace s9  }
0x27: {  	s1 =	sld [smem:$0x3FA9]  }
0x28: {  	s2 =	sld [smem:$0x3FAA]  }
0x29: {  	s4 =	sld [smem:$0x3FAC]  }
0x2a: {  	p0 =	seq.s32 s5, $0x0;
	s5 =	sld [smem:$0x3FAD]  }
0x2b: {  	s6 =	sld [smem:$0x3FAE]  }
0x2c: {  	s7 =	sld [smem:$0x3FAF]  }
0x2d: {  	s3 =	simm.s32 $0x108;
	s8 =	sld [smem:$0x3FB0]  }
0x2e: {  	s3 =	simm.s32 @!p0 $0x1082;
	s9 =	sld [smem:$0x3FB1]  }
0x2f: {  	lr =	sadd.s32 s0, s3;
	s0 =	sld [smem:$0x3FA8]  }
0x30: {  	s3 =	sld [smem:$0x3FAB]  }
0x31: {  	[smem:$0x3FB4] =	sst s10  }
0x32: {  	s10 =	sld [smem:$0x3FB2];
	_ =	sdelay $0x3  }
0x33: {  	p0 =	seq.s32 s10, $0x1;
	s10 =	sld [smem:$0x3FB4];
	_ =	sdelay $0x3  }
0x34: {  	[smem:$0x3FB4] =	sst s10  }
0x35: {  	s10 =	sld [smem:$0x3FB3];
	_ =	sdelay $0x3  }
0x36: {  	p1 =	seq.s32 s10, $0x1;
	s10 =	sld [smem:$0x3FB4];
	_ =	sdelay $0x3  }
0x37: {  	[smem:$0x3FB4] =	sst s10  }
0x38: {  	s10 =	sld [smem:$0x3FB5]  }
0x39: {  	_ = 	snop;
	(pc) =	sbr.ind lr, $3  }
0x3a: {  	_ = 	snop  }
0x3b: {  	_ = 	snop  }
0x3c: {  	p2 =	seq.s32 s10, $0x1;
	s10 =	sld [smem:$0x3FB4]  }
0x3d: {  	_ =	shalt  }
0x3e: {  	_ =	shalt  }
0x3f: {  	_ =	shalt  }
0x40: {  	_ =	shalt  }
0x41: {  	_ =	shalt  }
0x42: {  	_ =	shalt  }
0x43: {  	_ =	shalt  }
0x44: {  	_ =	shalt  }
0x45: {  	_ =	shalt  }
0x46: {  	_ =	shalt  }
0x47: {  	_ =	shalt  }
0x48: {  	_ =	shalt  }
0x49: {  	_ =	shalt  }
0x4a: {  	_ =	shalt  }
0x4b: {  	_ =	shalt  }
0x4c: {  	_ =	shalt  }
0x4d: {  	_ =	shalt  }
0x4e: {  	_ =	shalt  }
0x4f: {  	_ =	shalt  }
0x50: {  	_ =	shalt  }
0x51: {  	_ =	shalt  }
0x52: {  	_ =	shalt  }
0x53: {  	_ =	shalt  }
0x54: {  	_ =	shalt  }
0x55: {  	_ =	shalt  }
0x56: {  	_ =	shalt  }
0x57: {  	_ =	shalt  }
0x58: {  	_ =	shalt  }
0x59: {  	_ =	shalt  }
0x5a: {  	_ =	shalt  }
0x5b: {  	_ =	shalt  }
0x5c: {  	_ =	shalt  }
0x5d: {  	_ =	shalt  }
0x5e: {  	_ =	shalt  }
0x5f: {  	_ =	shalt  }
0x60: {  	_ =	shalt  }
0x61: {  	_ =	shalt  }
0x62: {  	_ =	shalt  }
0x63: {  	_ =	shalt  }
0x64: {  	_ =	shalt  }
0x65: {  	_ =	shalt  }
0x66: {  	_ =	shalt  }
0x67: {  	_ =	shalt  }
0x68: {  	_ =	shalt  }
0x69: {  	_ =	shalt  }
0x6a: {  	_ =	shalt  }
0x6b: {  	_ =	shalt  }
0x6c: {  	_ =	shalt  }
0x6d: {  	_ =	shalt  }
0x6e: {  	_ =	shalt  }
0x6f: {  	_ =	shalt  }
0x70: {  	_ =	shalt  }
0x71: {  	_ =	shalt  }
0x72: {  	_ =	shalt  }
0x73: {  	_ =	shalt  }
0x74: {  	_ =	shalt  }
0x75: {  	_ =	shalt  }
0x76: {  	_ =	shalt  }
0x77: {  	_ =	shalt  }
0x78: {  	_ =	shalt  }
0x79: {  	_ =	shalt  }
0x7a: {  	_ =	shalt  }
0x7b: {  	_ =	shalt  }
0x7c: {  	_ =	shalt  }
0x7d: {  	_ =	shalt  }
0x7e: {  	_ =	shalt  }
0x7f: {  	_ =	shalt  }
0x80: {  	_ =	shalt  }
0x81: {  	_ =	shalt  }
0x82: {  	_ =	shalt  }
0x83: {  	_ =	shalt  }
0x84: {  	_ =	shalt  }
0x85: {  	_ =	shalt  }
0x86: {  	_ =	shalt  }
0x87: {  	_ =	shalt  }
.Lfunc_end0:
.L_simem_size_0:
called_computation.2_lowered:
.L_overlay_start_0:
0x88: {  	s2 =	sld [smem:$0x3FD9]  }
0x89: {  	s3 =	sld [smem:$0x3FFE];
	_ =	sdelay $0x1  }
0x8a: {  	s1 =	srdreg.scid  }
0x8b: {  	s0 =	sand.u32 $0x1, s1  }
0x8c: {  	s17 =	sshll.u32 s0, $0xA;
	s2 =	sadd.s32 s3, s2  }
0x8d: {  	s2 =	sadd.s32 s2, s17  }
0x8e: {  	[smem:$0x3FC0] =	sst s2  }
0x8f: {  	_ = 	snop  }
0x90: {  	s2 =	sld [smem:$0x3FD0];
	(tm) =	ssettm $0x1  }
0x91: {  	s18 =	sld [smem:$0x3FFB];
	_ =	sdelay $0x3  }
0x92: {  	_ =	strace s18  }
0x93: {  	s3 =	sld [smem:$0x3FFC];
	_ =	sdelay $0x3  }
0x94: {  	_ =	strace s3  }
0x95: {  	s3 =	sld [smem:$0x3FFD];
	_ =	sdelay $0x3  }
0x96: {  	_ =	strace s3  }
0x97: {  	_ =	strace $0x8FFFFFFF  }
0x98: {  	s19 =	sld [smem:$0x3FDB];
	_ =	sdelay $0x1  }
0x99: {  	s4 =	simm.s32 $_scs_section_size  }
0x9a: {  	s5 =	simm.s32 $_size__tile_overlayer_lowered;
	s6 =	simm.s32 $_tile_overlayer_lowered  }
0x9b: {  	s22 =	simm.s32 $0x1BFF;
	s21 =	sshll.u32 s6, $0x1;
	s3 =	sadd.s32 s4, s19  }
0x9c: {  	s7 =	simm.s32 $0x0;
	s20 =	sshll.u32 s5, $0x1;
	s5 =	sadd.s32 s21, s3  }
0x9d: {  	[timem:s7], [sflag:s22] =	dma.local [hbm:s5], s20  }
0x9e: {  	_ =	swait.ge [sflag:s22], s20  }
0x9f: {  	s4 =	ssub.s32 $0x0, s20;
	[sflag:s22] =	ssyncset.done $0x0  }
0xa0: {  	[sflag:s22] =	ssyncadd.s32 s4;
	_ =	sdelay $0x1  }
0xa1: {  	s23 =	simm.s32 $0x1B8B  }
0xa2: {  	_ =	swait.ge [sflag:s23], $0x1  }
0xa3: {  	[sflag:s23] =	ssyncset.done $0x0  }
0xa4: {  	s25 =	simm.s32 $0x1B8E;
	s24 =	sld [smem:$0x3FFE];
	[sflag:s23] =	ssyncadd.s32 $0xFFFFFFFF  }
0xa5: {  	s26 =	simm.s32 $execute0_lowered;
	[smem:$0x3FD2] =	sst s25  }
0xa6: {  	s5 =	sshll.u32 s26, $0x1;
	_ =	strace $0x8000004C;
	[dreg:$0x1] =	wrdreg $0xFFFFFFFF  }
0xa7: {  	s28 =	simm.s32 $_size_execute0_lowered;
	s3 =	sadd.s32 s3, s5;
	[dreg:$0x0] =	wrdreg $0x0  }
0xa8: {  	s5 =	sshll.u32 s28, $0x1;
	[dreg:$0x2] =	wrdreg s3  }
0xa9: {  	[dreg:$0x3] =	wrdreg s5  }
0xaa: {  	[dreg:$0x4] =	wrdreg $0xC0  }
0xab: {  	_ =	task [dreg:s7], $0x5FFFF  }
0xac: {  	[dreg:$0x1] =	wrdreg $0xFFFFFFFF  }
0xad: {  	[dreg:$0x0] =	wrdreg $0x60  }
0xae: {  	[dreg:$0x2] =	wrdreg s24  }
0xaf: {  	[dreg:$0x3] =	wrdreg s2  }
0xb0: {  	[dreg:$0x4] =	wrdreg $0x94000  }
0xb1: {  	[dreg:$0x5] =	wrdreg $0x9  }
0xb2: {  	_ =	task.clear_ibuf [dreg:s7], $0x6FFFF;
	_ =	strace $0x9000004C  }
0xb3: {  	s29 =	simm.s32 $0x9;
	_ =	strace $0x8000004E  }
0xb4: {  	_ =	swait.ge [sflag:s29], $0x1  }
0xb5: {  	[sflag:s29] =	ssyncadd.s32 $0xFFFFFFFF  }
0xb6: {  	_ =	strace $0x9000004E  }
0xb7: {  	_ =	sfence  }
0xb8: {  	s30 =	sld [smem:$0x0];
	_ =	sdelay $0x2  }
0xb9: {  	s31 =	sshll.u32 s1, $0xD;
	s1 =	sshrl.u32 s1, $0x2  }
0xba: {  	s3 =	sand.u32 $0x4000, s31;
	s1 =	sadd.s32 s1, s30  }
0xbb: {  	s0 =	sor.u32 s3, s0;
	s1 =	sshll.u32 s1, $0x11  }
0xbc: {  	s0 =	sor.u32 s1, s0  }
0xbd: {  	s0 =	sadd.s32 $0x8F2B, s0  }
0xbe: {  	[sflag:s0] =	ssyncadd.remote.s32 $0x1  }
0xbf: {  	_ =	sfence.sel $0xFFFF  }
0xc0: {  	[dreg:$0x0] =	wrdreg $0xFFFFFFFF;
	(pc) =	sbr.abs _section_cstart, $3  }
0xc1: {  	[dreg:$0x1] =	wrdreg $0xFFFFFFFF  }
0xc2: {  	_ =	task.clear_ibuf [dreg:s7], $0x2FFFF;
	_ =	strace $0x9FFFFFFF  }
0xc3: {  	(tm) =	ssettm $0x7FFFFFFF  }
tec
execute0_lowered:
.L_overlay_start_1:
0x0: {  	(tag) =	ssettag $0x1  }
0x1: {  	s0 =	rddreg [dreg:$0x0]  }
0x2: {  	s3 =	srdreg.scid;
	s10 =	stileid.u32  }
0x3: {  	s1 =	rddreg [dreg:$0x1];
	s6 =	sand.u32 $0x1, s3;
	s5 =	smul.u32 $0x14000, s10  }
0x4: {  	s2 =	rddreg [dreg:$0x2];
	s3 =	simm.s32 $0x0;
	s4 =	smul.u32 $0x140000, s6  }
0x5: {  	s7 =	smul.u32 $0x50000, s10;
	s9 =	sshll.u32 s10, $0x1;
	[smem:$0x7FF] =	sst s3  }
0x6: {  	s8 =	ssub.s32 $0x2, s6;
	s25 =	sor.u32 s6, s9;
	s5 =	sadd.s32 s5, s4  }
0x7: {  	s24 =	sshrl.u32 s8, $0x1;
	s7 =	sshrl.u32 s7, $0x2;
	s5 =	sshrl.u32 s5, $0x3  }
0x8: {  	s4 =	sadd.s32 $0x2200, s0;
	s8 =	ssub.s32 s8, s24;
	s0 =	sadd.s32 s5, s0  }
0x9: {  	s5 =	sadd.s32 s7, s2;
	s7 =	smul.u32 $0xA00, s25;
	s25 =	smax.u32 s8, $0x1  }
0xa: {  	_ =	strace $0x8000004D;
	s26 =	sadd.s32 $0x1000, s5;
	[dreg:$0x15] =	wrdreg s25  }
0xb: {  	s28 =	sadd.s32 $0x2000, s5;
	[dreg:$0x4] =	wrdreg s26  }
0xc: {  	s29 =	sadd.s32 $0x3000, s5;
	[dreg:$0x5] =	wrdreg s28  }
0xd: {  	s11 =	sadd.s32 $0x4000, s5;
	[dreg:$0x6] =	wrdreg s29  }
0xe: {  	s12 =	sadd.s32 $0x5000, s5;
	[dreg:$0x7] =	wrdreg s11  }
0xf: {  	s13 =	sadd.s32 $0x6000, s5;
	[dreg:$0x8] =	wrdreg s12  }
0x10: {  	s14 =	sadd.s32 $0x7000, s5;
	[dreg:$0x9] =	wrdreg s13  }
0x11: {  	s16 =	sadd.s32 $0x8000, s5;
	[dreg:$0xa] =	wrdreg s14  }
0x12: {  	s17 =	sadd.s32 $0x9000, s5;
	[dreg:$0xb] =	wrdreg s16  }
0x13: {  	s15 =	smul.u32 $0xA0, s10;
	s18 =	sadd.s32 $0xA000, s5;
	[dreg:$0xc] =	wrdreg s17  }
0x14: {  	s10 =	simm.s32 $0x1;
	s19 =	sadd.s32 $0xB000, s5;
	[dreg:$0xd] =	wrdreg s18  }
0x15: {  	s6 =	smul.u32 $0x50, s6;
	s20 =	sadd.s32 $0xC000, s5;
	[dreg:$0xe] =	wrdreg s19  }
0x16: {  	s9 =	simm.s32 $0x200;
	s21 =	sadd.s32 $0xD000, s5;
	[dreg:$0xf] =	wrdreg s20  }
0x17: {  	s6 =	sadd.s32 s6, s15;
	s22 =	sadd.s32 $0xE000, s5;
	[dreg:$0x10] =	wrdreg s21  }
0x18: {  	s15 =	simm.s32 $0x4400;
	s23 =	sadd.s32 $0xF000, s5;
	[dreg:$0x11] =	wrdreg s22  }
0x19: {  	s6 =	sshll.u32 s6, $0x5;
	s24 =	sadd.s32 $0x10000, s5;
	[dreg:$0x12] =	wrdreg s23  }
0x1a: {  	s8 =	simm.s32 $0x100;
	s0 =	sadd.s32 $0x29400, s0;
	[dreg:$0x13] =	wrdreg s24  }
0x1b: {  	s21 =	sadd.s32 s1, s7;
	s22 =	sadd.s32 s6, s1;
	[dreg:$0x14] =	wrdreg s0  }
0x1c: {  	s26 =	sadd.s32 $0x11000, s5;
	s28 =	sadd.s32 $0x12000, s5;
	s29 =	sadd.s32 $0x13000, s5  }
0x1d: {  	s6 =	simm.s32 $0x8400;
	s7 =	simm.s32 $0x7;
	s11 =	simm.s32 $0x80  }
0x1e: {  	s12 =	simm.s32 $0x400;
	s13 =	simm.s32 $0x300;
	s14 =	simm.s32 $0x2  }
.Ltmp0:
0x1f: {  	s16 =	simm.s32 $0x5;
	s17 =	simm.s32 $0x3;
	(pc) =	sbr.rel .LBB2_1-.Ltmp0, $4  }
0x20: {  	s18 =	simm.s32 $0x6;
	s19 =	simm.s32 $0x180;
	[dreg:$0x16] =	wrdreg s26  }
0x21: {  	s20 =	simm.s32 $0x4;
	s23 =	simm.s32 $0x280;
	[dreg:$0x17] =	wrdreg s28  }
0x22: {  	s24 =	simm.s32 $0x0;
	[dreg:$0x18] =	wrdreg s29;
	s30 =	sadd.s32 $0x20, s21  }
0x23: {  	v0 =	vimm.f32 $0.0e+00;
	s31 =	sadd.s32 $0x40, s21;
	s0 =	sadd.s32 $0xC0, s22;
	s1 =	sadd.s32 $0x80, s22  }
.LBB2_6:
0x24: {  	_ =	swait.ge [sflag:s18], $0x4000  }
0x25: {  	[sflag:s18] =	ssyncset.done $0x0  }
0x26: {  	s25 =	simm.s32 $0x380;
	[sflag:s18] =	ssyncadd.s32 $0xFFFFC000  }
0x27: {  	[spmem:s2] =	stream.indirect.scatter.add.f32 [tilespmem:s15], [sflag:$0x7], $0x80, s25, s11, $0xb8;
	[tilespmem:$0x1D400] =	vst v63  }
0x28: {  	_ =	swait.ge [sflag:s7], $0x4000  }
0x29: {  	[sflag:s7] =	ssyncset.done $0x0  }
0x2a: {  	s28 =	stileid.u32;
	[sflag:s7] =	ssyncadd.s32 $0xFFFFC000  }
0x2b: {  	s25 =	sshll.u32 s28, $0x6;
	[bflag:$0x0] =	sbarrier.arrive $0xFFFF  }
0x2c: {  	s26 =	sshrl.u32 s5, $0x3;
	s25 =	sor.u32 $0x1C07, s25;
	s28 =	rddreg [dreg:$0x14]  }
0x2d: {  	[hbm:s28], [sflag:s25] =	dma.local [spmem:s26], $0x2800  }
0x2e: {  	_ =	swait.ge [sflag:s7], $0x2800  }
0x2f: {  	s24 =	sadd.s32 $0x1, s24;
	s29 =	rddreg [dreg:$0x15]  }
0x30: {  	p0 =	sne.s32 s24, s29  }
.Ltmp1:
0x31: {  	_ = 	snop;
	(pc) =	sbr.rel @!p0 .LBB2_7-.Ltmp1, $3  }
0x32: {  	_ =	sdelay $0x1  }
0x33: {  	[sflag:s7] =	ssyncset.done $0x0  }
0x34: {  	[sflag:s7] =	ssyncadd.s32 $0xFFFFD800  }
.LBB2_1:
0x35: {  	s25 =	simm.s32 $0x0;
	s26 =	simm.s32 $0x200  }
.LBB2_2:
0x36: {  	p0 =	sne.s32 s26, $0x3E00;
	[tilespmem:s25+$0x8470] =	vst v0  }
0x37: {  	[tilespmem:s25+$0x8400] =	vst v0  }
0x38: {  	[tilespmem:s25+$0x8410] =	vst v0  }
.Ltmp2:
0x39: {  	[tilespmem:s25+$0x8420] =	vst v0;
	(pc) =	sbr.rel @p0 .LBB2_2-.Ltmp2, $4  }
0x3a: {  	[tilespmem:s25+$0x8430] =	vst v0  }
0x3b: {  	[tilespmem:s25+$0x8440] =	vst v0  }
0x3c: {  	[tilespmem:s25+$0x8450] =	vst v0  }
0x3d: {  	[tilespmem:s25+$0x8460] =	vst v0;
	s25 =	sshra.s32 s26, $0x2;
	s26 =	sadd.s32 $0x200, s26  }
0x3e: {  	[tilespmem:s25+$0x8470] =	vst v0  }
0x3f: {  	[tilespmem:s25+$0x8400] =	vst v0  }
0x40: {  	[tilespmem:s25+$0x8410] =	vst v0  }
0x41: {  	[tilespmem:s25+$0x8420] =	vst v0  }
0x42: {  	[tilespmem:s25+$0x8430] =	vst v0  }
0x43: {  	[tilespmem:s25+$0x8440] =	vst v0  }
0x44: {  	[tilespmem:s25+$0x8450] =	vst v0  }
0x45: {  	[tilespmem:s25+$0x8460] =	vst v0  }
0x46: {  	[spmem:s5] =	stream.linear.scatter [tilespmem:s6], [sflag:$0x7], $0x1000, $0x38;
	[tilespmem:$0x1D400] =	vst v63  }
0x47: {  	_ =	swait.ge [sflag:s7], $0x1000  }
0x48: {  	[sflag:s7] =	ssyncset.done $0x0  }
0x49: {  	s29 =	rddreg [dreg:$0x4];
	[sflag:s7] =	ssyncadd.s32 $0xFFFFF000  }
0x4a: {  	[spmem:s29] =	stream.linear.scatter [tilespmem:s6], [sflag:$0x7], $0x1000, $0x38;
	[tilespmem:$0x1D400] =	vst v63  }
0x4b: {  	_ =	swait.ge [sflag:s7], $0x1000  }
0x4c: {  	[sflag:s7] =	ssyncset.done $0x0  }
0x4d: {  	s26 =	rddreg [dreg:$0x5];
	[sflag:s7] =	ssyncadd.s32 $0xFFFFF000  }
0x4e: {  	[spmem:s26] =	stream.linear.scatter [tilespmem:s6], [sflag:$0x7], $0x1000, $0x38;
	[tilespmem:$0x1D400] =	vst v63  }
0x4f: {  	_ =	swait.ge [sflag:s7], $0x1000  }
0x50: {  	[sflag:s7] =	ssyncset.done $0x0  }
0x51: {  	s28 =	rddreg [dreg:$0x6];
	[sflag:s7] =	ssyncadd.s32 $0xFFFFF000  }
0x52: {  	[spmem:s28] =	stream.linear.scatter [tilespmem:s6], [sflag:$0x7], $0x1000, $0x38;
	[tilespmem:$0x1D400] =	vst v63  }
0x53: {  	_ =	swait.ge [sflag:s7], $0x1000  }
0x54: {  	[sflag:s7] =	ssyncset.done $0x0  }
0x55: {  	s29 =	rddreg [dreg:$0x7];
	[sflag:s7] =	ssyncadd.s32 $0xFFFFF000  }
0x56: {  	[spmem:s29] =	stream.linear.scatter [tilespmem:s6], [sflag:$0x7], $0x1000, $0x38;
	[tilespmem:$0x1D400] =	vst v63  }
0x57: {  	_ =	swait.ge [sflag:s7], $0x1000  }
0x58: {  	[sflag:s7] =	ssyncset.done $0x0  }
0x59: {  	s26 =	rddreg [dreg:$0x8];
	[sflag:s7] =	ssyncadd.s32 $0xFFFFF000  }
0x5a: {  	[spmem:s26] =	stream.linear.scatter [tilespmem:s6], [sflag:$0x7], $0x1000, $0x38;
	[tilespmem:$0x1D400] =	vst v63  }
0x5b: {  	_ =	swait.ge [sflag:s7], $0x1000  }
0x5c: {  	[sflag:s7] =	ssyncset.done $0x0  }
0x5d: {  	s28 =	rddreg [dreg:$0x9];
	[sflag:s7] =	ssyncadd.s32 $0xFFFFF000  }
0x5e: {  	[spmem:s28] =	stream.linear.scatter [tilespmem:s6], [sflag:$0x7], $0x1000, $0x38;
	[tilespmem:$0x1D400] =	vst v63  }
0x5f: {  	_ =	swait.ge [sflag:s7], $0x1000  }
0x60: {  	[sflag:s7] =	ssyncset.done $0x0  }
0x61: {  	s29 =	rddreg [dreg:$0xa];
	[sflag:s7] =	ssyncadd.s32 $0xFFFFF000  }
0x62: {  	[spmem:s29] =	stream.linear.scatter [tilespmem:s6], [sflag:$0x7], $0x1000, $0x38;
	[tilespmem:$0x1D400] =	vst v63  }
0x63: {  	_ =	swait.ge [sflag:s7], $0x1000  }
0x64: {  	[sflag:s7] =	ssyncset.done $0x0  }
0x65: {  	s26 =	rddreg [dreg:$0xb];
	[sflag:s7] =	ssyncadd.s32 $0xFFFFF000  }
0x66: {  	[spmem:s26] =	stream.linear.scatter [tilespmem:s6], [sflag:$0x7], $0x1000, $0x38;
	[tilespmem:$0x1D400] =	vst v63  }
0x67: {  	_ =	swait.ge [sflag:s7], $0x1000  }
0x68: {  	[sflag:s7] =	ssyncset.done $0x0  }
0x69: {  	s28 =	rddreg [dreg:$0xc];
	[sflag:s7] =	ssyncadd.s32 $0xFFFFF000  }
0x6a: {  	[spmem:s28] =	stream.linear.scatter [tilespmem:s6], [sflag:$0x7], $0x1000, $0x38;
	[tilespmem:$0x1D400] =	vst v63  }
0x6b: {  	_ =	swait.ge [sflag:s7], $0x1000  }
0x6c: {  	[sflag:s7] =	ssyncset.done $0x0  }
0x6d: {  	s29 =	rddreg [dreg:$0xd];
	[sflag:s7] =	ssyncadd.s32 $0xFFFFF000  }
0x6e: {  	[spmem:s29] =	stream.linear.scatter [tilespmem:s6], [sflag:$0x7], $0x1000, $0x38;
	[tilespmem:$0x1D400] =	vst v63  }
0x6f: {  	_ =	swait.ge [sflag:s7], $0x1000  }
0x70: {  	[sflag:s7] =	ssyncset.done $0x0  }
0x71: {  	s26 =	rddreg [dreg:$0xe];
	[sflag:s7] =	ssyncadd.s32 $0xFFFFF000  }
0x72: {  	[spmem:s26] =	stream.linear.scatter [tilespmem:s6], [sflag:$0x7], $0x1000, $0x38;
	[tilespmem:$0x1D400] =	vst v63  }
0x73: {  	_ =	swait.ge [sflag:s7], $0x1000  }
0x74: {  	[sflag:s7] =	ssyncset.done $0x0  }
0x75: {  	s28 =	rddreg [dreg:$0xf];
	[sflag:s7] =	ssyncadd.s32 $0xFFFFF000  }
0x76: {  	[spmem:s28] =	stream.linear.scatter [tilespmem:s6], [sflag:$0x7], $0x1000, $0x38;
	[tilespmem:$0x1D400] =	vst v63  }
0x77: {  	_ =	swait.ge [sflag:s7], $0x1000  }
0x78: {  	[sflag:s7] =	ssyncset.done $0x0  }
0x79: {  	s29 =	rddreg [dreg:$0x10];
	[sflag:s7] =	ssyncadd.s32 $0xFFFFF000  }
0x7a: {  	[spmem:s29] =	stream.linear.scatter [tilespmem:s6], [sflag:$0x7], $0x1000, $0x38;
	[tilespmem:$0x1D400] =	vst v63  }
0x7b: {  	_ =	swait.ge [sflag:s7], $0x1000  }
0x7c: {  	[sflag:s7] =	ssyncset.done $0x0  }
0x7d: {  	s26 =	rddreg [dreg:$0x11];
	[sflag:s7] =	ssyncadd.s32 $0xFFFFF000  }
0x7e: {  	[spmem:s26] =	stream.linear.scatter [tilespmem:s6], [sflag:$0x7], $0x1000, $0x38;
	[tilespmem:$0x1D400] =	vst v63  }
0x7f: {  	_ =	swait.ge [sflag:s7], $0x1000  }
0x80: {  	[sflag:s7] =	ssyncset.done $0x0  }
0x81: {  	s28 =	rddreg [dreg:$0x12];
	[sflag:s7] =	ssyncadd.s32 $0xFFFFF000  }
0x82: {  	[spmem:s28] =	stream.linear.scatter [tilespmem:s6], [sflag:$0x7], $0x1000, $0x38;
	[tilespmem:$0x1D400] =	vst v63  }
0x83: {  	_ =	swait.ge [sflag:s7], $0x1000  }
0x84: {  	[sflag:s7] =	ssyncset.done $0x0  }
0x85: {  	s29 =	rddreg [dreg:$0x13];
	[sflag:s7] =	ssyncadd.s32 $0xFFFFF000  }
0x86: {  	[spmem:s29] =	stream.linear.scatter [tilespmem:s6], [sflag:$0x7], $0x1000, $0x38;
	[tilespmem:$0x1D400] =	vst v63  }
0x87: {  	_ =	swait.ge [sflag:s7], $0x1000  }
0x88: {  	[sflag:s7] =	ssyncset.done $0x0  }
0x89: {  	s26 =	rddreg [dreg:$0x16];
	[sflag:s7] =	ssyncadd.s32 $0xFFFFF000  }
0x8a: {  	[spmem:s26] =	stream.linear.scatter [tilespmem:s6], [sflag:$0x7], $0x1000, $0x38;
	[tilespmem:$0x1D400] =	vst v63  }
0x8b: {  	_ =	swait.ge [sflag:s7], $0x1000  }
0x8c: {  	[sflag:s7] =	ssyncset.done $0x0  }
0x8d: {  	s28 =	rddreg [dreg:$0x17];
	[sflag:s7] =	ssyncadd.s32 $0xFFFFF000  }
0x8e: {  	[spmem:s28] =	stream.linear.scatter [tilespmem:s6], [sflag:$0x7], $0x1000, $0x38;
	[tilespmem:$0x1D400] =	vst v63  }
0x8f: {  	_ =	swait.ge [sflag:s7], $0x1000  }
0x90: {  	[sflag:s7] =	ssyncset.done $0x0  }
0x91: {  	s29 =	rddreg [dreg:$0x18];
	[sflag:s7] =	ssyncadd.s32 $0xFFFFF000  }
0x92: {  	[spmem:s29] =	stream.linear.scatter [tilespmem:s6], [sflag:$0x7], $0x1000, $0x38;
	[tilespmem:$0x1D400] =	vst v63  }
0x93: {  	_ =	swait.ge [sflag:s7], $0x1000  }
0x94: {  	[sflag:s7] =	ssyncset.done $0x0  }
0x95: {  	[sflag:s7] =	ssyncadd.s32 $0xFFFFF000  }
0x96: {  	s25 =	simm.s32 $0x0;
	[bflag:$0x0] =	sbarrier.arrive $0xFFFF  }
0x97: {  	[tilespmem:s25], [sflag:$0x1] =	stream.linear.gather [hbm4b:s21+s25], $0x100, $0x38;
	[tilespmem:$0x1D400] =	vst v63  }
0x98: {  	_ = 	snop  }
0x99: {  	[tilespmem:s8], [sflag:$0x2] =	stream.linear.gather [hbm4b:s30+s25], $0x100, $0x38;
	[tilespmem:$0x1D400] =	vst v63  }
0x9a: {  	_ = 	snop  }
0x9b: {  	[tilespmem:s9], [sflag:$0x3] =	stream.linear.gather [hbm4b:s31+s25], $0x100, $0x38;
	[tilespmem:$0x1D400] =	vst v63  }
.LBB2_4:
0x9c: {  	_ =	swait.ge [sflag:s10], $0x100  }
0x9d: {  	p0 =	seq.s32 s25, $0x0;
	[sflag:s10] =	ssyncset.done $0x0  }
0x9e: {  	s26 =	simm.s32 @!p0 $0x6;
	[sflag:s10] =	ssyncadd.s32 $0xFFFFFF00  }
0x9f: {  	[tilespmem:s12], [sflag:$0x5] =	stream.indirect.gather [hbm4b:s4+s11], $0x80, s3, s11, $0xb8;
	[tilespmem:$0x1D400] =	vst v63  }
0xa0: {  	_ =	swait.ge @!p0 [sflag:s26], $0x4000  }
0xa1: {  	s28 =	simm.s32 @!p0 $0x380;
	[sflag:s26] =	ssyncset.done @!p0 $0x0  }
0xa2: {  	s29 =	simm.s32 @!p0 $0x4400;
	[sflag:s26] =	ssyncadd.s32 @!p0 $0xFFFFC000;
	s26 =	simm.s32 @!p0 $0x80  }
0xa3: {  	[spmem:s2] =	stream.indirect.scatter.add.f32 @!p0 [tilespmem:s29], [sflag:$0x7], $0x80, s28, s26, $0xb8;
	[tilespmem:$0x1D400] =	vst v63  }
0xa4: {  	s26 =	simm.s32 @!p0 $0x7  }
0xa5: {  	_ =	swait.ge @!p0 [sflag:s26], $0x4000  }
0xa6: {  	s29 =	sadd.s32 s25, s22;
	[sflag:s26] =	ssyncset.done @!p0 $0x0  }
0xa7: {  	s29 =	sadd.s32 $0x60, s29;
	[sflag:s26] =	ssyncadd.s32 @!p0 $0xFFFFC000  }
0xa8: {  	[tilespmem:s13], [sflag:$0x4] =	stream.linear.gather [hbm4b:s29+s3], $0x100, $0x38;
	[tilespmem:$0x1D400] =	vst v63  }
0xa9: {  	_ =	swait.ge [sflag:s14], $0x100  }
0xaa: {  	[sflag:s14] =	ssyncset.done $0x0  }
0xab: {  	[sflag:s14] =	ssyncadd.s32 $0xFFFFFF00  }
0xac: {  	[tilespmem:s15], [sflag:$0x6] =	stream.indirect.gather [hbm4b:s4+s11], $0x80, s8, s11, $0xb8;
	[tilespmem:$0x1D400] =	vst v63  }
0xad: {  	_ =	swait.ge [sflag:s16], $0x4000  }
0xae: {  	[sflag:s16] =	ssyncset.done $0x0  }
0xaf: {  	[sflag:s16] =	ssyncadd.s32 $0xFFFFC000  }
0xb0: {  	[spmem:s2] =	stream.indirect.scatter.add.f32 [tilespmem:s12], [sflag:$0x7], $0x80, s11, s11, $0xb8;
	[tilespmem:$0x1D400] =	vst v63  }
0xb1: {  	_ =	swait.ge [sflag:s7], $0x4000  }
0xb2: {  	p0 =	seq.s32 s25, $0x980;
	[sflag:s7] =	ssyncset.done $0x0  }
0xb3: {  	s26 =	sadd.s32 @!p0 s25, s1;
	s28 =	simm.s32 @!p0 $0x0;
	[sflag:s7] =	ssyncadd.s32 $0xFFFFC000  }
0xb4: {  	[tilespmem:s28], [sflag:$0x1] =	stream.linear.gather @!p0 [hbm4b:s26+s28], $0x100, $0x38;
	[tilespmem:$0x1D400] =	vst v63  }
0xb5: {  	_ =	swait.ge [sflag:s17], $0x100  }
0xb6: {  	[sflag:s17] =	ssyncset.done $0x0  }
0xb7: {  	[sflag:s17] =	ssyncadd.s32 $0xFFFFFF00  }
0xb8: {  	[tilespmem:s12], [sflag:$0x5] =	stream.indirect.gather [hbm4b:s4+s11], $0x80, s9, s11, $0xb8;
	[tilespmem:$0x1D400] =	vst v63  }
0xb9: {  	_ =	swait.ge [sflag:s18], $0x4000  }
0xba: {  	[sflag:s18] =	ssyncset.done $0x0  }
0xbb: {  	[sflag:s18] =	ssyncadd.s32 $0xFFFFC000  }
0xbc: {  	[spmem:s2] =	stream.indirect.scatter.add.f32 [tilespmem:s15], [sflag:$0x7], $0x80, s19, s11, $0xb8;
	[tilespmem:$0x1D400] =	vst v63  }
0xbd: {  	_ =	swait.ge [sflag:s7], $0x4000  }
0xbe: {  	s26 =	sadd.s32 @!p0 s25, s22;
	[sflag:s7] =	ssyncset.done $0x0  }
0xbf: {  	s29 =	simm.s32 @!p0 $0x100;
	s26 =	sadd.s32 @!p0 $0xA0, s26;
	[sflag:s7] =	ssyncadd.s32 $0xFFFFC000  }
0xc0: {  	[tilespmem:s29], [sflag:$0x2] =	stream.linear.gather @!p0 [hbm4b:s26+s28], $0x100, $0x38;
	[tilespmem:$0x1D400] =	vst v63  }
0xc1: {  	_ =	swait.ge [sflag:s20], $0x100  }
0xc2: {  	[sflag:s20] =	ssyncset.done $0x0  }
0xc3: {  	[sflag:s20] =	ssyncadd.s32 $0xFFFFFF00  }
0xc4: {  	[tilespmem:s15], [sflag:$0x6] =	stream.indirect.gather [hbm4b:s4+s11], $0x80, s13, s11, $0xb8;
	[tilespmem:$0x1D400] =	vst v63  }
0xc5: {  	_ =	swait.ge [sflag:s16], $0x4000  }
0xc6: {  	[sflag:s16] =	ssyncset.done $0x0  }
.Ltmp3:
0xc7: {  	[sflag:s16] =	ssyncadd.s32 $0xFFFFC000;
	(pc) =	sbr.rel @p0 .LBB2_6-.Ltmp3, $4  }
0xc8: {  	[spmem:s2] =	stream.indirect.scatter.add.f32 [tilespmem:s12], [sflag:$0x7], $0x80, s23, s11, $0xb8;
	[tilespmem:$0x1D400] =	vst v63  }
0xc9: {  	_ =	swait.ge [sflag:s7], $0x4000  }
0xca: {  	[sflag:s7] =	ssyncset.done $0x0  }
0xcb: {  	[sflag:s7] =	ssyncadd.s32 $0xFFFFC000  }
.Ltmp4:
0xcc: {  	(pc) =	sbr.rel .LBB2_4-.Ltmp4, $3  }
0xcd: {  	_ =	sdelay $0x1  }
0xce: {  	s26 =	sadd.s32 s25, s0;
	s25 =	sadd.s32 $0x80, s25  }
0xcf: {  	[tilespmem:s9], [sflag:$0x3] =	stream.linear.gather [hbm4b:s26+s3], $0x100, $0x38;
	[tilespmem:$0x1D400] =	vst v63  }
.LBB2_7:
0xd0: {  	_ =	sfence.sel $0x180000  }
0xd1: {  	[bflag:$0x0] =	sbarrier.arrive $0xFFFF  }
0xd2: {  	_ =	strace $0x9000004D  }
0xd3: {  	s0 =	stileid.u32;
	[bflag:$0x2] =	sbarrier.arrive $0xFFFF  }
0xd4: {  	p0 =	sne.s32 s0, $0x0;
	s0 =	rddreg [dreg:$0x3]  }
0xd5: {  	s0 =	sadd.s32 @!p0 $0x100000, s0  }
0xd6: {  	[sflag:s0] =	ssyncadd.tile.s32 @!p0 $0x1;
	_ =	shalt  }
.Lfunc_end2:
_tile_overlayer_lowered:
.L_overlay_start_2:
0xd7: {  	(tag) =	ssettag $0x2  }
0xd8: {  	s0 =	rddreg [dreg:$0x0];
	s2 =	stileid.u32  }
0xd9: {  	s1 =	rddreg [dreg:$0x1];
	p0 =	sne.s32 s2, $0x0  }
0xda: {  	s3 =	rddreg [dreg:$0x2];
	[bflag:$0x3] =	sbarrier.arrive $0xFFFF;
	s2 =	simm.s32 @!p0 $0x1C07  }
0xdb: {  	[timem:s3], [sflag:s2] =	dma.local @!p0 [hbm:s0], s1  }
0xdc: {  	s0 =	simm.s32 @!p0 $0x7  }
0xdd: {  	_ =	swait.ge @!p0 [sflag:s0], s1  }
0xde: {  	s1 =	ssub.s32 @!p0 $0x0, s1;
	[sflag:s0] =	ssyncset.done @!p0 $0x0  }
0xdf: {  	[sflag:s0] =	ssyncadd.s32 @!p0 s1  }
0xe0: {  	[bflag:$0x3] =	sbarrier.arrive $0xFFFF  }
0xe1: {  	_ =	shalt  }

// kernel: kernel.8.cloned.1.call-start
scs
__scs_entry_jumppad:
0x0: {  	(pc) =	sbr.rel $0x88, $3  }
0x1: {  	(tag) =	ssettag $0x0;
	lr =	simm.s32 $0x1  }
0x2: {  	[smem:$0x3F99] =	sst lr;
	_ =	strace $0xD0000000  }
0x3: {  	_ = 	snop  }
0x4: {  	_ = 	snop  }
0x5: {  	_ = 	snop  }
0x6: {  	_ = 	snop  }
0x7: {  	_ = 	snop  }
__scs_overlays_trampoline_lowered:
0x8: {  	[smem:$0x3FA8] =	sst s0  }
0x9: {  	[smem:$0x3FA9] =	sst s1  }
0xa: {  	[smem:$0x3FAA] =	sst s2  }
0xb: {  	[smem:$0x3FAB] =	sst s3  }
0xc: {  	[smem:$0x3FAC] =	sst s4  }
0xd: {  	[smem:$0x3FAD] =	sst s5  }
0xe: {  	[smem:$0x3FAE] =	sst s6  }
0xf: {  	[smem:$0x3FAF] =	sst s7  }
0x10: {  	[smem:$0x3FB0] =	sst s8  }
0x11: {  	[smem:$0x3FB1] =	sst s9;
	s0 =	simm.s32 @!p0 $0x0  }
0x12: {  	s1 =	sld [smem:$0x3F97];
	s0 =	simm.s32 @p0 $0x1  }
0x13: {  	[smem:$0x3FB2] =	sst s0;
	s0 =	simm.s32 @!p1 $0x0  }
0x14: {  	s2 =	sld [smem:$0x3F96];
	s0 =	simm.s32 @p1 $0x1  }
0x15: {  	[smem:$0x3FB3] =	sst s0;
	s0 =	simm.s32 @!p2 $0x0  }
0x16: {  	s3 =	sld [smem:$0x3FDB];
	s0 =	simm.s32 @p2 $0x1  }
0x17: {  	s4 =	simm.s32 $0x1BF5;
	[smem:$0x3FB5] =	sst s0  }
0x18: {  	s0 =	sld [smem:$0x3F98];
	_ =	swait.ge [sflag:s4], $0x0  }
0x19: {  	s7 =	sld [smem:$0x3F99]  }
0x1a: {  	s8 =	sadd.s32 $0xFFFFE003, lr  }
0x1b: {  	s9 =	sadd.s32 $0xFFFFFEF7, lr;
	s5 =	simm.s32 $0xFFFFFFFF;
	p2 =	slt.u32 s8, $0xFFFFF086  }
0x1c: {  	p1 =	slt.u32 s9, $0xF7A;
	s5 =	simm.s32 @!p2 $0x0  }
0x1d: {  	s5 =	simm.s32 @p1 $0x1;
	p0 =	seq.s32 s7, s2  }
0x1e: {  	s7 =	smul.u32 @!p0 $0xF7A, s2;
	p2 =	seq.s32 @!p0 s5, $0x0  }
0x1f: {  	s9 =	smul.u32 $0xF7A, s1;
	s8 =	simm.s32 @!p0 $0x1BF5;
	p2 =	por !p2, p0  }
0x20: {  	[sflag:s8] =	ssyncset.s32 @!p0 $0xFFFFF086;
	s6 =	sadd.s32 @!p0 s3, s7;
	s7 =	simm.s32 @!p0 $0x108  }
0x21: {  	s3 =	sadd.s32 s3, s9;
	s6 =	sadd.s32 @!p0 $0x88, s6;
	s7 =	simm.s32 @p2 $0x1082  }
0x22: {  	[simem:s7], [sflag:s8] =	dma.local @!p0 [hbm:s6], $0xF7A  }
0x23: {  	s9 =	sor.u32 $0xD0000000, s2;
	s6 =	simm.s32 $0x108;
	_ =	swait.ge @!p0 [sflag:s8], $0x0  }
0x24: {  	s3 =	sadd.s32 $0x88, s3;
	s6 =	simm.s32 @!p1 $0x1082;
	[sflag:s4] =	ssyncset.s32 $0xFFFFF086  }
0x25: {  	[simem:s6], [sflag:s4] =	dma.local [hbm:s3], $0xF7A  }
0x26: {  	[smem:$0x3F99] =	sst s1;
	(tag) =	ssettag s2;
	_ =	strace s9  }
0x27: {  	s1 =	sld [smem:$0x3FA9]  }
0x28: {  	s2 =	sld [smem:$0x3FAA]  }
0x29: {  	s4 =	sld [smem:$0x3FAC]  }
0x2a: {  	p0 =	seq.s32 s5, $0x0;
	s5 =	sld [smem:$0x3FAD]  }
0x2b: {  	s6 =	sld [smem:$0x3FAE]  }
0x2c: {  	s7 =	sld [smem:$0x3FAF]  }
0x2d: {  	s3 =	simm.s32 $0x108;
	s8 =	sld [smem:$0x3FB0]  }
0x2e: {  	s3 =	simm.s32 @!p0 $0x1082;
	s9 =	sld [smem:$0x3FB1]  }
0x2f: {  	lr =	sadd.s32 s0, s3;
	s0 =	sld [smem:$0x3FA8]  }
0x30: {  	s3 =	sld [smem:$0x3FAB]  }
0x31: {  	[smem:$0x3FB4] =	sst s10  }
0x32: {  	s10 =	sld [smem:$0x3FB2];
	_ =	sdelay $0x3  }
0x33: {  	p0 =	seq.s32 s10, $0x1;
	s10 =	sld [smem:$0x3FB4];
	_ =	sdelay $0x3  }
0x34: {  	[smem:$0x3FB4] =	sst s10  }
0x35: {  	s10 =	sld [smem:$0x3FB3];
	_ =	sdelay $0x3  }
0x36: {  	p1 =	seq.s32 s10, $0x1;
	s10 =	sld [smem:$0x3FB4];
	_ =	sdelay $0x3  }
0x37: {  	[smem:$0x3FB4] =	sst s10  }
0x38: {  	s10 =	sld [smem:$0x3FB5]  }
0x39: {  	_ = 	snop;
	(pc) =	sbr.ind lr, $3  }
0x3a: {  	_ = 	snop  }
0x3b: {  	_ = 	snop  }
0x3c: {  	p2 =	seq.s32 s10, $0x1;
	s10 =	sld [smem:$0x3FB4]  }
0x3d: {  	_ =	shalt  }
0x3e: {  	_ =	shalt  }
0x3f: {  	_ =	shalt  }
0x40: {  	_ =	shalt  }
0x41: {  	_ =	shalt  }
0x42: {  	_ =	shalt  }
0x43: {  	_ =	shalt  }
0x44: {  	_ =	shalt  }
0x45: {  	_ =	shalt  }
0x46: {  	_ =	shalt  }
0x47: {  	_ =	shalt  }
0x48: {  	_ =	shalt  }
0x49: {  	_ =	shalt  }
0x4a: {  	_ =	shalt  }
0x4b: {  	_ =	shalt  }
0x4c: {  	_ =	shalt  }
0x4d: {  	_ =	shalt  }
0x4e: {  	_ =	shalt  }
0x4f: {  	_ =	shalt  }
0x50: {  	_ =	shalt  }
0x51: {  	_ =	shalt  }
0x52: {  	_ =	shalt  }
0x53: {  	_ =	shalt  }
0x54: {  	_ =	shalt  }
0x55: {  	_ =	shalt  }
0x56: {  	_ =	shalt  }
0x57: {  	_ =	shalt  }
0x58: {  	_ =	shalt  }
0x59: {  	_ =	shalt  }
0x5a: {  	_ =	shalt  }
0x5b: {  	_ =	shalt  }
0x5c: {  	_ =	shalt  }
0x5d: {  	_ =	shalt  }
0x5e: {  	_ =	shalt  }
0x5f: {  	_ =	shalt  }
0x60: {  	_ =	shalt  }
0x61: {  	_ =	shalt  }
0x62: {  	_ =	shalt  }
0x63: {  	_ =	shalt  }
0x64: {  	_ =	shalt  }
0x65: {  	_ =	shalt  }
0x66: {  	_ =	shalt  }
0x67: {  	_ =	shalt  }
0x68: {  	_ =	shalt  }
0x69: {  	_ =	shalt  }
0x6a: {  	_ =	shalt  }
0x6b: {  	_ =	shalt  }
0x6c: {  	_ =	shalt  }
0x6d: {  	_ =	shalt  }
0x6e: {  	_ =	shalt  }
0x6f: {  	_ =	shalt  }
0x70: {  	_ =	shalt  }
0x71: {  	_ =	shalt  }
0x72: {  	_ =	shalt  }
0x73: {  	_ =	shalt  }
0x74: {  	_ =	shalt  }
0x75: {  	_ =	shalt  }
0x76: {  	_ =	shalt  }
0x77: {  	_ =	shalt  }
0x78: {  	_ =	shalt  }
0x79: {  	_ =	shalt  }
0x7a: {  	_ =	shalt  }
0x7b: {  	_ =	shalt  }
0x7c: {  	_ =	shalt  }
0x7d: {  	_ =	shalt  }
0x7e: {  	_ =	shalt  }
0x7f: {  	_ =	shalt  }
0x80: {  	_ =	shalt  }
0x81: {  	_ =	shalt  }
0x82: {  	_ =	shalt  }
0x83: {  	_ =	shalt  }
0x84: {  	_ =	shalt  }
0x85: {  	_ =	shalt  }
0x86: {  	_ =	shalt  }
0x87: {  	_ =	shalt  }
.Lfunc_end0:
.L_simem_size_0:
called_computation_lowered:
.L_overlay_start_0:
0x88: {  	s2 =	sld [smem:$0x3FD9]  }
0x89: {  	s3 =	sld [smem:$0x3FFE];
	_ =	sdelay $0x1  }
0x8a: {  	s1 =	srdreg.scid  }
0x8b: {  	s0 =	sand.u32 $0x1, s1  }
0x8c: {  	s16 =	sshll.u32 s0, $0xA;
	s2 =	sadd.s32 s3, s2  }
0x8d: {  	s2 =	sadd.s32 s2, s16  }
0x8e: {  	[smem:$0x3FC0] =	sst s2  }
0x8f: {  	_ = 	snop  }
0x90: {  	(tm) =	ssettm $0x1  }
0x91: {  	s17 =	sld [smem:$0x3FFB];
	_ =	sdelay $0x3  }
0x92: {  	_ =	strace s17  }
0x93: {  	s2 =	sld [smem:$0x3FFC];
	_ =	sdelay $0x3  }
0x94: {  	_ =	strace s2  }
0x95: {  	s2 =	sld [smem:$0x3FFD];
	_ =	sdelay $0x3  }
0x96: {  	_ =	strace s2  }
0x97: {  	_ =	strace $0x8FFFFFFF  }
0x98: {  	s18 =	sld [smem:$0x3FDB];
	_ =	sdelay $0x1  }
0x99: {  	s19 =	simm.s32 $_scs_section_size  }
0x9a: {  	s4 =	simm.s32 $_size__tile_overlayer_lowered;
	s5 =	simm.s32 $_tile_overlayer_lowered  }
0x9b: {  	s22 =	simm.s32 $0x1BFF;
	s21 =	sshll.u32 s5, $0x1;
	s2 =	sadd.s32 s19, s18  }
0x9c: {  	s6 =	simm.s32 $0x0;
	s20 =	sshll.u32 s4, $0x1;
	s4 =	sadd.s32 s21, s2  }
0x9d: {  	[timem:s6], [sflag:s22] =	dma.local [hbm:s4], s20  }
0x9e: {  	_ =	swait.ge [sflag:s22], s20  }
0x9f: {  	s3 =	ssub.s32 $0x0, s20;
	[sflag:s22] =	ssyncset.done $0x0  }
0xa0: {  	[sflag:s22] =	ssyncadd.s32 s3;
	_ =	sdelay $0x1  }
0xa1: {  	s23 =	simm.s32 $0x1B8B  }
0xa2: {  	_ =	swait.ge [sflag:s23], $0x1  }
0xa3: {  	[sflag:s23] =	ssyncset.done $0x0  }
0xa4: {  	s25 =	simm.s32 $0x1B8E;
	s24 =	sld [smem:$0x3FFE];
	[sflag:s23] =	ssyncadd.s32 $0xFFFFFFFF  }
0xa5: {  	s26 =	simm.s32 $execute0_lowered;
	[smem:$0x3FD2] =	sst s25  }
0xa6: {  	s4 =	sshll.u32 s26, $0x1;
	_ =	strace $0x80000046;
	[dreg:$0x1] =	wrdreg $0xFFFFFFFF  }
0xa7: {  	s28 =	simm.s32 $_size_execute0_lowered;
	s2 =	sadd.s32 s2, s4;
	[dreg:$0x0] =	wrdreg $0x0  }
0xa8: {  	s4 =	sshll.u32 s28, $0x1;
	[dreg:$0x2] =	wrdreg s2  }
0xa9: {  	[dreg:$0x3] =	wrdreg s4  }
0xaa: {  	[dreg:$0x4] =	wrdreg $0xC0  }
0xab: {  	_ =	task [dreg:s6], $0x5FFFF  }
0xac: {  	[dreg:$0x1] =	wrdreg $0xFFFFFFFF  }
0xad: {  	[dreg:$0x0] =	wrdreg $0x60  }
0xae: {  	[dreg:$0x2] =	wrdreg s24  }
0xaf: {  	[dreg:$0x3] =	wrdreg $0x4000  }
0xb0: {  	[dreg:$0x4] =	wrdreg $0x9  }
0xb1: {  	_ =	task.clear_ibuf [dreg:s6], $0x5FFFF;
	_ =	strace $0x90000046  }
0xb2: {  	s29 =	simm.s32 $0x9;
	_ =	strace $0x80000048  }
0xb3: {  	_ =	swait.ge [sflag:s29], $0x1  }
0xb4: {  	[sflag:s29] =	ssyncadd.s32 $0xFFFFFFFF  }
0xb5: {  	_ =	strace $0x90000048  }
0xb6: {  	_ =	sfence  }
0xb7: {  	s30 =	sld [smem:$0x0];
	_ =	sdelay $0x2  }
0xb8: {  	s31 =	sshll.u32 s1, $0xD;
	s1 =	sshrl.u32 s1, $0x2  }
0xb9: {  	s3 =	sand.u32 $0x4000, s31;
	s1 =	sadd.s32 s1, s30  }
0xba: {  	s0 =	sor.u32 s3, s0;
	s1 =	sshll.u32 s1, $0x11  }
0xbb: {  	s0 =	sor.u32 s1, s0  }
0xbc: {  	s0 =	sadd.s32 $0x8F2B, s0  }
0xbd: {  	[sflag:s0] =	ssyncadd.remote.s32 $0x1  }
0xbe: {  	_ =	sfence.sel $0xFFFF  }
0xbf: {  	[dreg:$0x0] =	wrdreg $0xFFFFFFFF;
	(pc) =	sbr.abs _section_cstart, $3  }
0xc0: {  	[dreg:$0x1] =	wrdreg $0xFFFFFFFF  }
0xc1: {  	_ =	task.clear_ibuf [dreg:s6], $0x2FFFF;
	_ =	strace $0x9FFFFFFF  }
0xc2: {  	(tm) =	ssettm $0x7FFFFFFF  }
0xc3: {  	_ =	shalt  }
tec
execute0_lowered:
.L_overlay_start_1:
0x0: {  	(tag) =	ssettag $0x1  }
0x1: {  	s4 =	rddreg [dreg:$0x0]  }
0x2: {  	s2 =	rddreg [dreg:$0x1]  }
0x3: {  	s0 =	rddreg [dreg:$0x2]  }
0x4: {  	s5 =	srdreg.scid;
	s1 =	stileid.u32  }
0x5: {  	s3 =	simm.s32 $0x0;
	s13 =	simm.s32 $0x80;
	s14 =	simm.s32 $0x1  }
0x6: {  	s15 =	simm.s32 $0x100;
	s16 =	simm.s32 $0x2;
	s19 =	simm.s32 $0x20  }
0x7: {  	s20 =	simm.s32 $0x10;
	s21 =	simm.s32 $0x0;
	s7 =	smul.u32 $0x500, s1  }
0x8: {  	s5 =	sand.u32 $0x1, s5;
	s6 =	sshll.u32 s1, $0x1;
	s25 =	smul.u32 $0xA00, s1  }
0x9: {  	[smem:$0x7FF] =	sst s3;
	s10 =	sadd.s32 $0x2200, s4;
	s11 =	smul.u32 $0x5000, s1  }
0xa: {  	s17 =	sshll.u32 s1, $0x6;
	s6 =	sor.u32 s5, s6;
	_ =	strace $0x80000047  }
0xb: {  	s8 =	sshll.u32 s5, $0x7;
	s9 =	ssub.s32 $0x2, s5;
	s12 =	smul.u32 $0x2800, s5  }
0xc: {  	s17 =	sor.u32 $0x1C03, s17;
	s6 =	smul.u32 $0x2800, s6;
	s7 =	sor.u32 s8, s7  }
0xd: {  	s26 =	sshrl.u32 s9, $0x1;
	s28 =	sshrl.u32 s25, $0x2;
	s7 =	sshrl.u32 s7, $0x3  }
0xe: {  	s9 =	ssub.s32 s9, s26;
	s30 =	sadd.s32 s12, s11;
	s12 =	simm.s32 $0x3  }
0xf: {  	s7 =	sadd.s32 s7, s4;
	s29 =	sshrl.u32 s6, $0x3;
	s4 =	sadd.s32 s28, s2  }
0x10: {  	s11 =	sor.u32 $0x180, s30;
	s8 =	sor.u32 $0x100, s30;
	s5 =	sadd.s32 s10, s29  }
0x11: {  	s7 =	sadd.s32 $0xC200, s7;
	s11 =	sshrl.u32 s11, $0x3;
	s31 =	sshrl.u32 s8, $0x3  }
0x12: {  	s8 =	smax.u32 s9, $0x1;
	s18 =	sshrl.u32 s4, $0x3;
	s6 =	sadd.s32 $0x10, s5  }
0x13: {  	v0 =	vimm.f32 $1.000000000e+00;
	v1 =	vimm.f32 $0.0e+00;
	s9 =	sadd.s32 s11, s10;
	s10 =	sadd.s32 s31, s10;
	s11 =	simm.s32 $0x180  }
.LBB2_1:
0x14: {  	[tilespmem:$0x100] =	vst v0  }
0x15: {  	[tilespmem:$0x110] =	vst v0  }
0x16: {  	[tilespmem:$0x120] =	vst v0  }
0x17: {  	[tilespmem:$0x130] =	vst v0  }
0x18: {  	[tilespmem:$0x140] =	vst v0  }
0x19: {  	[tilespmem:$0x150] =	vst v0  }
0x1a: {  	[tilespmem:$0x160] =	vst v0  }
0x1b: {  	[tilespmem:$0x170] =	vst v0  }
0x1c: {  	[tilespmem:$0x180] =	vst v1  }
0x1d: {  	[tilespmem:$0x190] =	vst v1  }
0x1e: {  	[tilespmem:$0x1A0] =	vst v1  }
0x1f: {  	[tilespmem:$0x1B0] =	vst v1  }
0x20: {  	[tilespmem:$0x1C0] =	vst v1  }
0x21: {  	[tilespmem:$0x1D0] =	vst v1  }
0x22: {  	[tilespmem:$0x1E0] =	vst v1  }
0x23: {  	[tilespmem:$0x1F0] =	vst v1  }
0x24: {  	[tilespmem:$0x200] =	vst v1  }
0x25: {  	[tilespmem:$0x210] =	vst v1  }
0x26: {  	[tilespmem:$0x220] =	vst v1  }
0x27: {  	[tilespmem:$0x230] =	vst v1  }
0x28: {  	[tilespmem:$0x240] =	vst v1  }
0x29: {  	[tilespmem:$0x250] =	vst v1  }
0x2a: {  	[tilespmem:$0x260] =	vst v1  }
0x2b: {  	[tilespmem:$0x270] =	vst v1  }
0x2c: {  	[tilespmem:$0x280] =	vst v1  }
0x2d: {  	[tilespmem:$0x290] =	vst v1  }
0x2e: {  	[tilespmem:$0x2A0] =	vst v1  }
0x2f: {  	[tilespmem:$0x2B0] =	vst v1  }
0x30: {  	[tilespmem:$0x2C0] =	vst v1  }
0x31: {  	[tilespmem:$0x2D0] =	vst v1  }
0x32: {  	[tilespmem:$0x2E0] =	vst v1  }
0x33: {  	[tilespmem:$0x2F0] =	vst v1  }
0x34: {  	[tilespmem:$0x300] =	vst v1  }
0x35: {  	[tilespmem:$0x310] =	vst v1  }
0x36: {  	[tilespmem:$0x320] =	vst v1  }
0x37: {  	[tilespmem:$0x330] =	vst v1  }
0x38: {  	[tilespmem:$0x340] =	vst v1  }
0x39: {  	[tilespmem:$0x350] =	vst v1  }
0x3a: {  	[tilespmem:$0x360] =	vst v1  }
0x3b: {  	[tilespmem:$0x370] =	vst v1  }
0x3c: {  	[tilespmem:$0x380] =	vst v1  }
0x3d: {  	[tilespmem:$0x390] =	vst v1  }
0x3e: {  	[tilespmem:$0x3A0] =	vst v1  }
0x3f: {  	[tilespmem:$0x3B0] =	vst v1  }
0x40: {  	[tilespmem:$0x3C0] =	vst v1  }
0x41: {  	[tilespmem:$0x3D0] =	vst v1  }
0x42: {  	[tilespmem:$0x3E0] =	vst v1  }
0x43: {  	[tilespmem:$0x3F0] =	vst v1  }
0x44: {  	[spmem:s4] =	stream.linear.scatter [tilespmem:s11], [sflag:$0x3], $0x280, $0x38;
	[tilespmem:$0x680] =	vst v63  }
0x45: {  	_ =	swait.ge [sflag:s12], $0x280  }
0x46: {  	[sflag:s12] =	ssyncset.done $0x0  }
0x47: {  	[sflag:s12] =	ssyncadd.s32 $0xFFFFFD80  }
0x48: {  	[bflag:$0x0] =	sbarrier.arrive $0xFFFF  }
0x49: {  	[tilespmem:s3], [sflag:$0x1] =	stream.linear.gather [hbm4b:s5+s3], $0x80, $0x38;
	[tilespmem:$0x680] =	vst v63  }
0x4a: {  	_ = 	snop  }
0x4b: {  	[tilespmem:s13], [sflag:$0x2] =	stream.linear.gather [hbm4b:s6+s3], $0x80, $0x38;
	[tilespmem:$0x680] =	vst v63  }
0x4c: {  	_ =	swait.ge [sflag:s14], $0x80  }
0x4d: {  	[sflag:s14] =	ssyncset.done $0x0  }
0x4e: {  	[sflag:s14] =	ssyncadd.s32 $0xFFFFFF80  }
0x4f: {  	[spmem:s2] =	stream.indirect.scatter.add.f32 [tilespmem:s15], [sflag:$0x3], $0x1, s3, s13, $0xb8;
	[tilespmem:$0x680] =	vst v63  }
0x50: {  	_ =	swait.ge [sflag:s12], $0x80  }
0x51: {  	[sflag:s12] =	ssyncset.done $0x0  }
0x52: {  	s22 =	sadd.s32 $0x0, s10;
	[sflag:s12] =	ssyncadd.s32 $0xFFFFFF80  }
0x53: {  	[tilespmem:s3], [sflag:$0x1] =	stream.linear.gather [hbm4b:s22+s3], $0x80, $0x38;
	[tilespmem:$0x680] =	vst v63  }
0x54: {  	_ =	swait.ge [sflag:s16], $0x80  }
0x55: {  	[sflag:s16] =	ssyncset.done $0x0  }
0x56: {  	[sflag:s16] =	ssyncadd.s32 $0xFFFFFF80  }
0x57: {  	[spmem:s2] =	stream.indirect.scatter.add.f32 [tilespmem:s15], [sflag:$0x3], $0x1, s13, s13, $0xb8;
	[tilespmem:$0x680] =	vst v63  }
0x58: {  	_ =	swait.ge [sflag:s12], $0x80  }
0x59: {  	[sflag:s12] =	ssyncset.done $0x0  }
0x5a: {  	s23 =	sadd.s32 $0x0, s9;
	s22 =	simm.s32 $0x20;
	[sflag:s12] =	ssyncadd.s32 $0xFFFFFF80  }
.LBB2_2:
0x5b: {  	[tilespmem:s13], [sflag:$0x2] =	stream.linear.gather [hbm4b:s23+s3], $0x80, $0x38;
	[tilespmem:$0x680] =	vst v63  }
0x5c: {  	s23 =	smov.u32 s22  }
0x5d: {  	p0 =	sne.s32 s22, $0x4C0;
	s22 =	sadd.s32 $0x20, s22;
	_ =	swait.ge [sflag:s14], $0x80  }
0x5e: {  	[sflag:s14] =	ssyncset.done $0x0  }
0x5f: {  	[sflag:s14] =	ssyncadd.s32 $0xFFFFFF80  }
0x60: {  	[spmem:s2] =	stream.indirect.scatter.add.f32 [tilespmem:s15], [sflag:$0x3], $0x1, s3, s13, $0xb8;
	[tilespmem:$0x680] =	vst v63  }
0x61: {  	_ =	swait.ge [sflag:s12], $0x80  }
0x62: {  	[sflag:s12] =	ssyncset.done $0x0  }
0x63: {  	s24 =	sadd.s32 s23, s10;
	[sflag:s12] =	ssyncadd.s32 $0xFFFFFF80  }
0x64: {  	[tilespmem:s3], [sflag:$0x1] =	stream.linear.gather [hbm4b:s24+s3], $0x80, $0x38;
	[tilespmem:$0x680] =	vst v63  }
0x65: {  	_ =	swait.ge [sflag:s16], $0x80  }
0x66: {  	[sflag:s16] =	ssyncset.done $0x0  }
.Ltmp0:
0x67: {  	[sflag:s16] =	ssyncadd.s32 $0xFFFFFF80;
	(pc) =	sbr.rel @p0 .LBB2_2-.Ltmp0, $4  }
0x68: {  	[spmem:s2] =	stream.indirect.scatter.add.f32 [tilespmem:s15], [sflag:$0x3], $0x1, s13, s13, $0xb8;
	[tilespmem:$0x680] =	vst v63  }
0x69: {  	_ =	swait.ge [sflag:s12], $0x80  }
0x6a: {  	[sflag:s12] =	ssyncset.done $0x0  }
0x6b: {  	s23 =	sadd.s32 s23, s9;
	[sflag:s12] =	ssyncadd.s32 $0xFFFFFF80  }
0x6c: {  	[tilespmem:s13], [sflag:$0x2] =	stream.linear.gather [hbm4b:s23+s3], $0x80, $0x38;
	[tilespmem:$0x680] =	vst v63  }
0x6d: {  	_ =	swait.ge [sflag:s14], $0x80  }
0x6e: {  	[sflag:s14] =	ssyncset.done $0x0  }
0x6f: {  	[sflag:s14] =	ssyncadd.s32 $0xFFFFFF80  }
0x70: {  	[spmem:s2] =	stream.indirect.scatter.add.f32 [tilespmem:s15], [sflag:$0x3], $0x1, s3, s13, $0xb8;
	[tilespmem:$0x680] =	vst v63  }
0x71: {  	_ =	swait.ge [sflag:s12], $0x80  }
0x72: {  	[sflag:s12] =	ssyncset.done $0x0  }
0x73: {  	[sflag:s12] =	ssyncadd.s32 $0xFFFFFF80  }
0x74: {  	_ =	swait.ge [sflag:s16], $0x80  }
0x75: {  	[sflag:s16] =	ssyncset.done $0x0  }
0x76: {  	[sflag:s16] =	ssyncadd.s32 $0xFFFFFF80  }
0x77: {  	[spmem:s2] =	stream.indirect.scatter.add.f32 [tilespmem:s15], [sflag:$0x3], $0x1, s13, s13, $0xb8;
	[tilespmem:$0x680] =	vst v63  }
0x78: {  	_ =	swait.ge [sflag:s12], $0x80  }
0x79: {  	s21 =	sadd.s32 $0x1, s21;
	[sflag:s12] =	ssyncset.done $0x0  }
0x7a: {  	p0 =	sne.s32 s21, s8;
	[sflag:s12] =	ssyncadd.s32 $0xFFFFFF80  }
.Ltmp1:
0x7b: {  	[bflag:$0x0] =	sbarrier.arrive $0xFFFF;
	(pc) =	sbr.rel @p0 .LBB2_1-.Ltmp1, $4  }
0x7c: {  	[hbm:s7@s19], [sflag:s17] =	dma.strided [spmem:s18@s20], $0x50, s14, $0x10   }
0x7d: {  	_ =	swait.ge [sflag:s12], $0x50  }
0x7e: {  	[sflag:s12] =	ssyncset.done $0x0  }
0x7f: {  	[sflag:s12] =	ssyncadd.s32 $0xFFFFFFB0  }
0x80: {  	_ =	sfence.sel $0x180000  }
0x81: {  	[bflag:$0x0] =	sbarrier.arrive $0xFFFF  }
0x82: {  	p0 =	sne.s32 s1, $0x0;
	_ =	strace $0x90000047  }
0x83: {  	s0 =	sadd.s32 @!p0 $0x100000, s0;
	[bflag:$0x2] =	sbarrier.arrive $0xFFFF  }
0x84: {  	[sflag:s0] =	ssyncadd.tile.s32 @!p0 $0x1;
	_ =	shalt  }
.Lfunc_end2:
_tile_overlayer_lowered:
.L_overlay_start_2:
0x85: {  	(tag) =	ssettag $0x2  }
0x86: {  	s0 =	rddreg [dreg:$0x0];
	s2 =	stileid.u32  }
0x87: {  	s1 =	rddreg [dreg:$0x1];
	p0 =	sne.s32 s2, $0x0  }
0x88: {  	s3 =	rddreg [dreg:$0x2];
	[bflag:$0x3] =	sbarrier.arrive $0xFFFF;
	s2 =	simm.s32 @!p0 $0x1C03  }
0x89: {  	[timem:s3], [sflag:s2] =	dma.local @!p0 [hbm:s0], s1  }
0x8a: {  	s0 =	simm.s32 @!p0 $0x3  }
0x8b: {  	_ =	swait.ge @!p0 [sflag:s0], s1  }
0x8c: {  	s1 =	ssub.s32 @!p0 $0x0, s1;
	[sflag:s0] =	ssyncset.done @!p0 $0x0  }
0x8d: {  	[sflag:s0] =	ssyncadd.s32 @!p0 s1  }
0x8e: {  	[bflag:$0x3] =	sbarrier.arrive $0xFFFF  }
0x8f: {  	_ =	shalt  }

</sc_bundles>
